<compile_context>
chip_gen: v7x
topology: tpu7x:2x2x1
jax: 0.10.2.dev20260603
libtpu: 0.0.44.dev20260713+nightly
codegen_flags: <defaults>
</compile_context>

<pallas_src>
import functools

import jax
import jax.numpy as jnp
from jax import lax
from jax.experimental import pallas as pl
from jax.experimental.pallas import tpu as pltpu
from jax.experimental.pallas import tpu_sc as plsc

B = 1024
F = 26
V = 2600
NP = 8
CB = B // NP
CH = 104
NCH = V // CH
NJ = 7


def _encode_body(inp_hbm, out_hbm, idx_v, slab_a, slab_b, sem_a, sem_b,
                 sem_in):
    wid = lax.axis_index("s") * 2 + lax.axis_index("c")
    p = lax.rem(wid, NP)
    q0 = wid // NP
    bcol = p * CB

    in_cp = pltpu.async_copy(inp_hbm.at[:, pl.ds(bcol, CB)], idx_v, sem_in)

    zeros = jnp.zeros((16,), jnp.int32)
    ones = jnp.ones((16,), jnp.int32)
    zvec = jnp.zeros((16,), jnp.int32)
    cols = [lax.iota(jnp.int32, 16) + 16 * j for j in range(CB // 16)]

    def memset_slab(slab):
        def zbody(i, c):
            for r in range(4):
                for j in range(CB // 16):
                    slab[i * 4 + r, pl.ds(16 * j, 16)] = zeros
            return c

        lax.fori_loop(0, CH // 4, zbody, 0)

    memset_slab(slab_a)
    in_cp.wait()

    def scatter(slab, c, val):
        c4 = zvec + 4 * c
        for j in range(CB // 16):
            x = idx_v[c, pl.ds(16 * j, 16)]
            plsc.store_scatter(slab, [x - c4, cols[j]], val, mask=x >= c4)
            y = idx_v[c + 1, pl.ds(16 * j, 16)]
            plsc.store_scatter(slab, [y + (100 - c4), cols[j]], val,
                               mask=y < c4 + 4)

    handles = [None] * NJ

    def chunk_of(jj):
        return lax.rem(q0 + 4 * jj, NCH)

    def fire(slab, sem, jj):
        c = chunk_of(jj)
        scatter(slab, c, ones)
        handles[jj] = pltpu.async_copy(
            slab, out_hbm.at[pl.ds(c * CH, CH), pl.ds(bcol, CB)], sem)

    fire(slab_a, sem_a, 0)
    memset_slab(slab_b)
    fire(slab_b, sem_b, 1)
    for jj in range(2, NJ):
        slab, sem = (slab_a, sem_a) if jj % 2 == 0 else (slab_b, sem_b)
        handles[jj - 2].wait()
        scatter(slab, chunk_of(jj - 2), zeros)
        fire(slab, sem, jj)
    handles[NJ - 2].wait()
    handles[NJ - 1].wait()


_encode = functools.partial(
    pl.kernel,
    out_type=jax.ShapeDtypeStruct((V, B), jnp.int32),
    mesh=plsc.VectorSubcoreMesh(core_axis_name="c", subcore_axis_name="s"),
    compiler_params=pltpu.CompilerParams(
        needs_layout_passes=False, skip_device_barrier=True),
    scratch_types=[
        pltpu.VMEM((F, CB), jnp.int32),
        pltpu.VMEM((CH, CB), jnp.int32),
        pltpu.VMEM((CH, CB), jnp.int32),
        pltpu.SemaphoreType.DMA,
        pltpu.SemaphoreType.DMA,
        pltpu.SemaphoreType.DMA,
    ],
)(_encode_body)


def kernel(inputs, oh_indices):
    del oh_indices
    return _encode(inputs.T).T

# --- scband reference (transcript-rebuilt; emitter-appended) ---
"""Pipeline reference for scband-encoding-layer-32538672234586 (READ-ONLY COPY).

The authoritative reference and input builder live on the scoring server;
editing this copy changes nothing except your own understanding.
"""

import jax, jax.numpy as jnp
import numpy as np

ONE_HOT_SIZE = 2600


def setup_inputs(seed: int = 0) -> dict:
    key = jax.random.key(seed)
    inputs = jax.random.randint(key, (1024, 26), 0, 100, dtype=jnp.int32)
    oh_indices = (jnp.arange(26, dtype=jnp.int32) * 100)
    return {"inputs": inputs, "oh_indices": oh_indices}


def reference(inputs, oh_indices):
    # inputs: [B, F] int; oh_indices: [F] per-field offsets (constructor constant)
    x = inputs + oh_indices  # broadcast add of field offsets
    x = x.astype(jnp.int32)
    oh = jax.nn.one_hot(x, ONE_HOT_SIZE, dtype=jnp.int32)  # [B, F, one_hot_size]
    return jnp.max(oh, axis=1)  # multi-hot over fields: [B, one_hot_size]

if __name__ == "__main__":
    import jax
    _d = setup_inputs()
    print(jax.jit(kernel)(*tuple(_d.values())))

</pallas_src>

<mosaic_0001>
#map = affine_map<(d0, d1) -> (0, 0)>
module attributes {stable_mosaic.version = 14 : i64} {
  func.func @_encode_body(%arg0: i32, %arg1: i32, %arg2: memref<26x1024xi32, #tpu.memory_space<hbm>>, %arg3: memref<2600x1024xi32, #tpu.memory_space<hbm>>, %arg4: memref<26x128xi32, #tpu.memory_space<vmem>>, %arg5: memref<104x128xi32, #tpu.memory_space<vmem>>, %arg6: memref<104x128xi32, #tpu.memory_space<vmem>>, %arg7: memref<!tpu.dma_semaphore, #tpu.memory_space<semaphore_mem>>, %arg8: memref<!tpu.dma_semaphore, #tpu.memory_space<semaphore_mem>>, %arg9: memref<!tpu.dma_semaphore, #tpu.memory_space<semaphore_mem>>) attributes {dimension_semantics = [#tpu.dimension_semantics<core_parallel>, #tpu.dimension_semantics<subcore_parallel>], iteration_bounds = array<i64: 2, 16>, scalar_prefetch = 0 : i64, scratch_operands = 6 : i64, tpu.core_type = #tpu.core_type<sc_vector_subcore>, window_params = [{transform_indices = #map}, {transform_indices = #map}]} {
    %mul3A = arith.constant 2 : i32
    %mul3A_0 = arith.muli %arg1, %mul3A : i32
    %add3A = arith.addi %mul3A_0, %arg0 : i32
    %rem3A = arith.constant 8 : i32
    %rem3A_1 = arith.remsi %add3A, %rem3A : i32
    %jit3A = arith.constant 8 : i32
    %div3A = arith.divsi %add3A, %jit3A : i32
    %sign3A = arith.constant 0 : i32
    %sign3A_2 = arith.cmpi sgt, %add3A, %sign3A : i32
    %sign3A_3 = arith.extui %sign3A_2 : i1 to i32
    %sign3A_4 = arith.constant 0 : i32
    %sign3A_5 = arith.cmpi slt, %add3A, %sign3A_4 : i32
    %sign3A_6 = arith.extui %sign3A_5 : i1 to i32
    %sign3A_7 = arith.subi %sign3A_3, %sign3A_6 : i32
    %sign3A_8 = arith.constant 0 : i32
    %sign3A_9 = arith.cmpi sgt, %jit3A, %sign3A_8 : i32
    %sign3A_10 = arith.extui %sign3A_9 : i1 to i32
    %sign3A_11 = arith.constant 0 : i32
    %sign3A_12 = arith.cmpi slt, %jit3A, %sign3A_11 : i32
    %sign3A_13 = arith.extui %sign3A_12 : i1 to i32
    %sign3A_14 = arith.subi %sign3A_10, %sign3A_13 : i32
    %ne3A = arith.cmpi ne, %sign3A_7, %sign3A_14 : i32
    %rem3A_15 = arith.remsi %add3A, %jit3A : i32
    %ne3A_16 = arith.constant 0 : i32
    %ne3A_17 = arith.cmpi ne, %rem3A_15, %ne3A_16 : i32
    %and3A = arith.andi %ne3A, %ne3A_17 : i1
    %sub3A = arith.constant 1 : i32
    %sub3A_18 = arith.subi %div3A, %sub3A : i32
    %select_n3A = arith.select %and3A, %sub3A_18, %div3A : i32
    %mul3A_19 = arith.constant 128 : i32
    %mul3A_20 = arith.muli %rem3A_1, %mul3A_19 : i32
    %dma_start3A = arith.constant 0 : i32
    %dma_start3A_21 = tpu.memref_slice %arg2[%dma_start3A, %mul3A_20] : memref<26x1024xi32, #tpu.memory_space<hbm>> -> memref<26x128xi32, #tpu.memory_space<hbm>>
    %dma_start3A_22 = arith.constant 0 : i32
    %dma_start3A_23 = tpu.memref_slice %arg2[%dma_start3A_22, %mul3A_20] : memref<26x1024xi32, #tpu.memory_space<hbm>> -> memref<26x128xi32, #tpu.memory_space<hbm>>
    tpu.enqueue_dma source(%dma_start3A_23 : memref<26x128xi32, #tpu.memory_space<hbm>>) target(%arg4 : memref<26x128xi32, #tpu.memory_space<vmem>>) target_semaphore(%arg9 : memref<!tpu.dma_semaphore, #tpu.memory_space<semaphore_mem>>)
    %broadcast_in_dim3A = arith.constant 0 : i32
    %broadcast_in_dim3A_24 = vector.broadcast %broadcast_in_dim3A : i32 to vector<16xi32>
    %broadcast_in_dim3A_25 = arith.constant 1 : i32
    %broadcast_in_dim3A_26 = vector.broadcast %broadcast_in_dim3A_25 : i32 to vector<16xi32>
    %broadcast_in_dim3A_27 = arith.constant 0 : i32
    %broadcast_in_dim3A_28 = vector.broadcast %broadcast_in_dim3A_27 : i32 to vector<16xi32>
    %iota3A = tpu.iota {dimensions = array<i32: 0>} : vector<16xi32>
    %add3A_29 = arith.constant 0 : i32
    %add3A_30 = vector.broadcast %add3A_29 : i32 to vector<16xi32>
    %add3A_31 = arith.addi %iota3A, %add3A_30 : vector<16xi32>
    %iota3A_32 = tpu.iota {dimensions = array<i32: 0>} : vector<16xi32>
    %add3A_33 = arith.constant 16 : i32
    %add3A_34 = vector.broadcast %add3A_33 : i32 to vector<16xi32>
    %add3A_35 = arith.addi %iota3A_32, %add3A_34 : vector<16xi32>
    %iota3A_36 = tpu.iota {dimensions = array<i32: 0>} : vector<16xi32>
    %add3A_37 = arith.constant 32 : i32
    %add3A_38 = vector.broadcast %add3A_37 : i32 to vector<16xi32>
    %add3A_39 = arith.addi %iota3A_36, %add3A_38 : vector<16xi32>
    %iota3A_40 = tpu.iota {dimensions = array<i32: 0>} : vector<16xi32>
    %add3A_41 = arith.constant 48 : i32
    %add3A_42 = vector.broadcast %add3A_41 : i32 to vector<16xi32>
    %add3A_43 = arith.addi %iota3A_40, %add3A_42 : vector<16xi32>
    %iota3A_44 = tpu.iota {dimensions = array<i32: 0>} : vector<16xi32>
    %add3A_45 = arith.constant 64 : i32
    %add3A_46 = vector.broadcast %add3A_45 : i32 to vector<16xi32>
    %add3A_47 = arith.addi %iota3A_44, %add3A_46 : vector<16xi32>
    %iota3A_48 = tpu.iota {dimensions = array<i32: 0>} : vector<16xi32>
    %add3A_49 = arith.constant 80 : i32
    %add3A_50 = vector.broadcast %add3A_49 : i32 to vector<16xi32>
    %add3A_51 = arith.addi %iota3A_48, %add3A_50 : vector<16xi32>
    %iota3A_52 = tpu.iota {dimensions = array<i32: 0>} : vector<16xi32>
    %add3A_53 = arith.constant 96 : i32
    %add3A_54 = vector.broadcast %add3A_53 : i32 to vector<16xi32>
    %add3A_55 = arith.addi %iota3A_52, %add3A_54 : vector<16xi32>
    %iota3A_56 = tpu.iota {dimensions = array<i32: 0>} : vector<16xi32>
    %add3A_57 = arith.constant 112 : i32
    %add3A_58 = vector.broadcast %add3A_57 : i32 to vector<16xi32>
    %add3A_59 = arith.addi %iota3A_56, %add3A_58 : vector<16xi32>
    %scan3A = arith.constant 0 : i32
    %scan3A_60 = arith.constant 0 : i32
    %scan3A_61 = arith.constant 26 : i32
    %scan3A_62 = arith.addi %scan3A_60, %scan3A_61 : i32
    %scan3A_63 = arith.constant 1 : i32
    scf.for %scan3A_1937 = %scan3A_60 to %scan3A_62 step %scan3A_63  : i32 {
      %mul3A_1938 = arith.constant 4 : i32
      %mul3A_1939 = arith.muli %scan3A_1937, %mul3A_1938 : i32
      %add3A_1940 = arith.constant 0 : i32
      %add3A_1941 = arith.addi %mul3A_1939, %add3A_1940 : i32
      %swap3A = arith.index_cast %add3A_1941 : i32 to index
      %swap3A_1942 = arith.constant 0 : index
      %swap3A_1943 = tpu.vector_load %arg5[%swap3A, %swap3A_1942] {strides = array<i32>} : memref<104x128xi32, #tpu.memory_space<vmem>>, vector<16xi32>,
      tpu.vector_store %arg5[%swap3A, %swap3A_1942], %broadcast_in_dim3A_24 {strides = array<i32>} : memref<104x128xi32, #tpu.memory_space<vmem>>, vector<16xi32>,
      %mul3A_1944 = arith.constant 4 : i32
      %mul3A_1945 = arith.muli %scan3A_1937, %mul3A_1944 : i32
      %add3A_1946 = arith.constant 0 : i32
      %add3A_1947 = arith.addi %mul3A_1945, %add3A_1946 : i32
      %swap3A_1948 = arith.index_cast %add3A_1947 : i32 to index
      %swap3A_1949 = arith.constant 16 : index
      %swap3A_1950 = tpu.vector_load %arg5[%swap3A_1948, %swap3A_1949] {strides = array<i32>} : memref<104x128xi32, #tpu.memory_space<vmem>>, vector<16xi32>,
      tpu.vector_store %arg5[%swap3A_1948, %swap3A_1949], %broadcast_in_dim3A_24 {strides = array<i32>} : memref<104x128xi32, #tpu.memory_space<vmem>>, vector<16xi32>,
      %mul3A_1951 = arith.constant 4 : i32
      %mul3A_1952 = arith.muli %scan3A_1937, %mul3A_1951 : i32
      %add3A_1953 = arith.constant 0 : i32
      %add3A_1954 = arith.addi %mul3A_1952, %add3A_1953 : i32
      %swap3A_1955 = arith.index_cast %add3A_1954 : i32 to index
      %swap3A_1956 = arith.constant 32 : index
      %swap3A_1957 = tpu.vector_load %arg5[%swap3A_1955, %swap3A_1956] {strides = array<i32>} : memref<104x128xi32, #tpu.memory_space<vmem>>, vector<16xi32>,
      tpu.vector_store %arg5[%swap3A_1955, %swap3A_1956], %broadcast_in_dim3A_24 {strides = array<i32>} : memref<104x128xi32, #tpu.memory_space<vmem>>, vector<16xi32>,
      %mul3A_1958 = arith.constant 4 : i32
      %mul3A_1959 = arith.muli %scan3A_1937, %mul3A_1958 : i32
      %add3A_1960 = arith.constant 0 : i32
      %add3A_1961 = arith.addi %mul3A_1959, %add3A_1960 : i32
      %swap3A_1962 = arith.index_cast %add3A_1961 : i32 to index
      %swap3A_1963 = arith.constant 48 : index
      %swap3A_1964 = tpu.vector_load %arg5[%swap3A_1962, %swap3A_1963] {strides = array<i32>} : memref<104x128xi32, #tpu.memory_space<vmem>>, vector<16xi32>,
      tpu.vector_store %arg5[%swap3A_1962, %swap3A_1963], %broadcast_in_dim3A_24 {strides = array<i32>} : memref<104x128xi32, #tpu.memory_space<vmem>>, vector<16xi32>,
      %mul3A_1965 = arith.constant 4 : i32
      %mul3A_1966 = arith.muli %scan3A_1937, %mul3A_1965 : i32
      %add3A_1967 = arith.constant 0 : i32
      %add3A_1968 = arith.addi %mul3A_1966, %add3A_1967 : i32
      %swap3A_1969 = arith.index_cast %add3A_1968 : i32 to index
      %swap3A_1970 = arith.constant 64 : index
      %swap3A_1971 = tpu.vector_load %arg5[%swap3A_1969, %swap3A_1970] {strides = array<i32>} : memref<104x128xi32, #tpu.memory_space<vmem>>, vector<16xi32>,
      tpu.vector_store %arg5[%swap3A_1969, %swap3A_1970], %broadcast_in_dim3A_24 {strides = array<i32>} : memref<104x128xi32, #tpu.memory_space<vmem>>, vector<16xi32>,
      %mul3A_1972 = arith.constant 4 : i32
      %mul3A_1973 = arith.muli %scan3A_1937, %mul3A_1972 : i32
      %add3A_1974 = arith.constant 0 : i32
      %add3A_1975 = arith.addi %mul3A_1973, %add3A_1974 : i32
      %swap3A_1976 = arith.index_cast %add3A_1975 : i32 to index
      %swap3A_1977 = arith.constant 80 : index
      %swap3A_1978 = tpu.vector_load %arg5[%swap3A_1976, %swap3A_1977] {strides = array<i32>} : memref<104x128xi32, #tpu.memory_space<vmem>>, vector<16xi32>,
      tpu.vector_store %arg5[%swap3A_1976, %swap3A_1977], %broadcast_in_dim3A_24 {strides = array<i32>} : memref<104x128xi32, #tpu.memory_space<vmem>>, vector<16xi32>,
      %mul3A_1979 = arith.constant 4 : i32
      %mul3A_1980 = arith.muli %scan3A_1937, %mul3A_1979 : i32
      %add3A_1981 = arith.constant 0 : i32
      %add3A_1982 = arith.addi %mul3A_1980, %add3A_1981 : i32
      %swap3A_1983 = arith.index_cast %add3A_1982 : i32 to index
      %swap3A_1984 = arith.constant 96 : index
      %swap3A_1985 = tpu.vector_load %arg5[%swap3A_1983, %swap3A_1984] {strides = array<i32>} : memref<104x128xi32, #tpu.memory_space<vmem>>, vector<16xi32>,
      tpu.vector_store %arg5[%swap3A_1983, %swap3A_1984], %broadcast_in_dim3A_24 {strides = array<i32>} : memref<104x128xi32, #tpu.memory_space<vmem>>, vector<16xi32>,
      %mul3A_1986 = arith.constant 4 : i32
      %mul3A_1987 = arith.muli %scan3A_1937, %mul3A_1986 : i32
      %add3A_1988 = arith.constant 0 : i32
      %add3A_1989 = arith.addi %mul3A_1987, %add3A_1988 : i32
      %swap3A_1990 = arith.index_cast %add3A_1989 : i32 to index
      %swap3A_1991 = arith.constant 112 : index
      %swap3A_1992 = tpu.vector_load %arg5[%swap3A_1990, %swap3A_1991] {strides = array<i32>} : memref<104x128xi32, #tpu.memory_space<vmem>>, vector<16xi32>,
      tpu.vector_store %arg5[%swap3A_1990, %swap3A_1991], %broadcast_in_dim3A_24 {strides = array<i32>} : memref<104x128xi32, #tpu.memory_space<vmem>>, vector<16xi32>,
      %mul3A_1993 = arith.constant 4 : i32
      %mul3A_1994 = arith.muli %scan3A_1937, %mul3A_1993 : i32
      %add3A_1995 = arith.constant 1 : i32
      %add3A_1996 = arith.addi %mul3A_1994, %add3A_1995 : i32
      %swap3A_1997 = arith.index_cast %add3A_1996 : i32 to index
      %swap3A_1998 = arith.constant 0 : index
      %swap3A_1999 = tpu.vector_load %arg5[%swap3A_1997, %swap3A_1998] {strides = array<i32>} : memref<104x128xi32, #tpu.memory_space<vmem>>, vector<16xi32>,
      tpu.vector_store %arg5[%swap3A_1997, %swap3A_1998], %broadcast_in_dim3A_24 {strides = array<i32>} : memref<104x128xi32, #tpu.memory_space<vmem>>, vector<16xi32>,
      %mul3A_2000 = arith.constant 4 : i32
      %mul3A_2001 = arith.muli %scan3A_1937, %mul3A_2000 : i32
      %add3A_2002 = arith.constant 1 : i32
      %add3A_2003 = arith.addi %mul3A_2001, %add3A_2002 : i32
      %swap3A_2004 = arith.index_cast %add3A_2003 : i32 to index
      %swap3A_2005 = arith.constant 16 : index
      %swap3A_2006 = tpu.vector_load %arg5[%swap3A_2004, %swap3A_2005] {strides = array<i32>} : memref<104x128xi32, #tpu.memory_space<vmem>>, vector<16xi32>,
      tpu.vector_store %arg5[%swap3A_2004, %swap3A_2005], %broadcast_in_dim3A_24 {strides = array<i32>} : memref<104x128xi32, #tpu.memory_space<vmem>>, vector<16xi32>,
      %mul3A_2007 = arith.constant 4 : i32
      %mul3A_2008 = arith.muli %scan3A_1937, %mul3A_2007 : i32
      %add3A_2009 = arith.constant 1 : i32
      %add3A_2010 = arith.addi %mul3A_2008, %add3A_2009 : i32
      %swap3A_2011 = arith.index_cast %add3A_2010 : i32 to index
      %swap3A_2012 = arith.constant 32 : index
      %swap3A_2013 = tpu.vector_load %arg5[%swap3A_2011, %swap3A_2012] {strides = array<i32>} : memref<104x128xi32, #tpu.memory_space<vmem>>, vector<16xi32>,
      tpu.vector_store %arg5[%swap3A_2011, %swap3A_2012], %broadcast_in_dim3A_24 {strides = array<i32>} : memref<104x128xi32, #tpu.memory_space<vmem>>, vector<16xi32>,
      %mul3A_2014 = arith.constant 4 : i32
      %mul3A_2015 = arith.muli %scan3A_1937, %mul3A_2014 : i32
      %add3A_2016 = arith.constant 1 : i32
      %add3A_2017 = arith.addi %mul3A_2015, %add3A_2016 : i32
      %swap3A_2018 = arith.index_cast %add3A_2017 : i32 to index
      %swap3A_2019 = arith.constant 48 : index
      %swap3A_2020 = tpu.vector_load %arg5[%swap3A_2018, %swap3A_2019] {strides = array<i32>} : memref<104x128xi32, #tpu.memory_space<vmem>>, vector<16xi32>,
      tpu.vector_store %arg5[%swap3A_2018, %swap3A_2019], %broadcast_in_dim3A_24 {strides = array<i32>} : memref<104x128xi32, #tpu.memory_space<vmem>>, vector<16xi32>,
      %mul3A_2021 = arith.constant 4 : i32
      %mul3A_2022 = arith.muli %scan3A_1937, %mul3A_2021 : i32
      %add3A_2023 = arith.constant 1 : i32
      %add3A_2024 = arith.addi %mul3A_2022, %add3A_2023 : i32
      %swap3A_2025 = arith.index_cast %add3A_2024 : i32 to index
      %swap3A_2026 = arith.constant 64 : index
      %swap3A_2027 = tpu.vector_load %arg5[%swap3A_2025, %swap3A_2026] {strides = array<i32>} : memref<104x128xi32, #tpu.memory_space<vmem>>, vector<16xi32>,
      tpu.vector_store %arg5[%swap3A_2025, %swap3A_2026], %broadcast_in_dim3A_24 {strides = array<i32>} : memref<104x128xi32, #tpu.memory_space<vmem>>, vector<16xi32>,
      %mul3A_2028 = arith.constant 4 : i32
      %mul3A_2029 = arith.muli %scan3A_1937, %mul3A_2028 : i32
      %add3A_2030 = arith.constant 1 : i32
      %add3A_2031 = arith.addi %mul3A_2029, %add3A_2030 : i32
      %swap3A_2032 = arith.index_cast %add3A_2031 : i32 to index
      %swap3A_2033 = arith.constant 80 : index
      %swap3A_2034 = tpu.vector_load %arg5[%swap3A_2032, %swap3A_2033] {strides = array<i32>} : memref<104x128xi32, #tpu.memory_space<vmem>>, vector<16xi32>,
      tpu.vector_store %arg5[%swap3A_2032, %swap3A_2033], %broadcast_in_dim3A_24 {strides = array<i32>} : memref<104x128xi32, #tpu.memory_space<vmem>>, vector<16xi32>,
      %mul3A_2035 = arith.constant 4 : i32
      %mul3A_2036 = arith.muli %scan3A_1937, %mul3A_2035 : i32
      %add3A_2037 = arith.constant 1 : i32
      %add3A_2038 = arith.addi %mul3A_2036, %add3A_2037 : i32
      %swap3A_2039 = arith.index_cast %add3A_2038 : i32 to index
      %swap3A_2040 = arith.constant 96 : index
      %swap3A_2041 = tpu.vector_load %arg5[%swap3A_2039, %swap3A_2040] {strides = array<i32>} : memref<104x128xi32, #tpu.memory_space<vmem>>, vector<16xi32>,
      tpu.vector_store %arg5[%swap3A_2039, %swap3A_2040], %broadcast_in_dim3A_24 {strides = array<i32>} : memref<104x128xi32, #tpu.memory_space<vmem>>, vector<16xi32>,
      %mul3A_2042 = arith.constant 4 : i32
      %mul3A_2043 = arith.muli %scan3A_1937, %mul3A_2042 : i32
      %add3A_2044 = arith.constant 1 : i32
      %add3A_2045 = arith.addi %mul3A_2043, %add3A_2044 : i32
      %swap3A_2046 = arith.index_cast %add3A_2045 : i32 to index
      %swap3A_2047 = arith.constant 112 : index
      %swap3A_2048 = tpu.vector_load %arg5[%swap3A_2046, %swap3A_2047] {strides = array<i32>} : memref<104x128xi32, #tpu.memory_space<vmem>>, vector<16xi32>,
      tpu.vector_store %arg5[%swap3A_2046, %swap3A_2047], %broadcast_in_dim3A_24 {strides = array<i32>} : memref<104x128xi32, #tpu.memory_space<vmem>>, vector<16xi32>,
      %mul3A_2049 = arith.constant 4 : i32
      %mul3A_2050 = arith.muli %scan3A_1937, %mul3A_2049 : i32
      %add3A_2051 = arith.constant 2 : i32
      %add3A_2052 = arith.addi %mul3A_2050, %add3A_2051 : i32
      %swap3A_2053 = arith.index_cast %add3A_2052 : i32 to index
      %swap3A_2054 = arith.constant 0 : index
      %swap3A_2055 = tpu.vector_load %arg5[%swap3A_2053, %swap3A_2054] {strides = array<i32>} : memref<104x128xi32, #tpu.memory_space<vmem>>, vector<16xi32>,
      tpu.vector_store %arg5[%swap3A_2053, %swap3A_2054], %broadcast_in_dim3A_24 {strides = array<i32>} : memref<104x128xi32, #tpu.memory_space<vmem>>, vector<16xi32>,
      %mul3A_2056 = arith.constant 4 : i32
      %mul3A_2057 = arith.muli %scan3A_1937, %mul3A_2056 : i32
      %add3A_2058 = arith.constant 2 : i32
      %add3A_2059 = arith.addi %mul3A_2057, %add3A_2058 : i32
      %swap3A_2060 = arith.index_cast %add3A_2059 : i32 to index
      %swap3A_2061 = arith.constant 16 : index
      %swap3A_2062 = tpu.vector_load %arg5[%swap3A_2060, %swap3A_2061] {strides = array<i32>} : memref<104x128xi32, #tpu.memory_space<vmem>>, vector<16xi32>,
      tpu.vector_store %arg5[%swap3A_2060, %swap3A_2061], %broadcast_in_dim3A_24 {strides = array<i32>} : memref<104x128xi32, #tpu.memory_space<vmem>>, vector<16xi32>,
      %mul3A_2063 = arith.constant 4 : i32
      %mul3A_2064 = arith.muli %scan3A_1937, %mul3A_2063 : i32
      %add3A_2065 = arith.constant 2 : i32
      %add3A_2066 = arith.addi %mul3A_2064, %add3A_2065 : i32
      %swap3A_2067 = arith.index_cast %add3A_2066 : i32 to index
      %swap3A_2068 = arith.constant 32 : index
      %swap3A_2069 = tpu.vector_load %arg5[%swap3A_2067, %swap3A_2068] {strides = array<i32>} : memref<104x128xi32, #tpu.memory_space<vmem>>, vector<16xi32>,
      tpu.vector_store %arg5[%swap3A_2067, %swap3A_2068], %broadcast_in_dim3A_24 {strides = array<i32>} : memref<104x128xi32, #tpu.memory_space<vmem>>, vector<16xi32>,
      %mul3A_2070 = arith.constant 4 : i32
      %mul3A_2071 = arith.muli %scan3A_1937, %mul3A_2070 : i32
      %add3A_2072 = arith.constant 2 : i32
      %add3A_2073 = arith.addi %mul3A_2071, %add3A_2072 : i32
      %swap3A_2074 = arith.index_cast %add3A_2073 : i32 to index
      %swap3A_2075 = arith.constant 48 : index
      %swap3A_2076 = tpu.vector_load %arg5[%swap3A_2074, %swap3A_2075] {strides = array<i32>} : memref<104x128xi32, #tpu.memory_space<vmem>>, vector<16xi32>,
      tpu.vector_store %arg5[%swap3A_2074, %swap3A_2075], %broadcast_in_dim3A_24 {strides = array<i32>} : memref<104x128xi32, #tpu.memory_space<vmem>>, vector<16xi32>,
      %mul3A_2077 = arith.constant 4 : i32
      %mul3A_2078 = arith.muli %scan3A_1937, %mul3A_2077 : i32
      %add3A_2079 = arith.constant 2 : i32
      %add3A_2080 = arith.addi %mul3A_2078, %add3A_2079 : i32
      %swap3A_2081 = arith.index_cast %add3A_2080 : i32 to index
      %swap3A_2082 = arith.constant 64 : index
      %swap3A_2083 = tpu.vector_load %arg5[%swap3A_2081, %swap3A_2082] {strides = array<i32>} : memref<104x128xi32, #tpu.memory_space<vmem>>, vector<16xi32>,
      tpu.vector_store %arg5[%swap3A_2081, %swap3A_2082], %broadcast_in_dim3A_24 {strides = array<i32>} : memref<104x128xi32, #tpu.memory_space<vmem>>, vector<16xi32>,
      %mul3A_2084 = arith.constant 4 : i32
      %mul3A_2085 = arith.muli %scan3A_1937, %mul3A_2084 : i32
      %add3A_2086 = arith.constant 2 : i32
      %add3A_2087 = arith.addi %mul3A_2085, %add3A_2086 : i32
      %swap3A_2088 = arith.index_cast %add3A_2087 : i32 to index
      %swap3A_2089 = arith.constant 80 : index
      %swap3A_2090 = tpu.vector_load %arg5[%swap3A_2088, %swap3A_2089] {strides = array<i32>} : memref<104x128xi32, #tpu.memory_space<vmem>>, vector<16xi32>,
      tpu.vector_store %arg5[%swap3A_2088, %swap3A_2089], %broadcast_in_dim3A_24 {strides = array<i32>} : memref<104x128xi32, #tpu.memory_space<vmem>>, vector<16xi32>,
      %mul3A_2091 = arith.constant 4 : i32
      %mul3A_2092 = arith.muli %scan3A_1937, %mul3A_2091 : i32
      %add3A_2093 = arith.constant 2 : i32
      %add3A_2094 = arith.addi %mul3A_2092, %add3A_2093 : i32
      %swap3A_2095 = arith.index_cast %add3A_2094 : i32 to index
      %swap3A_2096 = arith.constant 96 : index
      %swap3A_2097 = tpu.vector_load %arg5[%swap3A_2095, %swap3A_2096] {strides = array<i32>} : memref<104x128xi32, #tpu.memory_space<vmem>>, vector<16xi32>,
      tpu.vector_store %arg5[%swap3A_2095, %swap3A_2096], %broadcast_in_dim3A_24 {strides = array<i32>} : memref<104x128xi32, #tpu.memory_space<vmem>>, vector<16xi32>,
      %mul3A_2098 = arith.constant 4 : i32
      %mul3A_2099 = arith.muli %scan3A_1937, %mul3A_2098 : i32
      %add3A_2100 = arith.constant 2 : i32
      %add3A_2101 = arith.addi %mul3A_2099, %add3A_2100 : i32
      %swap3A_2102 = arith.index_cast %add3A_2101 : i32 to index
      %swap3A_2103 = arith.constant 112 : index
      %swap3A_2104 = tpu.vector_load %arg5[%swap3A_2102, %swap3A_2103] {strides = array<i32>} : memref<104x128xi32, #tpu.memory_space<vmem>>, vector<16xi32>,
      tpu.vector_store %arg5[%swap3A_2102, %swap3A_2103], %broadcast_in_dim3A_24 {strides = array<i32>} : memref<104x128xi32, #tpu.memory_space<vmem>>, vector<16xi32>,
      %mul3A_2105 = arith.constant 4 : i32
      %mul3A_2106 = arith.muli %scan3A_1937, %mul3A_2105 : i32
      %add3A_2107 = arith.constant 3 : i32
      %add3A_2108 = arith.addi %mul3A_2106, %add3A_2107 : i32
      %swap3A_2109 = arith.index_cast %add3A_2108 : i32 to index
      %swap3A_2110 = arith.constant 0 : index
      %swap3A_2111 = tpu.vector_load %arg5[%swap3A_2109, %swap3A_2110] {strides = array<i32>} : memref<104x128xi32, #tpu.memory_space<vmem>>, vector<16xi32>,
      tpu.vector_store %arg5[%swap3A_2109, %swap3A_2110], %broadcast_in_dim3A_24 {strides = array<i32>} : memref<104x128xi32, #tpu.memory_space<vmem>>, vector<16xi32>,
      %mul3A_2112 = arith.constant 4 : i32
      %mul3A_2113 = arith.muli %scan3A_1937, %mul3A_2112 : i32
      %add3A_2114 = arith.constant 3 : i32
      %add3A_2115 = arith.addi %mul3A_2113, %add3A_2114 : i32
      %swap3A_2116 = arith.index_cast %add3A_2115 : i32 to index
      %swap3A_2117 = arith.constant 16 : index
      %swap3A_2118 = tpu.vector_load %arg5[%swap3A_2116, %swap3A_2117] {strides = array<i32>} : memref<104x128xi32, #tpu.memory_space<vmem>>, vector<16xi32>,
      tpu.vector_store %arg5[%swap3A_2116, %swap3A_2117], %broadcast_in_dim3A_24 {strides = array<i32>} : memref<104x128xi32, #tpu.memory_space<vmem>>, vector<16xi32>,
      %mul3A_2119 = arith.constant 4 : i32
      %mul3A_2120 = arith.muli %scan3A_1937, %mul3A_2119 : i32
      %add3A_2121 = arith.constant 3 : i32
      %add3A_2122 = arith.addi %mul3A_2120, %add3A_2121 : i32
      %swap3A_2123 = arith.index_cast %add3A_2122 : i32 to index
      %swap3A_2124 = arith.constant 32 : index
      %swap3A_2125 = tpu.vector_load %arg5[%swap3A_2123, %swap3A_2124] {strides = array<i32>} : memref<104x128xi32, #tpu.memory_space<vmem>>, vector<16xi32>,
      tpu.vector_store %arg5[%swap3A_2123, %swap3A_2124], %broadcast_in_dim3A_24 {strides = array<i32>} : memref<104x128xi32, #tpu.memory_space<vmem>>, vector<16xi32>,
      %mul3A_2126 = arith.constant 4 : i32
      %mul3A_2127 = arith.muli %scan3A_1937, %mul3A_2126 : i32
      %add3A_2128 = arith.constant 3 : i32
      %add3A_2129 = arith.addi %mul3A_2127, %add3A_2128 : i32
      %swap3A_2130 = arith.index_cast %add3A_2129 : i32 to index
      %swap3A_2131 = arith.constant 48 : index
      %swap3A_2132 = tpu.vector_load %arg5[%swap3A_2130, %swap3A_2131] {strides = array<i32>} : memref<104x128xi32, #tpu.memory_space<vmem>>, vector<16xi32>,
      tpu.vector_store %arg5[%swap3A_2130, %swap3A_2131], %broadcast_in_dim3A_24 {strides = array<i32>} : memref<104x128xi32, #tpu.memory_space<vmem>>, vector<16xi32>,
      %mul3A_2133 = arith.constant 4 : i32
      %mul3A_2134 = arith.muli %scan3A_1937, %mul3A_2133 : i32
      %add3A_2135 = arith.constant 3 : i32
      %add3A_2136 = arith.addi %mul3A_2134, %add3A_2135 : i32
      %swap3A_2137 = arith.index_cast %add3A_2136 : i32 to index
      %swap3A_2138 = arith.constant 64 : index
      %swap3A_2139 = tpu.vector_load %arg5[%swap3A_2137, %swap3A_2138] {strides = array<i32>} : memref<104x128xi32, #tpu.memory_space<vmem>>, vector<16xi32>,
      tpu.vector_store %arg5[%swap3A_2137, %swap3A_2138], %broadcast_in_dim3A_24 {strides = array<i32>} : memref<104x128xi32, #tpu.memory_space<vmem>>, vector<16xi32>,
      %mul3A_2140 = arith.constant 4 : i32
      %mul3A_2141 = arith.muli %scan3A_1937, %mul3A_2140 : i32
      %add3A_2142 = arith.constant 3 : i32
      %add3A_2143 = arith.addi %mul3A_2141, %add3A_2142 : i32
      %swap3A_2144 = arith.index_cast %add3A_2143 : i32 to index
      %swap3A_2145 = arith.constant 80 : index
      %swap3A_2146 = tpu.vector_load %arg5[%swap3A_2144, %swap3A_2145] {strides = array<i32>} : memref<104x128xi32, #tpu.memory_space<vmem>>, vector<16xi32>,
      tpu.vector_store %arg5[%swap3A_2144, %swap3A_2145], %broadcast_in_dim3A_24 {strides = array<i32>} : memref<104x128xi32, #tpu.memory_space<vmem>>, vector<16xi32>,
      %mul3A_2147 = arith.constant 4 : i32
      %mul3A_2148 = arith.muli %scan3A_1937, %mul3A_2147 : i32
      %add3A_2149 = arith.constant 3 : i32
      %add3A_2150 = arith.addi %mul3A_2148, %add3A_2149 : i32
      %swap3A_2151 = arith.index_cast %add3A_2150 : i32 to index
      %swap3A_2152 = arith.constant 96 : index
      %swap3A_2153 = tpu.vector_load %arg5[%swap3A_2151, %swap3A_2152] {strides = array<i32>} : memref<104x128xi32, #tpu.memory_space<vmem>>, vector<16xi32>,
      tpu.vector_store %arg5[%swap3A_2151, %swap3A_2152], %broadcast_in_dim3A_24 {strides = array<i32>} : memref<104x128xi32, #tpu.memory_space<vmem>>, vector<16xi32>,
      %mul3A_2154 = arith.constant 4 : i32
      %mul3A_2155 = arith.muli %scan3A_1937, %mul3A_2154 : i32
      %add3A_2156 = arith.constant 3 : i32
      %add3A_2157 = arith.addi %mul3A_2155, %add3A_2156 : i32
      %swap3A_2158 = arith.index_cast %add3A_2157 : i32 to index
      %swap3A_2159 = arith.constant 112 : index
      %swap3A_2160 = tpu.vector_load %arg5[%swap3A_2158, %swap3A_2159] {strides = array<i32>} : memref<104x128xi32, #tpu.memory_space<vmem>>, vector<16xi32>,
      tpu.vector_store %arg5[%swap3A_2158, %swap3A_2159], %broadcast_in_dim3A_24 {strides = array<i32>} : memref<104x128xi32, #tpu.memory_space<vmem>>, vector<16xi32>,
    }
    %scan3A_64 = arith.constant 26 : i32
    %dma_wait3A = arith.constant 0 : i32
    %dma_wait3A_65 = tpu.memref_slice %arg2[%dma_wait3A, %mul3A_20] : memref<26x1024xi32, #tpu.memory_space<hbm>> -> memref<26x128xi32, #tpu.memory_space<hbm>>
    %dma_wait3A_66 = arith.constant 0 : i32
    %dma_wait3A_67 = tpu.memref_slice %arg2[%dma_wait3A_66, %mul3A_20] : memref<26x1024xi32, #tpu.memory_space<hbm>> -> memref<26x128xi32, #tpu.memory_space<hbm>>
    tpu.wait_dma2 semaphore(%arg9 : memref<!tpu.dma_semaphore, #tpu.memory_space<semaphore_mem>>) src(%dma_wait3A_67 : memref<26x128xi32, #tpu.memory_space<hbm>>) dst(%arg4 : memref<26x128xi32, #tpu.memory_space<vmem>>)
    %add3A_68 = arith.constant 0 : i32
    %add3A_69 = arith.addi %select_n3A, %add3A_68 : i32
    %rem3A_70 = arith.constant 25 : i32
    %rem3A_71 = arith.remsi %add3A_69, %rem3A_70 : i32
    %mul3A_72 = arith.constant 4 : i32
    %mul3A_73 = arith.muli %mul3A_72, %rem3A_71 : i32
    %add3A_74 = vector.broadcast %mul3A_73 : i32 to vector<16xi32>
    %add3A_75 = arith.addi %broadcast_in_dim3A_28, %add3A_74 : vector<16xi32>
    %get3A = arith.index_cast %rem3A_71 : i32 to index
    %get3A_76 = arith.constant 0 : index
    %get3A_77 = tpu.vector_load %arg4[%get3A, %get3A_76] {strides = array<i32>} : memref<26x128xi32, #tpu.memory_space<vmem>>, vector<16xi32>,
    %sub3A_78 = arith.subi %get3A_77, %add3A_75 : vector<16xi32>
    %ge3A = arith.cmpi sge, %get3A_77, %add3A_75 : vector<16xi32>
    tpu.vector_store_idx %arg5[%sub3A_78, %add3A_31], %broadcast_in_dim3A_26 masked %ge3A : memref<104x128xi32, #tpu.memory_space<vmem>>[vector<16xi32>, vector<16xi32>], vector<16xi32>, vector<16xi1>
    %add3A_79 = arith.constant 1 : i32
    %add3A_80 = arith.addi %rem3A_71, %add3A_79 : i32
    %get3A_81 = arith.index_cast %add3A_80 : i32 to index
    %get3A_82 = arith.constant 0 : index
    %get3A_83 = tpu.vector_load %arg4[%get3A_81, %get3A_82] {strides = array<i32>} : memref<26x128xi32, #tpu.memory_space<vmem>>, vector<16xi32>,
    %sub3A_84 = arith.constant 100 : i32
    %sub3A_85 = vector.broadcast %sub3A_84 : i32 to vector<16xi32>
    %sub3A_86 = arith.subi %sub3A_85, %add3A_75 : vector<16xi32>
    %add3A_87 = arith.addi %get3A_83, %sub3A_86 : vector<16xi32>
    %add3A_88 = arith.constant 4 : i32
    %add3A_89 = vector.broadcast %add3A_88 : i32 to vector<16xi32>
    %add3A_90 = arith.addi %add3A_75, %add3A_89 : vector<16xi32>
    %lt3A = arith.cmpi slt, %get3A_83, %add3A_90 : vector<16xi32>
    tpu.vector_store_idx %arg5[%add3A_87, %add3A_31], %broadcast_in_dim3A_26 masked %lt3A : memref<104x128xi32, #tpu.memory_space<vmem>>[vector<16xi32>, vector<16xi32>], vector<16xi32>, vector<16xi1>
    %get3A_91 = arith.index_cast %rem3A_71 : i32 to index
    %get3A_92 = arith.constant 16 : index
    %get3A_93 = tpu.vector_load %arg4[%get3A_91, %get3A_92] {strides = array<i32>} : memref<26x128xi32, #tpu.memory_space<vmem>>, vector<16xi32>,
    %sub3A_94 = arith.subi %get3A_93, %add3A_75 : vector<16xi32>
    %ge3A_95 = arith.cmpi sge, %get3A_93, %add3A_75 : vector<16xi32>
    tpu.vector_store_idx %arg5[%sub3A_94, %add3A_35], %broadcast_in_dim3A_26 masked %ge3A_95 : memref<104x128xi32, #tpu.memory_space<vmem>>[vector<16xi32>, vector<16xi32>], vector<16xi32>, vector<16xi1>
    %add3A_96 = arith.constant 1 : i32
    %add3A_97 = arith.addi %rem3A_71, %add3A_96 : i32
    %get3A_98 = arith.index_cast %add3A_97 : i32 to index
    %get3A_99 = arith.constant 16 : index
    %get3A_100 = tpu.vector_load %arg4[%get3A_98, %get3A_99] {strides = array<i32>} : memref<26x128xi32, #tpu.memory_space<vmem>>, vector<16xi32>,
    %sub3A_101 = arith.constant 100 : i32
    %sub3A_102 = vector.broadcast %sub3A_101 : i32 to vector<16xi32>
    %sub3A_103 = arith.subi %sub3A_102, %add3A_75 : vector<16xi32>
    %add3A_104 = arith.addi %get3A_100, %sub3A_103 : vector<16xi32>
    %add3A_105 = arith.constant 4 : i32
    %add3A_106 = vector.broadcast %add3A_105 : i32 to vector<16xi32>
    %add3A_107 = arith.addi %add3A_75, %add3A_106 : vector<16xi32>
    %lt3A_108 = arith.cmpi slt, %get3A_100, %add3A_107 : vector<16xi32>
    tpu.vector_store_idx %arg5[%add3A_104, %add3A_35], %broadcast_in_dim3A_26 masked %lt3A_108 : memref<104x128xi32, #tpu.memory_space<vmem>>[vector<16xi32>, vector<16xi32>], vector<16xi32>, vector<16xi1>
    %get3A_109 = arith.index_cast %rem3A_71 : i32 to index
    %get3A_110 = arith.constant 32 : index
    %get3A_111 = tpu.vector_load %arg4[%get3A_109, %get3A_110] {strides = array<i32>} : memref<26x128xi32, #tpu.memory_space<vmem>>, vector<16xi32>,
    %sub3A_112 = arith.subi %get3A_111, %add3A_75 : vector<16xi32>
    %ge3A_113 = arith.cmpi sge, %get3A_111, %add3A_75 : vector<16xi32>
    tpu.vector_store_idx %arg5[%sub3A_112, %add3A_39], %broadcast_in_dim3A_26 masked %ge3A_113 : memref<104x128xi32, #tpu.memory_space<vmem>>[vector<16xi32>, vector<16xi32>], vector<16xi32>, vector<16xi1>
    %add3A_114 = arith.constant 1 : i32
    %add3A_115 = arith.addi %rem3A_71, %add3A_114 : i32
    %get3A_116 = arith.index_cast %add3A_115 : i32 to index
    %get3A_117 = arith.constant 32 : index
    %get3A_118 = tpu.vector_load %arg4[%get3A_116, %get3A_117] {strides = array<i32>} : memref<26x128xi32, #tpu.memory_space<vmem>>, vector<16xi32>,
    %sub3A_119 = arith.constant 100 : i32
    %sub3A_120 = vector.broadcast %sub3A_119 : i32 to vector<16xi32>
    %sub3A_121 = arith.subi %sub3A_120, %add3A_75 : vector<16xi32>
    %add3A_122 = arith.addi %get3A_118, %sub3A_121 : vector<16xi32>
    %add3A_123 = arith.constant 4 : i32
    %add3A_124 = vector.broadcast %add3A_123 : i32 to vector<16xi32>
    %add3A_125 = arith.addi %add3A_75, %add3A_124 : vector<16xi32>
    %lt3A_126 = arith.cmpi slt, %get3A_118, %add3A_125 : vector<16xi32>
    tpu.vector_store_idx %arg5[%add3A_122, %add3A_39], %broadcast_in_dim3A_26 masked %lt3A_126 : memref<104x128xi32, #tpu.memory_space<vmem>>[vector<16xi32>, vector<16xi32>], vector<16xi32>, vector<16xi1>
    %get3A_127 = arith.index_cast %rem3A_71 : i32 to index
    %get3A_128 = arith.constant 48 : index
    %get3A_129 = tpu.vector_load %arg4[%get3A_127, %get3A_128] {strides = array<i32>} : memref<26x128xi32, #tpu.memory_space<vmem>>, vector<16xi32>,
    %sub3A_130 = arith.subi %get3A_129, %add3A_75 : vector<16xi32>
    %ge3A_131 = arith.cmpi sge, %get3A_129, %add3A_75 : vector<16xi32>
    tpu.vector_store_idx %arg5[%sub3A_130, %add3A_43], %broadcast_in_dim3A_26 masked %ge3A_131 : memref<104x128xi32, #tpu.memory_space<vmem>>[vector<16xi32>, vector<16xi32>], vector<16xi32>, vector<16xi1>
    %add3A_132 = arith.constant 1 : i32
    %add3A_133 = arith.addi %rem3A_71, %add3A_132 : i32
    %get3A_134 = arith.index_cast %add3A_133 : i32 to index
    %get3A_135 = arith.constant 48 : index
    %get3A_136 = tpu.vector_load %arg4[%get3A_134, %get3A_135] {strides = array<i32>} : memref<26x128xi32, #tpu.memory_space<vmem>>, vector<16xi32>,
    %sub3A_137 = arith.constant 100 : i32
    %sub3A_138 = vector.broadcast %sub3A_137 : i32 to vector<16xi32>
    %sub3A_139 = arith.subi %sub3A_138, %add3A_75 : vector<16xi32>
    %add3A_140 = arith.addi %get3A_136, %sub3A_139 : vector<16xi32>
    %add3A_141 = arith.constant 4 : i32
    %add3A_142 = vector.broadcast %add3A_141 : i32 to vector<16xi32>
    %add3A_143 = arith.addi %add3A_75, %add3A_142 : vector<16xi32>
    %lt3A_144 = arith.cmpi slt, %get3A_136, %add3A_143 : vector<16xi32>
    tpu.vector_store_idx %arg5[%add3A_140, %add3A_43], %broadcast_in_dim3A_26 masked %lt3A_144 : memref<104x128xi32, #tpu.memory_space<vmem>>[vector<16xi32>, vector<16xi32>], vector<16xi32>, vector<16xi1>
    %get3A_145 = arith.index_cast %rem3A_71 : i32 to index
    %get3A_146 = arith.constant 64 : index
    %get3A_147 = tpu.vector_load %arg4[%get3A_145, %get3A_146] {strides = array<i32>} : memref<26x128xi32, #tpu.memory_space<vmem>>, vector<16xi32>,
    %sub3A_148 = arith.subi %get3A_147, %add3A_75 : vector<16xi32>
    %ge3A_149 = arith.cmpi sge, %get3A_147, %add3A_75 : vector<16xi32>
    tpu.vector_store_idx %arg5[%sub3A_148, %add3A_47], %broadcast_in_dim3A_26 masked %ge3A_149 : memref<104x128xi32, #tpu.memory_space<vmem>>[vector<16xi32>, vector<16xi32>], vector<16xi32>, vector<16xi1>
    %add3A_150 = arith.constant 1 : i32
    %add3A_151 = arith.addi %rem3A_71, %add3A_150 : i32
    %get3A_152 = arith.index_cast %add3A_151 : i32 to index
    %get3A_153 = arith.constant 64 : index
    %get3A_154 = tpu.vector_load %arg4[%get3A_152, %get3A_153] {strides = array<i32>} : memref<26x128xi32, #tpu.memory_space<vmem>>, vector<16xi32>,
    %sub3A_155 = arith.constant 100 : i32
    %sub3A_156 = vector.broadcast %sub3A_155 : i32 to vector<16xi32>
    %sub3A_157 = arith.subi %sub3A_156, %add3A_75 : vector<16xi32>
    %add3A_158 = arith.addi %get3A_154, %sub3A_157 : vector<16xi32>
    %add3A_159 = arith.constant 4 : i32
    %add3A_160 = vector.broadcast %add3A_159 : i32 to vector<16xi32>
    %add3A_161 = arith.addi %add3A_75, %add3A_160 : vector<16xi32>
    %lt3A_162 = arith.cmpi slt, %get3A_154, %add3A_161 : vector<16xi32>
    tpu.vector_store_idx %arg5[%add3A_158, %add3A_47], %broadcast_in_dim3A_26 masked %lt3A_162 : memref<104x128xi32, #tpu.memory_space<vmem>>[vector<16xi32>, vector<16xi32>], vector<16xi32>, vector<16xi1>
    %get3A_163 = arith.index_cast %rem3A_71 : i32 to index
    %get3A_164 = arith.constant 80 : index
    %get3A_165 = tpu.vector_load %arg4[%get3A_163, %get3A_164] {strides = array<i32>} : memref<26x128xi32, #tpu.memory_space<vmem>>, vector<16xi32>,
    %sub3A_166 = arith.subi %get3A_165, %add3A_75 : vector<16xi32>
    %ge3A_167 = arith.cmpi sge, %get3A_165, %add3A_75 : vector<16xi32>
    tpu.vector_store_idx %arg5[%sub3A_166, %add3A_51], %broadcast_in_dim3A_26 masked %ge3A_167 : memref<104x128xi32, #tpu.memory_space<vmem>>[vector<16xi32>, vector<16xi32>], vector<16xi32>, vector<16xi1>
    %add3A_168 = arith.constant 1 : i32
    %add3A_169 = arith.addi %rem3A_71, %add3A_168 : i32
    %get3A_170 = arith.index_cast %add3A_169 : i32 to index
    %get3A_171 = arith.constant 80 : index
    %get3A_172 = tpu.vector_load %arg4[%get3A_170, %get3A_171] {strides = array<i32>} : memref<26x128xi32, #tpu.memory_space<vmem>>, vector<16xi32>,
    %sub3A_173 = arith.constant 100 : i32
    %sub3A_174 = vector.broadcast %sub3A_173 : i32 to vector<16xi32>
    %sub3A_175 = arith.subi %sub3A_174, %add3A_75 : vector<16xi32>
    %add3A_176 = arith.addi %get3A_172, %sub3A_175 : vector<16xi32>
    %add3A_177 = arith.constant 4 : i32
    %add3A_178 = vector.broadcast %add3A_177 : i32 to vector<16xi32>
    %add3A_179 = arith.addi %add3A_75, %add3A_178 : vector<16xi32>
    %lt3A_180 = arith.cmpi slt, %get3A_172, %add3A_179 : vector<16xi32>
    tpu.vector_store_idx %arg5[%add3A_176, %add3A_51], %broadcast_in_dim3A_26 masked %lt3A_180 : memref<104x128xi32, #tpu.memory_space<vmem>>[vector<16xi32>, vector<16xi32>], vector<16xi32>, vector<16xi1>
    %get3A_181 = arith.index_cast %rem3A_71 : i32 to index
    %get3A_182 = arith.constant 96 : index
    %get3A_183 = tpu.vector_load %arg4[%get3A_181, %get3A_182] {strides = array<i32>} : memref<26x128xi32, #tpu.memory_space<vmem>>, vector<16xi32>,
    %sub3A_184 = arith.subi %get3A_183, %add3A_75 : vector<16xi32>
    %ge3A_185 = arith.cmpi sge, %get3A_183, %add3A_75 : vector<16xi32>
    tpu.vector_store_idx %arg5[%sub3A_184, %add3A_55], %broadcast_in_dim3A_26 masked %ge3A_185 : memref<104x128xi32, #tpu.memory_space<vmem>>[vector<16xi32>, vector<16xi32>], vector<16xi32>, vector<16xi1>
    %add3A_186 = arith.constant 1 : i32
    %add3A_187 = arith.addi %rem3A_71, %add3A_186 : i32
    %get3A_188 = arith.index_cast %add3A_187 : i32 to index
    %get3A_189 = arith.constant 96 : index
    %get3A_190 = tpu.vector_load %arg4[%get3A_188, %get3A_189] {strides = array<i32>} : memref<26x128xi32, #tpu.memory_space<vmem>>, vector<16xi32>,
    %sub3A_191 = arith.constant 100 : i32
    %sub3A_192 = vector.broadcast %sub3A_191 : i32 to vector<16xi32>
    %sub3A_193 = arith.subi %sub3A_192, %add3A_75 : vector<16xi32>
    %add3A_194 = arith.addi %get3A_190, %sub3A_193 : vector<16xi32>
    %add3A_195 = arith.constant 4 : i32
    %add3A_196 = vector.broadcast %add3A_195 : i32 to vector<16xi32>
    %add3A_197 = arith.addi %add3A_75, %add3A_196 : vector<16xi32>
    %lt3A_198 = arith.cmpi slt, %get3A_190, %add3A_197 : vector<16xi32>
    tpu.vector_store_idx %arg5[%add3A_194, %add3A_55], %broadcast_in_dim3A_26 masked %lt3A_198 : memref<104x128xi32, #tpu.memory_space<vmem>>[vector<16xi32>, vector<16xi32>], vector<16xi32>, vector<16xi1>
    %get3A_199 = arith.index_cast %rem3A_71 : i32 to index
    %get3A_200 = arith.constant 112 : index
    %get3A_201 = tpu.vector_load %arg4[%get3A_199, %get3A_200] {strides = array<i32>} : memref<26x128xi32, #tpu.memory_space<vmem>>, vector<16xi32>,
    %sub3A_202 = arith.subi %get3A_201, %add3A_75 : vector<16xi32>
    %ge3A_203 = arith.cmpi sge, %get3A_201, %add3A_75 : vector<16xi32>
    tpu.vector_store_idx %arg5[%sub3A_202, %add3A_59], %broadcast_in_dim3A_26 masked %ge3A_203 : memref<104x128xi32, #tpu.memory_space<vmem>>[vector<16xi32>, vector<16xi32>], vector<16xi32>, vector<16xi1>
    %add3A_204 = arith.constant 1 : i32
    %add3A_205 = arith.addi %rem3A_71, %add3A_204 : i32
    %get3A_206 = arith.index_cast %add3A_205 : i32 to index
    %get3A_207 = arith.constant 112 : index
    %get3A_208 = tpu.vector_load %arg4[%get3A_206, %get3A_207] {strides = array<i32>} : memref<26x128xi32, #tpu.memory_space<vmem>>, vector<16xi32>,
    %sub3A_209 = arith.constant 100 : i32
    %sub3A_210 = vector.broadcast %sub3A_209 : i32 to vector<16xi32>
    %sub3A_211 = arith.subi %sub3A_210, %add3A_75 : vector<16xi32>
    %add3A_212 = arith.addi %get3A_208, %sub3A_211 : vector<16xi32>
    %add3A_213 = arith.constant 4 : i32
    %add3A_214 = vector.broadcast %add3A_213 : i32 to vector<16xi32>
    %add3A_215 = arith.addi %add3A_75, %add3A_214 : vector<16xi32>
    %lt3A_216 = arith.cmpi slt, %get3A_208, %add3A_215 : vector<16xi32>
    tpu.vector_store_idx %arg5[%add3A_212, %add3A_59], %broadcast_in_dim3A_26 masked %lt3A_216 : memref<104x128xi32, #tpu.memory_space<vmem>>[vector<16xi32>, vector<16xi32>], vector<16xi32>, vector<16xi1>
    %mul3A_217 = arith.constant 104 : i32
    %mul3A_218 = arith.muli %rem3A_71, %mul3A_217 : i32
    %dma_start3A_219 = tpu.memref_slice %arg3[%mul3A_218, %mul3A_20] : memref<2600x1024xi32, #tpu.memory_space<hbm>> -> memref<104x128xi32, #tpu.memory_space<hbm>>
    %dma_start3A_220 = tpu.memref_slice %arg3[%mul3A_218, %mul3A_20] : memref<2600x1024xi32, #tpu.memory_space<hbm>> -> memref<104x128xi32, #tpu.memory_space<hbm>>
    tpu.enqueue_dma source(%arg5 : memref<104x128xi32, #tpu.memory_space<vmem>>) target(%dma_start3A_220 : memref<104x128xi32, #tpu.memory_space<hbm>>) target_semaphore(%arg7 : memref<!tpu.dma_semaphore, #tpu.memory_space<semaphore_mem>>)
    %scan3A_221 = arith.constant 0 : i32
    %scan3A_222 = arith.constant 0 : i32
    %scan3A_223 = arith.constant 26 : i32
    %scan3A_224 = arith.addi %scan3A_222, %scan3A_223 : i32
    %scan3A_225 = arith.constant 1 : i32
    scf.for %scan3A_1937 = %scan3A_222 to %scan3A_224 step %scan3A_225  : i32 {
      %mul3A_1938 = arith.constant 4 : i32
      %mul3A_1939 = arith.muli %scan3A_1937, %mul3A_1938 : i32
      %add3A_1940 = arith.constant 0 : i32
      %add3A_1941 = arith.addi %mul3A_1939, %add3A_1940 : i32
      %swap3A = arith.index_cast %add3A_1941 : i32 to index
      %swap3A_1942 = arith.constant 0 : index
      %swap3A_1943 = tpu.vector_load %arg6[%swap3A, %swap3A_1942] {strides = array<i32>} : memref<104x128xi32, #tpu.memory_space<vmem>>, vector<16xi32>,
      tpu.vector_store %arg6[%swap3A, %swap3A_1942], %broadcast_in_dim3A_24 {strides = array<i32>} : memref<104x128xi32, #tpu.memory_space<vmem>>, vector<16xi32>,
      %mul3A_1944 = arith.constant 4 : i32
      %mul3A_1945 = arith.muli %scan3A_1937, %mul3A_1944 : i32
      %add3A_1946 = arith.constant 0 : i32
      %add3A_1947 = arith.addi %mul3A_1945, %add3A_1946 : i32
      %swap3A_1948 = arith.index_cast %add3A_1947 : i32 to index
      %swap3A_1949 = arith.constant 16 : index
      %swap3A_1950 = tpu.vector_load %arg6[%swap3A_1948, %swap3A_1949] {strides = array<i32>} : memref<104x128xi32, #tpu.memory_space<vmem>>, vector<16xi32>,
      tpu.vector_store %arg6[%swap3A_1948, %swap3A_1949], %broadcast_in_dim3A_24 {strides = array<i32>} : memref<104x128xi32, #tpu.memory_space<vmem>>, vector<16xi32>,
      %mul3A_1951 = arith.constant 4 : i32
      %mul3A_1952 = arith.muli %scan3A_1937, %mul3A_1951 : i32
      %add3A_1953 = arith.constant 0 : i32
      %add3A_1954 = arith.addi %mul3A_1952, %add3A_1953 : i32
      %swap3A_1955 = arith.index_cast %add3A_1954 : i32 to index
      %swap3A_1956 = arith.constant 32 : index
      %swap3A_1957 = tpu.vector_load %arg6[%swap3A_1955, %swap3A_1956] {strides = array<i32>} : memref<104x128xi32, #tpu.memory_space<vmem>>, vector<16xi32>,
      tpu.vector_store %arg6[%swap3A_1955, %swap3A_1956], %broadcast_in_dim3A_24 {strides = array<i32>} : memref<104x128xi32, #tpu.memory_space<vmem>>, vector<16xi32>,
      %mul3A_1958 = arith.constant 4 : i32
      %mul3A_1959 = arith.muli %scan3A_1937, %mul3A_1958 : i32
      %add3A_1960 = arith.constant 0 : i32
      %add3A_1961 = arith.addi %mul3A_1959, %add3A_1960 : i32
      %swap3A_1962 = arith.index_cast %add3A_1961 : i32 to index
      %swap3A_1963 = arith.constant 48 : index
      %swap3A_1964 = tpu.vector_load %arg6[%swap3A_1962, %swap3A_1963] {strides = array<i32>} : memref<104x128xi32, #tpu.memory_space<vmem>>, vector<16xi32>,
      tpu.vector_store %arg6[%swap3A_1962, %swap3A_1963], %broadcast_in_dim3A_24 {strides = array<i32>} : memref<104x128xi32, #tpu.memory_space<vmem>>, vector<16xi32>,
      %mul3A_1965 = arith.constant 4 : i32
      %mul3A_1966 = arith.muli %scan3A_1937, %mul3A_1965 : i32
      %add3A_1967 = arith.constant 0 : i32
      %add3A_1968 = arith.addi %mul3A_1966, %add3A_1967 : i32
      %swap3A_1969 = arith.index_cast %add3A_1968 : i32 to index
      %swap3A_1970 = arith.constant 64 : index
      %swap3A_1971 = tpu.vector_load %arg6[%swap3A_1969, %swap3A_1970] {strides = array<i32>} : memref<104x128xi32, #tpu.memory_space<vmem>>, vector<16xi32>,
      tpu.vector_store %arg6[%swap3A_1969, %swap3A_1970], %broadcast_in_dim3A_24 {strides = array<i32>} : memref<104x128xi32, #tpu.memory_space<vmem>>, vector<16xi32>,
      %mul3A_1972 = arith.constant 4 : i32
      %mul3A_1973 = arith.muli %scan3A_1937, %mul3A_1972 : i32
      %add3A_1974 = arith.constant 0 : i32
      %add3A_1975 = arith.addi %mul3A_1973, %add3A_1974 : i32
      %swap3A_1976 = arith.index_cast %add3A_1975 : i32 to index
      %swap3A_1977 = arith.constant 80 : index
      %swap3A_1978 = tpu.vector_load %arg6[%swap3A_1976, %swap3A_1977] {strides = array<i32>} : memref<104x128xi32, #tpu.memory_space<vmem>>, vector<16xi32>,
      tpu.vector_store %arg6[%swap3A_1976, %swap3A_1977], %broadcast_in_dim3A_24 {strides = array<i32>} : memref<104x128xi32, #tpu.memory_space<vmem>>, vector<16xi32>,
      %mul3A_1979 = arith.constant 4 : i32
      %mul3A_1980 = arith.muli %scan3A_1937, %mul3A_1979 : i32
      %add3A_1981 = arith.constant 0 : i32
      %add3A_1982 = arith.addi %mul3A_1980, %add3A_1981 : i32
      %swap3A_1983 = arith.index_cast %add3A_1982 : i32 to index
      %swap3A_1984 = arith.constant 96 : index
      %swap3A_1985 = tpu.vector_load %arg6[%swap3A_1983, %swap3A_1984] {strides = array<i32>} : memref<104x128xi32, #tpu.memory_space<vmem>>, vector<16xi32>,
      tpu.vector_store %arg6[%swap3A_1983, %swap3A_1984], %broadcast_in_dim3A_24 {strides = array<i32>} : memref<104x128xi32, #tpu.memory_space<vmem>>, vector<16xi32>,
      %mul3A_1986 = arith.constant 4 : i32
      %mul3A_1987 = arith.muli %scan3A_1937, %mul3A_1986 : i32
      %add3A_1988 = arith.constant 0 : i32
      %add3A_1989 = arith.addi %mul3A_1987, %add3A_1988 : i32
      %swap3A_1990 = arith.index_cast %add3A_1989 : i32 to index
      %swap3A_1991 = arith.constant 112 : index
      %swap3A_1992 = tpu.vector_load %arg6[%swap3A_1990, %swap3A_1991] {strides = array<i32>} : memref<104x128xi32, #tpu.memory_space<vmem>>, vector<16xi32>,
      tpu.vector_store %arg6[%swap3A_1990, %swap3A_1991], %broadcast_in_dim3A_24 {strides = array<i32>} : memref<104x128xi32, #tpu.memory_space<vmem>>, vector<16xi32>,
      %mul3A_1993 = arith.constant 4 : i32
      %mul3A_1994 = arith.muli %scan3A_1937, %mul3A_1993 : i32
      %add3A_1995 = arith.constant 1 : i32
      %add3A_1996 = arith.addi %mul3A_1994, %add3A_1995 : i32
      %swap3A_1997 = arith.index_cast %add3A_1996 : i32 to index
      %swap3A_1998 = arith.constant 0 : index
      %swap3A_1999 = tpu.vector_load %arg6[%swap3A_1997, %swap3A_1998] {strides = array<i32>} : memref<104x128xi32, #tpu.memory_space<vmem>>, vector<16xi32>,
      tpu.vector_store %arg6[%swap3A_1997, %swap3A_1998], %broadcast_in_dim3A_24 {strides = array<i32>} : memref<104x128xi32, #tpu.memory_space<vmem>>, vector<16xi32>,
      %mul3A_2000 = arith.constant 4 : i32
      %mul3A_2001 = arith.muli %scan3A_1937, %mul3A_2000 : i32
      %add3A_2002 = arith.constant 1 : i32
      %add3A_2003 = arith.addi %mul3A_2001, %add3A_2002 : i32
      %swap3A_2004 = arith.index_cast %add3A_2003 : i32 to index
      %swap3A_2005 = arith.constant 16 : index
      %swap3A_2006 = tpu.vector_load %arg6[%swap3A_2004, %swap3A_2005] {strides = array<i32>} : memref<104x128xi32, #tpu.memory_space<vmem>>, vector<16xi32>,
      tpu.vector_store %arg6[%swap3A_2004, %swap3A_2005], %broadcast_in_dim3A_24 {strides = array<i32>} : memref<104x128xi32, #tpu.memory_space<vmem>>, vector<16xi32>,
      %mul3A_2007 = arith.constant 4 : i32
      %mul3A_2008 = arith.muli %scan3A_1937, %mul3A_2007 : i32
      %add3A_2009 = arith.constant 1 : i32
      %add3A_2010 = arith.addi %mul3A_2008, %add3A_2009 : i32
      %swap3A_2011 = arith.index_cast %add3A_2010 : i32 to index
      %swap3A_2012 = arith.constant 32 : index
      %swap3A_2013 = tpu.vector_load %arg6[%swap3A_2011, %swap3A_2012] {strides = array<i32>} : memref<104x128xi32, #tpu.memory_space<vmem>>, vector<16xi32>,
      tpu.vector_store %arg6[%swap3A_2011, %swap3A_2012], %broadcast_in_dim3A_24 {strides = array<i32>} : memref<104x128xi32, #tpu.memory_space<vmem>>, vector<16xi32>,
      %mul3A_2014 = arith.constant 4 : i32
      %mul3A_2015 = arith.muli %scan3A_1937, %mul3A_2014 : i32
      %add3A_2016 = arith.constant 1 : i32
      %add3A_2017 = arith.addi %mul3A_2015, %add3A_2016 : i32
      %swap3A_2018 = arith.index_cast %add3A_2017 : i32 to index
      %swap3A_2019 = arith.constant 48 : index
      %swap3A_2020 = tpu.vector_load %arg6[%swap3A_2018, %swap3A_2019] {strides = array<i32>} : memref<104x128xi32, #tpu.memory_space<vmem>>, vector<16xi32>,
      tpu.vector_store %arg6[%swap3A_2018, %swap3A_2019], %broadcast_in_dim3A_24 {strides = array<i32>} : memref<104x128xi32, #tpu.memory_space<vmem>>, vector<16xi32>,
      %mul3A_2021 = arith.constant 4 : i32
      %mul3A_2022 = arith.muli %scan3A_1937, %mul3A_2021 : i32
      %add3A_2023 = arith.constant 1 : i32
      %add3A_2024 = arith.addi %mul3A_2022, %add3A_2023 : i32
      %swap3A_2025 = arith.index_cast %add3A_2024 : i32 to index
      %swap3A_2026 = arith.constant 64 : index
      %swap3A_2027 = tpu.vector_load %arg6[%swap3A_2025, %swap3A_2026] {strides = array<i32>} : memref<104x128xi32, #tpu.memory_space<vmem>>, vector<16xi32>,
      tpu.vector_store %arg6[%swap3A_2025, %swap3A_2026], %broadcast_in_dim3A_24 {strides = array<i32>} : memref<104x128xi32, #tpu.memory_space<vmem>>, vector<16xi32>,
      %mul3A_2028 = arith.constant 4 : i32
      %mul3A_2029 = arith.muli %scan3A_1937, %mul3A_2028 : i32
      %add3A_2030 = arith.constant 1 : i32
      %add3A_2031 = arith.addi %mul3A_2029, %add3A_2030 : i32
      %swap3A_2032 = arith.index_cast %add3A_2031 : i32 to index
      %swap3A_2033 = arith.constant 80 : index
      %swap3A_2034 = tpu.vector_load %arg6[%swap3A_2032, %swap3A_2033] {strides = array<i32>} : memref<104x128xi32, #tpu.memory_space<vmem>>, vector<16xi32>,
      tpu.vector_store %arg6[%swap3A_2032, %swap3A_2033], %broadcast_in_dim3A_24 {strides = array<i32>} : memref<104x128xi32, #tpu.memory_space<vmem>>, vector<16xi32>,
      %mul3A_2035 = arith.constant 4 : i32
      %mul3A_2036 = arith.muli %scan3A_1937, %mul3A_2035 : i32
      %add3A_2037 = arith.constant 1 : i32
      %add3A_2038 = arith.addi %mul3A_2036, %add3A_2037 : i32
      %swap3A_2039 = arith.index_cast %add3A_2038 : i32 to index
      %swap3A_2040 = arith.constant 96 : index
      %swap3A_2041 = tpu.vector_load %arg6[%swap3A_2039, %swap3A_2040] {strides = array<i32>} : memref<104x128xi32, #tpu.memory_space<vmem>>, vector<16xi32>,
      tpu.vector_store %arg6[%swap3A_2039, %swap3A_2040], %broadcast_in_dim3A_24 {strides = array<i32>} : memref<104x128xi32, #tpu.memory_space<vmem>>, vector<16xi32>,
      %mul3A_2042 = arith.constant 4 : i32
      %mul3A_2043 = arith.muli %scan3A_1937, %mul3A_2042 : i32
      %add3A_2044 = arith.constant 1 : i32
      %add3A_2045 = arith.addi %mul3A_2043, %add3A_2044 : i32
      %swap3A_2046 = arith.index_cast %add3A_2045 : i32 to index
      %swap3A_2047 = arith.constant 112 : index
      %swap3A_2048 = tpu.vector_load %arg6[%swap3A_2046, %swap3A_2047] {strides = array<i32>} : memref<104x128xi32, #tpu.memory_space<vmem>>, vector<16xi32>,
      tpu.vector_store %arg6[%swap3A_2046, %swap3A_2047], %broadcast_in_dim3A_24 {strides = array<i32>} : memref<104x128xi32, #tpu.memory_space<vmem>>, vector<16xi32>,
      %mul3A_2049 = arith.constant 4 : i32
      %mul3A_2050 = arith.muli %scan3A_1937, %mul3A_2049 : i32
      %add3A_2051 = arith.constant 2 : i32
      %add3A_2052 = arith.addi %mul3A_2050, %add3A_2051 : i32
      %swap3A_2053 = arith.index_cast %add3A_2052 : i32 to index
      %swap3A_2054 = arith.constant 0 : index
      %swap3A_2055 = tpu.vector_load %arg6[%swap3A_2053, %swap3A_2054] {strides = array<i32>} : memref<104x128xi32, #tpu.memory_space<vmem>>, vector<16xi32>,
      tpu.vector_store %arg6[%swap3A_2053, %swap3A_2054], %broadcast_in_dim3A_24 {strides = array<i32>} : memref<104x128xi32, #tpu.memory_space<vmem>>, vector<16xi32>,
      %mul3A_2056 = arith.constant 4 : i32
      %mul3A_2057 = arith.muli %scan3A_1937, %mul3A_2056 : i32
      %add3A_2058 = arith.constant 2 : i32
      %add3A_2059 = arith.addi %mul3A_2057, %add3A_2058 : i32
      %swap3A_2060 = arith.index_cast %add3A_2059 : i32 to index
      %swap3A_2061 = arith.constant 16 : index
      %swap3A_2062 = tpu.vector_load %arg6[%swap3A_2060, %swap3A_2061] {strides = array<i32>} : memref<104x128xi32, #tpu.memory_space<vmem>>, vector<16xi32>,
      tpu.vector_store %arg6[%swap3A_2060, %swap3A_2061], %broadcast_in_dim3A_24 {strides = array<i32>} : memref<104x128xi32, #tpu.memory_space<vmem>>, vector<16xi32>,
      %mul3A_2063 = arith.constant 4 : i32
      %mul3A_2064 = arith.muli %scan3A_1937, %mul3A_2063 : i32
      %add3A_2065 = arith.constant 2 : i32
      %add3A_2066 = arith.addi %mul3A_2064, %add3A_2065 : i32
      %swap3A_2067 = arith.index_cast %add3A_2066 : i32 to index
      %swap3A_2068 = arith.constant 32 : index
      %swap3A_2069 = tpu.vector_load %arg6[%swap3A_2067, %swap3A_2068] {strides = array<i32>} : memref<104x128xi32, #tpu.memory_space<vmem>>, vector<16xi32>,
      tpu.vector_store %arg6[%swap3A_2067, %swap3A_2068], %broadcast_in_dim3A_24 {strides = array<i32>} : memref<104x128xi32, #tpu.memory_space<vmem>>, vector<16xi32>,
      %mul3A_2070 = arith.constant 4 : i32
      %mul3A_2071 = arith.muli %scan3A_1937, %mul3A_2070 : i32
      %add3A_2072 = arith.constant 2 : i32
      %add3A_2073 = arith.addi %mul3A_2071, %add3A_2072 : i32
      %swap3A_2074 = arith.index_cast %add3A_2073 : i32 to index
      %swap3A_2075 = arith.constant 48 : index
      %swap3A_2076 = tpu.vector_load %arg6[%swap3A_2074, %swap3A_2075] {strides = array<i32>} : memref<104x128xi32, #tpu.memory_space<vmem>>, vector<16xi32>,
      tpu.vector_store %arg6[%swap3A_2074, %swap3A_2075], %broadcast_in_dim3A_24 {strides = array<i32>} : memref<104x128xi32, #tpu.memory_space<vmem>>, vector<16xi32>,
      %mul3A_2077 = arith.constant 4 : i32
      %mul3A_2078 = arith.muli %scan3A_1937, %mul3A_2077 : i32
      %add3A_2079 = arith.constant 2 : i32
      %add3A_2080 = arith.addi %mul3A_2078, %add3A_2079 : i32
      %swap3A_2081 = arith.index_cast %add3A_2080 : i32 to index
      %swap3A_2082 = arith.constant 64 : index
      %swap3A_2083 = tpu.vector_load %arg6[%swap3A_2081, %swap3A_2082] {strides = array<i32>} : memref<104x128xi32, #tpu.memory_space<vmem>>, vector<16xi32>,
      tpu.vector_store %arg6[%swap3A_2081, %swap3A_2082], %broadcast_in_dim3A_24 {strides = array<i32>} : memref<104x128xi32, #tpu.memory_space<vmem>>, vector<16xi32>,
      %mul3A_2084 = arith.constant 4 : i32
      %mul3A_2085 = arith.muli %scan3A_1937, %mul3A_2084 : i32
      %add3A_2086 = arith.constant 2 : i32
      %add3A_2087 = arith.addi %mul3A_2085, %add3A_2086 : i32
      %swap3A_2088 = arith.index_cast %add3A_2087 : i32 to index
      %swap3A_2089 = arith.constant 80 : index
      %swap3A_2090 = tpu.vector_load %arg6[%swap3A_2088, %swap3A_2089] {strides = array<i32>} : memref<104x128xi32, #tpu.memory_space<vmem>>, vector<16xi32>,
      tpu.vector_store %arg6[%swap3A_2088, %swap3A_2089], %broadcast_in_dim3A_24 {strides = array<i32>} : memref<104x128xi32, #tpu.memory_space<vmem>>, vector<16xi32>,
      %mul3A_2091 = arith.constant 4 : i32
      %mul3A_2092 = arith.muli %scan3A_1937, %mul3A_2091 : i32
      %add3A_2093 = arith.constant 2 : i32
      %add3A_2094 = arith.addi %mul3A_2092, %add3A_2093 : i32
      %swap3A_2095 = arith.index_cast %add3A_2094 : i32 to index
      %swap3A_2096 = arith.constant 96 : index
      %swap3A_2097 = tpu.vector_load %arg6[%swap3A_2095, %swap3A_2096] {strides = array<i32>} : memref<104x128xi32, #tpu.memory_space<vmem>>, vector<16xi32>,
      tpu.vector_store %arg6[%swap3A_2095, %swap3A_2096], %broadcast_in_dim3A_24 {strides = array<i32>} : memref<104x128xi32, #tpu.memory_space<vmem>>, vector<16xi32>,
      %mul3A_2098 = arith.constant 4 : i32
      %mul3A_2099 = arith.muli %scan3A_1937, %mul3A_2098 : i32
      %add3A_2100 = arith.constant 2 : i32
      %add3A_2101 = arith.addi %mul3A_2099, %add3A_2100 : i32
      %swap3A_2102 = arith.index_cast %add3A_2101 : i32 to index
      %swap3A_2103 = arith.constant 112 : index
      %swap3A_2104 = tpu.vector_load %arg6[%swap3A_2102, %swap3A_2103] {strides = array<i32>} : memref<104x128xi32, #tpu.memory_space<vmem>>, vector<16xi32>,
      tpu.vector_store %arg6[%swap3A_2102, %swap3A_2103], %broadcast_in_dim3A_24 {strides = array<i32>} : memref<104x128xi32, #tpu.memory_space<vmem>>, vector<16xi32>,
      %mul3A_2105 = arith.constant 4 : i32
      %mul3A_2106 = arith.muli %scan3A_1937, %mul3A_2105 : i32
      %add3A_2107 = arith.constant 3 : i32
      %add3A_2108 = arith.addi %mul3A_2106, %add3A_2107 : i32
      %swap3A_2109 = arith.index_cast %add3A_2108 : i32 to index
      %swap3A_2110 = arith.constant 0 : index
      %swap3A_2111 = tpu.vector_load %arg6[%swap3A_2109, %swap3A_2110] {strides = array<i32>} : memref<104x128xi32, #tpu.memory_space<vmem>>, vector<16xi32>,
      tpu.vector_store %arg6[%swap3A_2109, %swap3A_2110], %broadcast_in_dim3A_24 {strides = array<i32>} : memref<104x128xi32, #tpu.memory_space<vmem>>, vector<16xi32>,
      %mul3A_2112 = arith.constant 4 : i32
      %mul3A_2113 = arith.muli %scan3A_1937, %mul3A_2112 : i32
      %add3A_2114 = arith.constant 3 : i32
      %add3A_2115 = arith.addi %mul3A_2113, %add3A_2114 : i32
      %swap3A_2116 = arith.index_cast %add3A_2115 : i32 to index
      %swap3A_2117 = arith.constant 16 : index
      %swap3A_2118 = tpu.vector_load %arg6[%swap3A_2116, %swap3A_2117] {strides = array<i32>} : memref<104x128xi32, #tpu.memory_space<vmem>>, vector<16xi32>,
      tpu.vector_store %arg6[%swap3A_2116, %swap3A_2117], %broadcast_in_dim3A_24 {strides = array<i32>} : memref<104x128xi32, #tpu.memory_space<vmem>>, vector<16xi32>,
      %mul3A_2119 = arith.constant 4 : i32
      %mul3A_2120 = arith.muli %scan3A_1937, %mul3A_2119 : i32
      %add3A_2121 = arith.constant 3 : i32
      %add3A_2122 = arith.addi %mul3A_2120, %add3A_2121 : i32
      %swap3A_2123 = arith.index_cast %add3A_2122 : i32 to index
      %swap3A_2124 = arith.constant 32 : index
      %swap3A_2125 = tpu.vector_load %arg6[%swap3A_2123, %swap3A_2124] {strides = array<i32>} : memref<104x128xi32, #tpu.memory_space<vmem>>, vector<16xi32>,
      tpu.vector_store %arg6[%swap3A_2123, %swap3A_2124], %broadcast_in_dim3A_24 {strides = array<i32>} : memref<104x128xi32, #tpu.memory_space<vmem>>, vector<16xi32>,
      %mul3A_2126 = arith.constant 4 : i32
      %mul3A_2127 = arith.muli %scan3A_1937, %mul3A_2126 : i32
      %add3A_2128 = arith.constant 3 : i32
      %add3A_2129 = arith.addi %mul3A_2127, %add3A_2128 : i32
      %swap3A_2130 = arith.index_cast %add3A_2129 : i32 to index
      %swap3A_2131 = arith.constant 48 : index
      %swap3A_2132 = tpu.vector_load %arg6[%swap3A_2130, %swap3A_2131] {strides = array<i32>} : memref<104x128xi32, #tpu.memory_space<vmem>>, vector<16xi32>,
      tpu.vector_store %arg6[%swap3A_2130, %swap3A_2131], %broadcast_in_dim3A_24 {strides = array<i32>} : memref<104x128xi32, #tpu.memory_space<vmem>>, vector<16xi32>,
      %mul3A_2133 = arith.constant 4 : i32
      %mul3A_2134 = arith.muli %scan3A_1937, %mul3A_2133 : i32
      %add3A_2135 = arith.constant 3 : i32
      %add3A_2136 = arith.addi %mul3A_2134, %add3A_2135 : i32
      %swap3A_2137 = arith.index_cast %add3A_2136 : i32 to index
      %swap3A_2138 = arith.constant 64 : index
      %swap3A_2139 = tpu.vector_load %arg6[%swap3A_2137, %swap3A_2138] {strides = array<i32>} : memref<104x128xi32, #tpu.memory_space<vmem>>, vector<16xi32>,
      tpu.vector_store %arg6[%swap3A_2137, %swap3A_2138], %broadcast_in_dim3A_24 {strides = array<i32>} : memref<104x128xi32, #tpu.memory_space<vmem>>, vector<16xi32>,
      %mul3A_2140 = arith.constant 4 : i32
      %mul3A_2141 = arith.muli %scan3A_1937, %mul3A_2140 : i32
      %add3A_2142 = arith.constant 3 : i32
      %add3A_2143 = arith.addi %mul3A_2141, %add3A_2142 : i32
      %swap3A_2144 = arith.index_cast %add3A_2143 : i32 to index
      %swap3A_2145 = arith.constant 80 : index
      %swap3A_2146 = tpu.vector_load %arg6[%swap3A_2144, %swap3A_2145] {strides = array<i32>} : memref<104x128xi32, #tpu.memory_space<vmem>>, vector<16xi32>,
      tpu.vector_store %arg6[%swap3A_2144, %swap3A_2145], %broadcast_in_dim3A_24 {strides = array<i32>} : memref<104x128xi32, #tpu.memory_space<vmem>>, vector<16xi32>,
      %mul3A_2147 = arith.constant 4 : i32
      %mul3A_2148 = arith.muli %scan3A_1937, %mul3A_2147 : i32
      %add3A_2149 = arith.constant 3 : i32
      %add3A_2150 = arith.addi %mul3A_2148, %add3A_2149 : i32
      %swap3A_2151 = arith.index_cast %add3A_2150 : i32 to index
      %swap3A_2152 = arith.constant 96 : index
      %swap3A_2153 = tpu.vector_load %arg6[%swap3A_2151, %swap3A_2152] {strides = array<i32>} : memref<104x128xi32, #tpu.memory_space<vmem>>, vector<16xi32>,
      tpu.vector_store %arg6[%swap3A_2151, %swap3A_2152], %broadcast_in_dim3A_24 {strides = array<i32>} : memref<104x128xi32, #tpu.memory_space<vmem>>, vector<16xi32>,
      %mul3A_2154 = arith.constant 4 : i32
      %mul3A_2155 = arith.muli %scan3A_1937, %mul3A_2154 : i32
      %add3A_2156 = arith.constant 3 : i32
      %add3A_2157 = arith.addi %mul3A_2155, %add3A_2156 : i32
      %swap3A_2158 = arith.index_cast %add3A_2157 : i32 to index
      %swap3A_2159 = arith.constant 112 : index
      %swap3A_2160 = tpu.vector_load %arg6[%swap3A_2158, %swap3A_2159] {strides = array<i32>} : memref<104x128xi32, #tpu.memory_space<vmem>>, vector<16xi32>,
      tpu.vector_store %arg6[%swap3A_2158, %swap3A_2159], %broadcast_in_dim3A_24 {strides = array<i32>} : memref<104x128xi32, #tpu.memory_space<vmem>>, vector<16xi32>,
    }
    %scan3A_226 = arith.constant 26 : i32
    %add3A_227 = arith.constant 4 : i32
    %add3A_228 = arith.addi %select_n3A, %add3A_227 : i32
    %rem3A_229 = arith.constant 25 : i32
    %rem3A_230 = arith.remsi %add3A_228, %rem3A_229 : i32
    %mul3A_231 = arith.constant 4 : i32
    %mul3A_232 = arith.muli %mul3A_231, %rem3A_230 : i32
    %add3A_233 = vector.broadcast %mul3A_232 : i32 to vector<16xi32>
    %add3A_234 = arith.addi %broadcast_in_dim3A_28, %add3A_233 : vector<16xi32>
    %get3A_235 = arith.index_cast %rem3A_230 : i32 to index
    %get3A_236 = arith.constant 0 : index
    %get3A_237 = tpu.vector_load %arg4[%get3A_235, %get3A_236] {strides = array<i32>} : memref<26x128xi32, #tpu.memory_space<vmem>>, vector<16xi32>,
    %sub3A_238 = arith.subi %get3A_237, %add3A_234 : vector<16xi32>
    %ge3A_239 = arith.cmpi sge, %get3A_237, %add3A_234 : vector<16xi32>
    tpu.vector_store_idx %arg6[%sub3A_238, %add3A_31], %broadcast_in_dim3A_26 masked %ge3A_239 : memref<104x128xi32, #tpu.memory_space<vmem>>[vector<16xi32>, vector<16xi32>], vector<16xi32>, vector<16xi1>
    %add3A_240 = arith.constant 1 : i32
    %add3A_241 = arith.addi %rem3A_230, %add3A_240 : i32
    %get3A_242 = arith.index_cast %add3A_241 : i32 to index
    %get3A_243 = arith.constant 0 : index
    %get3A_244 = tpu.vector_load %arg4[%get3A_242, %get3A_243] {strides = array<i32>} : memref<26x128xi32, #tpu.memory_space<vmem>>, vector<16xi32>,
    %sub3A_245 = arith.constant 100 : i32
    %sub3A_246 = vector.broadcast %sub3A_245 : i32 to vector<16xi32>
    %sub3A_247 = arith.subi %sub3A_246, %add3A_234 : vector<16xi32>
    %add3A_248 = arith.addi %get3A_244, %sub3A_247 : vector<16xi32>
    %add3A_249 = arith.constant 4 : i32
    %add3A_250 = vector.broadcast %add3A_249 : i32 to vector<16xi32>
    %add3A_251 = arith.addi %add3A_234, %add3A_250 : vector<16xi32>
    %lt3A_252 = arith.cmpi slt, %get3A_244, %add3A_251 : vector<16xi32>
    tpu.vector_store_idx %arg6[%add3A_248, %add3A_31], %broadcast_in_dim3A_26 masked %lt3A_252 : memref<104x128xi32, #tpu.memory_space<vmem>>[vector<16xi32>, vector<16xi32>], vector<16xi32>, vector<16xi1>
    %get3A_253 = arith.index_cast %rem3A_230 : i32 to index
    %get3A_254 = arith.constant 16 : index
    %get3A_255 = tpu.vector_load %arg4[%get3A_253, %get3A_254] {strides = array<i32>} : memref<26x128xi32, #tpu.memory_space<vmem>>, vector<16xi32>,
    %sub3A_256 = arith.subi %get3A_255, %add3A_234 : vector<16xi32>
    %ge3A_257 = arith.cmpi sge, %get3A_255, %add3A_234 : vector<16xi32>
    tpu.vector_store_idx %arg6[%sub3A_256, %add3A_35], %broadcast_in_dim3A_26 masked %ge3A_257 : memref<104x128xi32, #tpu.memory_space<vmem>>[vector<16xi32>, vector<16xi32>], vector<16xi32>, vector<16xi1>
    %add3A_258 = arith.constant 1 : i32
    %add3A_259 = arith.addi %rem3A_230, %add3A_258 : i32
    %get3A_260 = arith.index_cast %add3A_259 : i32 to index
    %get3A_261 = arith.constant 16 : index
    %get3A_262 = tpu.vector_load %arg4[%get3A_260, %get3A_261] {strides = array<i32>} : memref<26x128xi32, #tpu.memory_space<vmem>>, vector<16xi32>,
    %sub3A_263 = arith.constant 100 : i32
    %sub3A_264 = vector.broadcast %sub3A_263 : i32 to vector<16xi32>
    %sub3A_265 = arith.subi %sub3A_264, %add3A_234 : vector<16xi32>
    %add3A_266 = arith.addi %get3A_262, %sub3A_265 : vector<16xi32>
    %add3A_267 = arith.constant 4 : i32
    %add3A_268 = vector.broadcast %add3A_267 : i32 to vector<16xi32>
    %add3A_269 = arith.addi %add3A_234, %add3A_268 : vector<16xi32>
    %lt3A_270 = arith.cmpi slt, %get3A_262, %add3A_269 : vector<16xi32>
    tpu.vector_store_idx %arg6[%add3A_266, %add3A_35], %broadcast_in_dim3A_26 masked %lt3A_270 : memref<104x128xi32, #tpu.memory_space<vmem>>[vector<16xi32>, vector<16xi32>], vector<16xi32>, vector<16xi1>
    %get3A_271 = arith.index_cast %rem3A_230 : i32 to index
    %get3A_272 = arith.constant 32 : index
    %get3A_273 = tpu.vector_load %arg4[%get3A_271, %get3A_272] {strides = array<i32>} : memref<26x128xi32, #tpu.memory_space<vmem>>, vector<16xi32>,
    %sub3A_274 = arith.subi %get3A_273, %add3A_234 : vector<16xi32>
    %ge3A_275 = arith.cmpi sge, %get3A_273, %add3A_234 : vector<16xi32>
    tpu.vector_store_idx %arg6[%sub3A_274, %add3A_39], %broadcast_in_dim3A_26 masked %ge3A_275 : memref<104x128xi32, #tpu.memory_space<vmem>>[vector<16xi32>, vector<16xi32>], vector<16xi32>, vector<16xi1>
    %add3A_276 = arith.constant 1 : i32
    %add3A_277 = arith.addi %rem3A_230, %add3A_276 : i32
    %get3A_278 = arith.index_cast %add3A_277 : i32 to index
    %get3A_279 = arith.constant 32 : index
    %get3A_280 = tpu.vector_load %arg4[%get3A_278, %get3A_279] {strides = array<i32>} : memref<26x128xi32, #tpu.memory_space<vmem>>, vector<16xi32>,
    %sub3A_281 = arith.constant 100 : i32
    %sub3A_282 = vector.broadcast %sub3A_281 : i32 to vector<16xi32>
    %sub3A_283 = arith.subi %sub3A_282, %add3A_234 : vector<16xi32>
    %add3A_284 = arith.addi %get3A_280, %sub3A_283 : vector<16xi32>
    %add3A_285 = arith.constant 4 : i32
    %add3A_286 = vector.broadcast %add3A_285 : i32 to vector<16xi32>
    %add3A_287 = arith.addi %add3A_234, %add3A_286 : vector<16xi32>
    %lt3A_288 = arith.cmpi slt, %get3A_280, %add3A_287 : vector<16xi32>
    tpu.vector_store_idx %arg6[%add3A_284, %add3A_39], %broadcast_in_dim3A_26 masked %lt3A_288 : memref<104x128xi32, #tpu.memory_space<vmem>>[vector<16xi32>, vector<16xi32>], vector<16xi32>, vector<16xi1>
    %get3A_289 = arith.index_cast %rem3A_230 : i32 to index
    %get3A_290 = arith.constant 48 : index
    %get3A_291 = tpu.vector_load %arg4[%get3A_289, %get3A_290] {strides = array<i32>} : memref<26x128xi32, #tpu.memory_space<vmem>>, vector<16xi32>,
    %sub3A_292 = arith.subi %get3A_291, %add3A_234 : vector<16xi32>
    %ge3A_293 = arith.cmpi sge, %get3A_291, %add3A_234 : vector<16xi32>
    tpu.vector_store_idx %arg6[%sub3A_292, %add3A_43], %broadcast_in_dim3A_26 masked %ge3A_293 : memref<104x128xi32, #tpu.memory_space<vmem>>[vector<16xi32>, vector<16xi32>], vector<16xi32>, vector<16xi1>
    %add3A_294 = arith.constant 1 : i32
    %add3A_295 = arith.addi %rem3A_230, %add3A_294 : i32
    %get3A_296 = arith.index_cast %add3A_295 : i32 to index
    %get3A_297 = arith.constant 48 : index
    %get3A_298 = tpu.vector_load %arg4[%get3A_296, %get3A_297] {strides = array<i32>} : memref<26x128xi32, #tpu.memory_space<vmem>>, vector<16xi32>,
    %sub3A_299 = arith.constant 100 : i32
    %sub3A_300 = vector.broadcast %sub3A_299 : i32 to vector<16xi32>
    %sub3A_301 = arith.subi %sub3A_300, %add3A_234 : vector<16xi32>
    %add3A_302 = arith.addi %get3A_298, %sub3A_301 : vector<16xi32>
    %add3A_303 = arith.constant 4 : i32
    %add3A_304 = vector.broadcast %add3A_303 : i32 to vector<16xi32>
    %add3A_305 = arith.addi %add3A_234, %add3A_304 : vector<16xi32>
    %lt3A_306 = arith.cmpi slt, %get3A_298, %add3A_305 : vector<16xi32>
    tpu.vector_store_idx %arg6[%add3A_302, %add3A_43], %broadcast_in_dim3A_26 masked %lt3A_306 : memref<104x128xi32, #tpu.memory_space<vmem>>[vector<16xi32>, vector<16xi32>], vector<16xi32>, vector<16xi1>
    %get3A_307 = arith.index_cast %rem3A_230 : i32 to index
    %get3A_308 = arith.constant 64 : index
    %get3A_309 = tpu.vector_load %arg4[%get3A_307, %get3A_308] {strides = array<i32>} : memref<26x128xi32, #tpu.memory_space<vmem>>, vector<16xi32>,
    %sub3A_310 = arith.subi %get3A_309, %add3A_234 : vector<16xi32>
    %ge3A_311 = arith.cmpi sge, %get3A_309, %add3A_234 : vector<16xi32>
    tpu.vector_store_idx %arg6[%sub3A_310, %add3A_47], %broadcast_in_dim3A_26 masked %ge3A_311 : memref<104x128xi32, #tpu.memory_space<vmem>>[vector<16xi32>, vector<16xi32>], vector<16xi32>, vector<16xi1>
    %add3A_312 = arith.constant 1 : i32
    %add3A_313 = arith.addi %rem3A_230, %add3A_312 : i32
    %get3A_314 = arith.index_cast %add3A_313 : i32 to index
    %get3A_315 = arith.constant 64 : index
    %get3A_316 = tpu.vector_load %arg4[%get3A_314, %get3A_315] {strides = array<i32>} : memref<26x128xi32, #tpu.memory_space<vmem>>, vector<16xi32>,
    %sub3A_317 = arith.constant 100 : i32
    %sub3A_318 = vector.broadcast %sub3A_317 : i32 to vector<16xi32>
    %sub3A_319 = arith.subi %sub3A_318, %add3A_234 : vector<16xi32>
    %add3A_320 = arith.addi %get3A_316, %sub3A_319 : vector<16xi32>
    %add3A_321 = arith.constant 4 : i32
    %add3A_322 = vector.broadcast %add3A_321 : i32 to vector<16xi32>
    %add3A_323 = arith.addi %add3A_234, %add3A_322 : vector<16xi32>
    %lt3A_324 = arith.cmpi slt, %get3A_316, %add3A_323 : vector<16xi32>
    tpu.vector_store_idx %arg6[%add3A_320, %add3A_47], %broadcast_in_dim3A_26 masked %lt3A_324 : memref<104x128xi32, #tpu.memory_space<vmem>>[vector<16xi32>, vector<16xi32>], vector<16xi32>, vector<16xi1>
    %get3A_325 = arith.index_cast %rem3A_230 : i32 to index
    %get3A_326 = arith.constant 80 : index
    %get3A_327 = tpu.vector_load %arg4[%get3A_325, %get3A_326] {strides = array<i32>} : memref<26x128xi32, #tpu.memory_space<vmem>>, vector<16xi32>,
    %sub3A_328 = arith.subi %get3A_327, %add3A_234 : vector<16xi32>
    %ge3A_329 = arith.cmpi sge, %get3A_327, %add3A_234 : vector<16xi32>
    tpu.vector_store_idx %arg6[%sub3A_328, %add3A_51], %broadcast_in_dim3A_26 masked %ge3A_329 : memref<104x128xi32, #tpu.memory_space<vmem>>[vector<16xi32>, vector<16xi32>], vector<16xi32>, vector<16xi1>
    %add3A_330 = arith.constant 1 : i32
    %add3A_331 = arith.addi %rem3A_230, %add3A_330 : i32
    %get3A_332 = arith.index_cast %add3A_331 : i32 to index
    %get3A_333 = arith.constant 80 : index
    %get3A_334 = tpu.vector_load %arg4[%get3A_332, %get3A_333] {strides = array<i32>} : memref<26x128xi32, #tpu.memory_space<vmem>>, vector<16xi32>,
    %sub3A_335 = arith.constant 100 : i32
    %sub3A_336 = vector.broadcast %sub3A_335 : i32 to vector<16xi32>
    %sub3A_337 = arith.subi %sub3A_336, %add3A_234 : vector<16xi32>
    %add3A_338 = arith.addi %get3A_334, %sub3A_337 : vector<16xi32>
    %add3A_339 = arith.constant 4 : i32
    %add3A_340 = vector.broadcast %add3A_339 : i32 to vector<16xi32>
    %add3A_341 = arith.addi %add3A_234, %add3A_340 : vector<16xi32>
    %lt3A_342 = arith.cmpi slt, %get3A_334, %add3A_341 : vector<16xi32>
    tpu.vector_store_idx %arg6[%add3A_338, %add3A_51], %broadcast_in_dim3A_26 masked %lt3A_342 : memref<104x128xi32, #tpu.memory_space<vmem>>[vector<16xi32>, vector<16xi32>], vector<16xi32>, vector<16xi1>
    %get3A_343 = arith.index_cast %rem3A_230 : i32 to index
    %get3A_344 = arith.constant 96 : index
    %get3A_345 = tpu.vector_load %arg4[%get3A_343, %get3A_344] {strides = array<i32>} : memref<26x128xi32, #tpu.memory_space<vmem>>, vector<16xi32>,
    %sub3A_346 = arith.subi %get3A_345, %add3A_234 : vector<16xi32>
    %ge3A_347 = arith.cmpi sge, %get3A_345, %add3A_234 : vector<16xi32>
    tpu.vector_store_idx %arg6[%sub3A_346, %add3A_55], %broadcast_in_dim3A_26 masked %ge3A_347 : memref<104x128xi32, #tpu.memory_space<vmem>>[vector<16xi32>, vector<16xi32>], vector<16xi32>, vector<16xi1>
    %add3A_348 = arith.constant 1 : i32
    %add3A_349 = arith.addi %rem3A_230, %add3A_348 : i32
    %get3A_350 = arith.index_cast %add3A_349 : i32 to index
    %get3A_351 = arith.constant 96 : index
    %get3A_352 = tpu.vector_load %arg4[%get3A_350, %get3A_351] {strides = array<i32>} : memref<26x128xi32, #tpu.memory_space<vmem>>, vector<16xi32>,
    %sub3A_353 = arith.constant 100 : i32
    %sub3A_354 = vector.broadcast %sub3A_353 : i32 to vector<16xi32>
    %sub3A_355 = arith.subi %sub3A_354, %add3A_234 : vector<16xi32>
    %add3A_356 = arith.addi %get3A_352, %sub3A_355 : vector<16xi32>
    %add3A_357 = arith.constant 4 : i32
    %add3A_358 = vector.broadcast %add3A_357 : i32 to vector<16xi32>
    %add3A_359 = arith.addi %add3A_234, %add3A_358 : vector<16xi32>
    %lt3A_360 = arith.cmpi slt, %get3A_352, %add3A_359 : vector<16xi32>
    tpu.vector_store_idx %arg6[%add3A_356, %add3A_55], %broadcast_in_dim3A_26 masked %lt3A_360 : memref<104x128xi32, #tpu.memory_space<vmem>>[vector<16xi32>, vector<16xi32>], vector<16xi32>, vector<16xi1>
    %get3A_361 = arith.index_cast %rem3A_230 : i32 to index
    %get3A_362 = arith.constant 112 : index
    %get3A_363 = tpu.vector_load %arg4[%get3A_361, %get3A_362] {strides = array<i32>} : memref<26x128xi32, #tpu.memory_space<vmem>>, vector<16xi32>,
    %sub3A_364 = arith.subi %get3A_363, %add3A_234 : vector<16xi32>
    %ge3A_365 = arith.cmpi sge, %get3A_363, %add3A_234 : vector<16xi32>
    tpu.vector_store_idx %arg6[%sub3A_364, %add3A_59], %broadcast_in_dim3A_26 masked %ge3A_365 : memref<104x128xi32, #tpu.memory_space<vmem>>[vector<16xi32>, vector<16xi32>], vector<16xi32>, vector<16xi1>
    %add3A_366 = arith.constant 1 : i32
    %add3A_367 = arith.addi %rem3A_230, %add3A_366 : i32
    %get3A_368 = arith.index_cast %add3A_367 : i32 to index
    %get3A_369 = arith.constant 112 : index
    %get3A_370 = tpu.vector_load %arg4[%get3A_368, %get3A_369] {strides = array<i32>} : memref<26x128xi32, #tpu.memory_space<vmem>>, vector<16xi32>,
    %sub3A_371 = arith.constant 100 : i32
    %sub3A_372 = vector.broadcast %sub3A_371 : i32 to vector<16xi32>
    %sub3A_373 = arith.subi %sub3A_372, %add3A_234 : vector<16xi32>
    %add3A_374 = arith.addi %get3A_370, %sub3A_373 : vector<16xi32>
    %add3A_375 = arith.constant 4 : i32
    %add3A_376 = vector.broadcast %add3A_375 : i32 to vector<16xi32>
    %add3A_377 = arith.addi %add3A_234, %add3A_376 : vector<16xi32>
    %lt3A_378 = arith.cmpi slt, %get3A_370, %add3A_377 : vector<16xi32>
    tpu.vector_store_idx %arg6[%add3A_374, %add3A_59], %broadcast_in_dim3A_26 masked %lt3A_378 : memref<104x128xi32, #tpu.memory_space<vmem>>[vector<16xi32>, vector<16xi32>], vector<16xi32>, vector<16xi1>
    %mul3A_379 = arith.constant 104 : i32
    %mul3A_380 = arith.muli %rem3A_230, %mul3A_379 : i32
    %dma_start3A_381 = tpu.memref_slice %arg3[%mul3A_380, %mul3A_20] : memref<2600x1024xi32, #tpu.memory_space<hbm>> -> memref<104x128xi32, #tpu.memory_space<hbm>>
    %dma_start3A_382 = tpu.memref_slice %arg3[%mul3A_380, %mul3A_20] : memref<2600x1024xi32, #tpu.memory_space<hbm>> -> memref<104x128xi32, #tpu.memory_space<hbm>>
    tpu.enqueue_dma source(%arg6 : memref<104x128xi32, #tpu.memory_space<vmem>>) target(%dma_start3A_382 : memref<104x128xi32, #tpu.memory_space<hbm>>) target_semaphore(%arg8 : memref<!tpu.dma_semaphore, #tpu.memory_space<semaphore_mem>>)
    %dma_wait3A_383 = tpu.memref_slice %arg3[%mul3A_218, %mul3A_20] : memref<2600x1024xi32, #tpu.memory_space<hbm>> -> memref<104x128xi32, #tpu.memory_space<hbm>>
    %dma_wait3A_384 = tpu.memref_slice %arg3[%mul3A_218, %mul3A_20] : memref<2600x1024xi32, #tpu.memory_space<hbm>> -> memref<104x128xi32, #tpu.memory_space<hbm>>
    tpu.wait_dma2 semaphore(%arg7 : memref<!tpu.dma_semaphore, #tpu.memory_space<semaphore_mem>>) src(%arg5 : memref<104x128xi32, #tpu.memory_space<vmem>>) dst(%dma_wait3A_384 : memref<104x128xi32, #tpu.memory_space<hbm>>)
    %add3A_385 = arith.constant 0 : i32
    %add3A_386 = arith.addi %select_n3A, %add3A_385 : i32
    %rem3A_387 = arith.constant 25 : i32
    %rem3A_388 = arith.remsi %add3A_386, %rem3A_387 : i32
    %mul3A_389 = arith.constant 4 : i32
    %mul3A_390 = arith.muli %mul3A_389, %rem3A_388 : i32
    %add3A_391 = vector.broadcast %mul3A_390 : i32 to vector<16xi32>
    %add3A_392 = arith.addi %broadcast_in_dim3A_28, %add3A_391 : vector<16xi32>
    %get3A_393 = arith.index_cast %rem3A_388 : i32 to index
    %get3A_394 = arith.constant 0 : index
    %get3A_395 = tpu.vector_load %arg4[%get3A_393, %get3A_394] {strides = array<i32>} : memref<26x128xi32, #tpu.memory_space<vmem>>, vector<16xi32>,
    %sub3A_396 = arith.subi %get3A_395, %add3A_392 : vector<16xi32>
    %ge3A_397 = arith.cmpi sge, %get3A_395, %add3A_392 : vector<16xi32>
    tpu.vector_store_idx %arg5[%sub3A_396, %add3A_31], %broadcast_in_dim3A_24 masked %ge3A_397 : memref<104x128xi32, #tpu.memory_space<vmem>>[vector<16xi32>, vector<16xi32>], vector<16xi32>, vector<16xi1>
    %add3A_398 = arith.constant 1 : i32
    %add3A_399 = arith.addi %rem3A_388, %add3A_398 : i32
    %get3A_400 = arith.index_cast %add3A_399 : i32 to index
    %get3A_401 = arith.constant 0 : index
    %get3A_402 = tpu.vector_load %arg4[%get3A_400, %get3A_401] {strides = array<i32>} : memref<26x128xi32, #tpu.memory_space<vmem>>, vector<16xi32>,
    %sub3A_403 = arith.constant 100 : i32
    %sub3A_404 = vector.broadcast %sub3A_403 : i32 to vector<16xi32>
    %sub3A_405 = arith.subi %sub3A_404, %add3A_392 : vector<16xi32>
    %add3A_406 = arith.addi %get3A_402, %sub3A_405 : vector<16xi32>
    %add3A_407 = arith.constant 4 : i32
    %add3A_408 = vector.broadcast %add3A_407 : i32 to vector<16xi32>
    %add3A_409 = arith.addi %add3A_392, %add3A_408 : vector<16xi32>
    %lt3A_410 = arith.cmpi slt, %get3A_402, %add3A_409 : vector<16xi32>
    tpu.vector_store_idx %arg5[%add3A_406, %add3A_31], %broadcast_in_dim3A_24 masked %lt3A_410 : memref<104x128xi32, #tpu.memory_space<vmem>>[vector<16xi32>, vector<16xi32>], vector<16xi32>, vector<16xi1>
    %get3A_411 = arith.index_cast %rem3A_388 : i32 to index
    %get3A_412 = arith.constant 16 : index
    %get3A_413 = tpu.vector_load %arg4[%get3A_411, %get3A_412] {strides = array<i32>} : memref<26x128xi32, #tpu.memory_space<vmem>>, vector<16xi32>,
    %sub3A_414 = arith.subi %get3A_413, %add3A_392 : vector<16xi32>
    %ge3A_415 = arith.cmpi sge, %get3A_413, %add3A_392 : vector<16xi32>
    tpu.vector_store_idx %arg5[%sub3A_414, %add3A_35], %broadcast_in_dim3A_24 masked %ge3A_415 : memref<104x128xi32, #tpu.memory_space<vmem>>[vector<16xi32>, vector<16xi32>], vector<16xi32>, vector<16xi1>
    %add3A_416 = arith.constant 1 : i32
    %add3A_417 = arith.addi %rem3A_388, %add3A_416 : i32
    %get3A_418 = arith.index_cast %add3A_417 : i32 to index
    %get3A_419 = arith.constant 16 : index
    %get3A_420 = tpu.vector_load %arg4[%get3A_418, %get3A_419] {strides = array<i32>} : memref<26x128xi32, #tpu.memory_space<vmem>>, vector<16xi32>,
    %sub3A_421 = arith.constant 100 : i32
    %sub3A_422 = vector.broadcast %sub3A_421 : i32 to vector<16xi32>
    %sub3A_423 = arith.subi %sub3A_422, %add3A_392 : vector<16xi32>
    %add3A_424 = arith.addi %get3A_420, %sub3A_423 : vector<16xi32>
    %add3A_425 = arith.constant 4 : i32
    %add3A_426 = vector.broadcast %add3A_425 : i32 to vector<16xi32>
    %add3A_427 = arith.addi %add3A_392, %add3A_426 : vector<16xi32>
    %lt3A_428 = arith.cmpi slt, %get3A_420, %add3A_427 : vector<16xi32>
    tpu.vector_store_idx %arg5[%add3A_424, %add3A_35], %broadcast_in_dim3A_24 masked %lt3A_428 : memref<104x128xi32, #tpu.memory_space<vmem>>[vector<16xi32>, vector<16xi32>], vector<16xi32>, vector<16xi1>
    %get3A_429 = arith.index_cast %rem3A_388 : i32 to index
    %get3A_430 = arith.constant 32 : index
    %get3A_431 = tpu.vector_load %arg4[%get3A_429, %get3A_430] {strides = array<i32>} : memref<26x128xi32, #tpu.memory_space<vmem>>, vector<16xi32>,
    %sub3A_432 = arith.subi %get3A_431, %add3A_392 : vector<16xi32>
    %ge3A_433 = arith.cmpi sge, %get3A_431, %add3A_392 : vector<16xi32>
    tpu.vector_store_idx %arg5[%sub3A_432, %add3A_39], %broadcast_in_dim3A_24 masked %ge3A_433 : memref<104x128xi32, #tpu.memory_space<vmem>>[vector<16xi32>, vector<16xi32>], vector<16xi32>, vector<16xi1>
    %add3A_434 = arith.constant 1 : i32
    %add3A_435 = arith.addi %rem3A_388, %add3A_434 : i32
    %get3A_436 = arith.index_cast %add3A_435 : i32 to index
    %get3A_437 = arith.constant 32 : index
    %get3A_438 = tpu.vector_load %arg4[%get3A_436, %get3A_437] {strides = array<i32>} : memref<26x128xi32, #tpu.memory_space<vmem>>, vector<16xi32>,
    %sub3A_439 = arith.constant 100 : i32
    %sub3A_440 = vector.broadcast %sub3A_439 : i32 to vector<16xi32>
    %sub3A_441 = arith.subi %sub3A_440, %add3A_392 : vector<16xi32>
    %add3A_442 = arith.addi %get3A_438, %sub3A_441 : vector<16xi32>
    %add3A_443 = arith.constant 4 : i32
    %add3A_444 = vector.broadcast %add3A_443 : i32 to vector<16xi32>
    %add3A_445 = arith.addi %add3A_392, %add3A_444 : vector<16xi32>
    %lt3A_446 = arith.cmpi slt, %get3A_438, %add3A_445 : vector<16xi32>
    tpu.vector_store_idx %arg5[%add3A_442, %add3A_39], %broadcast_in_dim3A_24 masked %lt3A_446 : memref<104x128xi32, #tpu.memory_space<vmem>>[vector<16xi32>, vector<16xi32>], vector<16xi32>, vector<16xi1>
    %get3A_447 = arith.index_cast %rem3A_388 : i32 to index
    %get3A_448 = arith.constant 48 : index
    %get3A_449 = tpu.vector_load %arg4[%get3A_447, %get3A_448] {strides = array<i32>} : memref<26x128xi32, #tpu.memory_space<vmem>>, vector<16xi32>,
    %sub3A_450 = arith.subi %get3A_449, %add3A_392 : vector<16xi32>
    %ge3A_451 = arith.cmpi sge, %get3A_449, %add3A_392 : vector<16xi32>
    tpu.vector_store_idx %arg5[%sub3A_450, %add3A_43], %broadcast_in_dim3A_24 masked %ge3A_451 : memref<104x128xi32, #tpu.memory_space<vmem>>[vector<16xi32>, vector<16xi32>], vector<16xi32>, vector<16xi1>
    %add3A_452 = arith.constant 1 : i32
    %add3A_453 = arith.addi %rem3A_388, %add3A_452 : i32
    %get3A_454 = arith.index_cast %add3A_453 : i32 to index
    %get3A_455 = arith.constant 48 : index
    %get3A_456 = tpu.vector_load %arg4[%get3A_454, %get3A_455] {strides = array<i32>} : memref<26x128xi32, #tpu.memory_space<vmem>>, vector<16xi32>,
    %sub3A_457 = arith.constant 100 : i32
    %sub3A_458 = vector.broadcast %sub3A_457 : i32 to vector<16xi32>
    %sub3A_459 = arith.subi %sub3A_458, %add3A_392 : vector<16xi32>
    %add3A_460 = arith.addi %get3A_456, %sub3A_459 : vector<16xi32>
    %add3A_461 = arith.constant 4 : i32
    %add3A_462 = vector.broadcast %add3A_461 : i32 to vector<16xi32>
    %add3A_463 = arith.addi %add3A_392, %add3A_462 : vector<16xi32>
    %lt3A_464 = arith.cmpi slt, %get3A_456, %add3A_463 : vector<16xi32>
    tpu.vector_store_idx %arg5[%add3A_460, %add3A_43], %broadcast_in_dim3A_24 masked %lt3A_464 : memref<104x128xi32, #tpu.memory_space<vmem>>[vector<16xi32>, vector<16xi32>], vector<16xi32>, vector<16xi1>
    %get3A_465 = arith.index_cast %rem3A_388 : i32 to index
    %get3A_466 = arith.constant 64 : index
    %get3A_467 = tpu.vector_load %arg4[%get3A_465, %get3A_466] {strides = array<i32>} : memref<26x128xi32, #tpu.memory_space<vmem>>, vector<16xi32>,
    %sub3A_468 = arith.subi %get3A_467, %add3A_392 : vector<16xi32>
    %ge3A_469 = arith.cmpi sge, %get3A_467, %add3A_392 : vector<16xi32>
    tpu.vector_store_idx %arg5[%sub3A_468, %add3A_47], %broadcast_in_dim3A_24 masked %ge3A_469 : memref<104x128xi32, #tpu.memory_space<vmem>>[vector<16xi32>, vector<16xi32>], vector<16xi32>, vector<16xi1>
    %add3A_470 = arith.constant 1 : i32
    %add3A_471 = arith.addi %rem3A_388, %add3A_470 : i32
    %get3A_472 = arith.index_cast %add3A_471 : i32 to index
    %get3A_473 = arith.constant 64 : index
    %get3A_474 = tpu.vector_load %arg4[%get3A_472, %get3A_473] {strides = array<i32>} : memref<26x128xi32, #tpu.memory_space<vmem>>, vector<16xi32>,
    %sub3A_475 = arith.constant 100 : i32
    %sub3A_476 = vector.broadcast %sub3A_475 : i32 to vector<16xi32>
    %sub3A_477 = arith.subi %sub3A_476, %add3A_392 : vector<16xi32>
    %add3A_478 = arith.addi %get3A_474, %sub3A_477 : vector<16xi32>
    %add3A_479 = arith.constant 4 : i32
    %add3A_480 = vector.broadcast %add3A_479 : i32 to vector<16xi32>
    %add3A_481 = arith.addi %add3A_392, %add3A_480 : vector<16xi32>
    %lt3A_482 = arith.cmpi slt, %get3A_474, %add3A_481 : vector<16xi32>
    tpu.vector_store_idx %arg5[%add3A_478, %add3A_47], %broadcast_in_dim3A_24 masked %lt3A_482 : memref<104x128xi32, #tpu.memory_space<vmem>>[vector<16xi32>, vector<16xi32>], vector<16xi32>, vector<16xi1>
    %get3A_483 = arith.index_cast %rem3A_388 : i32 to index
    %get3A_484 = arith.constant 80 : index
    %get3A_485 = tpu.vector_load %arg4[%get3A_483, %get3A_484] {strides = array<i32>} : memref<26x128xi32, #tpu.memory_space<vmem>>, vector<16xi32>,
    %sub3A_486 = arith.subi %get3A_485, %add3A_392 : vector<16xi32>
    %ge3A_487 = arith.cmpi sge, %get3A_485, %add3A_392 : vector<16xi32>
    tpu.vector_store_idx %arg5[%sub3A_486, %add3A_51], %broadcast_in_dim3A_24 masked %ge3A_487 : memref<104x128xi32, #tpu.memory_space<vmem>>[vector<16xi32>, vector<16xi32>], vector<16xi32>, vector<16xi1>
    %add3A_488 = arith.constant 1 : i32
    %add3A_489 = arith.addi %rem3A_388, %add3A_488 : i32
    %get3A_490 = arith.index_cast %add3A_489 : i32 to index
    %get3A_491 = arith.constant 80 : index
    %get3A_492 = tpu.vector_load %arg4[%get3A_490, %get3A_491] {strides = array<i32>} : memref<26x128xi32, #tpu.memory_space<vmem>>, vector<16xi32>,
    %sub3A_493 = arith.constant 100 : i32
    %sub3A_494 = vector.broadcast %sub3A_493 : i32 to vector<16xi32>
    %sub3A_495 = arith.subi %sub3A_494, %add3A_392 : vector<16xi32>
    %add3A_496 = arith.addi %get3A_492, %sub3A_495 : vector<16xi32>
    %add3A_497 = arith.constant 4 : i32
    %add3A_498 = vector.broadcast %add3A_497 : i32 to vector<16xi32>
    %add3A_499 = arith.addi %add3A_392, %add3A_498 : vector<16xi32>
    %lt3A_500 = arith.cmpi slt, %get3A_492, %add3A_499 : vector<16xi32>
    tpu.vector_store_idx %arg5[%add3A_496, %add3A_51], %broadcast_in_dim3A_24 masked %lt3A_500 : memref<104x128xi32, #tpu.memory_space<vmem>>[vector<16xi32>, vector<16xi32>], vector<16xi32>, vector<16xi1>
    %get3A_501 = arith.index_cast %rem3A_388 : i32 to index
    %get3A_502 = arith.constant 96 : index
    %get3A_503 = tpu.vector_load %arg4[%get3A_501, %get3A_502] {strides = array<i32>} : memref<26x128xi32, #tpu.memory_space<vmem>>, vector<16xi32>,
    %sub3A_504 = arith.subi %get3A_503, %add3A_392 : vector<16xi32>
    %ge3A_505 = arith.cmpi sge, %get3A_503, %add3A_392 : vector<16xi32>
    tpu.vector_store_idx %arg5[%sub3A_504, %add3A_55], %broadcast_in_dim3A_24 masked %ge3A_505 : memref<104x128xi32, #tpu.memory_space<vmem>>[vector<16xi32>, vector<16xi32>], vector<16xi32>, vector<16xi1>
    %add3A_506 = arith.constant 1 : i32
    %add3A_507 = arith.addi %rem3A_388, %add3A_506 : i32
    %get3A_508 = arith.index_cast %add3A_507 : i32 to index
    %get3A_509 = arith.constant 96 : index
    %get3A_510 = tpu.vector_load %arg4[%get3A_508, %get3A_509] {strides = array<i32>} : memref<26x128xi32, #tpu.memory_space<vmem>>, vector<16xi32>,
    %sub3A_511 = arith.constant 100 : i32
    %sub3A_512 = vector.broadcast %sub3A_511 : i32 to vector<16xi32>
    %sub3A_513 = arith.subi %sub3A_512, %add3A_392 : vector<16xi32>
    %add3A_514 = arith.addi %get3A_510, %sub3A_513 : vector<16xi32>
    %add3A_515 = arith.constant 4 : i32
    %add3A_516 = vector.broadcast %add3A_515 : i32 to vector<16xi32>
    %add3A_517 = arith.addi %add3A_392, %add3A_516 : vector<16xi32>
    %lt3A_518 = arith.cmpi slt, %get3A_510, %add3A_517 : vector<16xi32>
    tpu.vector_store_idx %arg5[%add3A_514, %add3A_55], %broadcast_in_dim3A_24 masked %lt3A_518 : memref<104x128xi32, #tpu.memory_space<vmem>>[vector<16xi32>, vector<16xi32>], vector<16xi32>, vector<16xi1>
    %get3A_519 = arith.index_cast %rem3A_388 : i32 to index
    %get3A_520 = arith.constant 112 : index
    %get3A_521 = tpu.vector_load %arg4[%get3A_519, %get3A_520] {strides = array<i32>} : memref<26x128xi32, #tpu.memory_space<vmem>>, vector<16xi32>,
    %sub3A_522 = arith.subi %get3A_521, %add3A_392 : vector<16xi32>
    %ge3A_523 = arith.cmpi sge, %get3A_521, %add3A_392 : vector<16xi32>
    tpu.vector_store_idx %arg5[%sub3A_522, %add3A_59], %broadcast_in_dim3A_24 masked %ge3A_523 : memref<104x128xi32, #tpu.memory_space<vmem>>[vector<16xi32>, vector<16xi32>], vector<16xi32>, vector<16xi1>
    %add3A_524 = arith.constant 1 : i32
    %add3A_525 = arith.addi %rem3A_388, %add3A_524 : i32
    %get3A_526 = arith.index_cast %add3A_525 : i32 to index
    %get3A_527 = arith.constant 112 : index
    %get3A_528 = tpu.vector_load %arg4[%get3A_526, %get3A_527] {strides = array<i32>} : memref<26x128xi32, #tpu.memory_space<vmem>>, vector<16xi32>,
    %sub3A_529 = arith.constant 100 : i32
    %sub3A_530 = vector.broadcast %sub3A_529 : i32 to vector<16xi32>
    %sub3A_531 = arith.subi %sub3A_530, %add3A_392 : vector<16xi32>
    %add3A_532 = arith.addi %get3A_528, %sub3A_531 : vector<16xi32>
    %add3A_533 = arith.constant 4 : i32
    %add3A_534 = vector.broadcast %add3A_533 : i32 to vector<16xi32>
    %add3A_535 = arith.addi %add3A_392, %add3A_534 : vector<16xi32>
    %lt3A_536 = arith.cmpi slt, %get3A_528, %add3A_535 : vector<16xi32>
    tpu.vector_store_idx %arg5[%add3A_532, %add3A_59], %broadcast_in_dim3A_24 masked %lt3A_536 : memref<104x128xi32, #tpu.memory_space<vmem>>[vector<16xi32>, vector<16xi32>], vector<16xi32>, vector<16xi1>
    %add3A_537 = arith.constant 8 : i32
    %add3A_538 = arith.addi %select_n3A, %add3A_537 : i32
    %rem3A_539 = arith.constant 25 : i32
    %rem3A_540 = arith.remsi %add3A_538, %rem3A_539 : i32
    %mul3A_541 = arith.constant 4 : i32
    %mul3A_542 = arith.muli %mul3A_541, %rem3A_540 : i32
    %add3A_543 = vector.broadcast %mul3A_542 : i32 to vector<16xi32>
    %add3A_544 = arith.addi %broadcast_in_dim3A_28, %add3A_543 : vector<16xi32>
    %get3A_545 = arith.index_cast %rem3A_540 : i32 to index
    %get3A_546 = arith.constant 0 : index
    %get3A_547 = tpu.vector_load %arg4[%get3A_545, %get3A_546] {strides = array<i32>} : memref<26x128xi32, #tpu.memory_space<vmem>>, vector<16xi32>,
    %sub3A_548 = arith.subi %get3A_547, %add3A_544 : vector<16xi32>
    %ge3A_549 = arith.cmpi sge, %get3A_547, %add3A_544 : vector<16xi32>
    tpu.vector_store_idx %arg5[%sub3A_548, %add3A_31], %broadcast_in_dim3A_26 masked %ge3A_549 : memref<104x128xi32, #tpu.memory_space<vmem>>[vector<16xi32>, vector<16xi32>], vector<16xi32>, vector<16xi1>
    %add3A_550 = arith.constant 1 : i32
    %add3A_551 = arith.addi %rem3A_540, %add3A_550 : i32
    %get3A_552 = arith.index_cast %add3A_551 : i32 to index
    %get3A_553 = arith.constant 0 : index
    %get3A_554 = tpu.vector_load %arg4[%get3A_552, %get3A_553] {strides = array<i32>} : memref<26x128xi32, #tpu.memory_space<vmem>>, vector<16xi32>,
    %sub3A_555 = arith.constant 100 : i32
    %sub3A_556 = vector.broadcast %sub3A_555 : i32 to vector<16xi32>
    %sub3A_557 = arith.subi %sub3A_556, %add3A_544 : vector<16xi32>
    %add3A_558 = arith.addi %get3A_554, %sub3A_557 : vector<16xi32>
    %add3A_559 = arith.constant 4 : i32
    %add3A_560 = vector.broadcast %add3A_559 : i32 to vector<16xi32>
    %add3A_561 = arith.addi %add3A_544, %add3A_560 : vector<16xi32>
    %lt3A_562 = arith.cmpi slt, %get3A_554, %add3A_561 : vector<16xi32>
    tpu.vector_store_idx %arg5[%add3A_558, %add3A_31], %broadcast_in_dim3A_26 masked %lt3A_562 : memref<104x128xi32, #tpu.memory_space<vmem>>[vector<16xi32>, vector<16xi32>], vector<16xi32>, vector<16xi1>
    %get3A_563 = arith.index_cast %rem3A_540 : i32 to index
    %get3A_564 = arith.constant 16 : index
    %get3A_565 = tpu.vector_load %arg4[%get3A_563, %get3A_564] {strides = array<i32>} : memref<26x128xi32, #tpu.memory_space<vmem>>, vector<16xi32>,
    %sub3A_566 = arith.subi %get3A_565, %add3A_544 : vector<16xi32>
    %ge3A_567 = arith.cmpi sge, %get3A_565, %add3A_544 : vector<16xi32>
    tpu.vector_store_idx %arg5[%sub3A_566, %add3A_35], %broadcast_in_dim3A_26 masked %ge3A_567 : memref<104x128xi32, #tpu.memory_space<vmem>>[vector<16xi32>, vector<16xi32>], vector<16xi32>, vector<16xi1>
    %add3A_568 = arith.constant 1 : i32
    %add3A_569 = arith.addi %rem3A_540, %add3A_568 : i32
    %get3A_570 = arith.index_cast %add3A_569 : i32 to index
    %get3A_571 = arith.constant 16 : index
    %get3A_572 = tpu.vector_load %arg4[%get3A_570, %get3A_571] {strides = array<i32>} : memref<26x128xi32, #tpu.memory_space<vmem>>, vector<16xi32>,
    %sub3A_573 = arith.constant 100 : i32
    %sub3A_574 = vector.broadcast %sub3A_573 : i32 to vector<16xi32>
    %sub3A_575 = arith.subi %sub3A_574, %add3A_544 : vector<16xi32>
    %add3A_576 = arith.addi %get3A_572, %sub3A_575 : vector<16xi32>
    %add3A_577 = arith.constant 4 : i32
    %add3A_578 = vector.broadcast %add3A_577 : i32 to vector<16xi32>
    %add3A_579 = arith.addi %add3A_544, %add3A_578 : vector<16xi32>
    %lt3A_580 = arith.cmpi slt, %get3A_572, %add3A_579 : vector<16xi32>
    tpu.vector_store_idx %arg5[%add3A_576, %add3A_35], %broadcast_in_dim3A_26 masked %lt3A_580 : memref<104x128xi32, #tpu.memory_space<vmem>>[vector<16xi32>, vector<16xi32>], vector<16xi32>, vector<16xi1>
    %get3A_581 = arith.index_cast %rem3A_540 : i32 to index
    %get3A_582 = arith.constant 32 : index
    %get3A_583 = tpu.vector_load %arg4[%get3A_581, %get3A_582] {strides = array<i32>} : memref<26x128xi32, #tpu.memory_space<vmem>>, vector<16xi32>,
    %sub3A_584 = arith.subi %get3A_583, %add3A_544 : vector<16xi32>
    %ge3A_585 = arith.cmpi sge, %get3A_583, %add3A_544 : vector<16xi32>
    tpu.vector_store_idx %arg5[%sub3A_584, %add3A_39], %broadcast_in_dim3A_26 masked %ge3A_585 : memref<104x128xi32, #tpu.memory_space<vmem>>[vector<16xi32>, vector<16xi32>], vector<16xi32>, vector<16xi1>
    %add3A_586 = arith.constant 1 : i32
    %add3A_587 = arith.addi %rem3A_540, %add3A_586 : i32
    %get3A_588 = arith.index_cast %add3A_587 : i32 to index
    %get3A_589 = arith.constant 32 : index
    %get3A_590 = tpu.vector_load %arg4[%get3A_588, %get3A_589] {strides = array<i32>} : memref<26x128xi32, #tpu.memory_space<vmem>>, vector<16xi32>,
    %sub3A_591 = arith.constant 100 : i32
    %sub3A_592 = vector.broadcast %sub3A_591 : i32 to vector<16xi32>
    %sub3A_593 = arith.subi %sub3A_592, %add3A_544 : vector<16xi32>
    %add3A_594 = arith.addi %get3A_590, %sub3A_593 : vector<16xi32>
    %add3A_595 = arith.constant 4 : i32
    %add3A_596 = vector.broadcast %add3A_595 : i32 to vector<16xi32>
    %add3A_597 = arith.addi %add3A_544, %add3A_596 : vector<16xi32>
    %lt3A_598 = arith.cmpi slt, %get3A_590, %add3A_597 : vector<16xi32>
    tpu.vector_store_idx %arg5[%add3A_594, %add3A_39], %broadcast_in_dim3A_26 masked %lt3A_598 : memref<104x128xi32, #tpu.memory_space<vmem>>[vector<16xi32>, vector<16xi32>], vector<16xi32>, vector<16xi1>
    %get3A_599 = arith.index_cast %rem3A_540 : i32 to index
    %get3A_600 = arith.constant 48 : index
    %get3A_601 = tpu.vector_load %arg4[%get3A_599, %get3A_600] {strides = array<i32>} : memref<26x128xi32, #tpu.memory_space<vmem>>, vector<16xi32>,
    %sub3A_602 = arith.subi %get3A_601, %add3A_544 : vector<16xi32>
    %ge3A_603 = arith.cmpi sge, %get3A_601, %add3A_544 : vector<16xi32>
    tpu.vector_store_idx %arg5[%sub3A_602, %add3A_43], %broadcast_in_dim3A_26 masked %ge3A_603 : memref<104x128xi32, #tpu.memory_space<vmem>>[vector<16xi32>, vector<16xi32>], vector<16xi32>, vector<16xi1>
    %add3A_604 = arith.constant 1 : i32
    %add3A_605 = arith.addi %rem3A_540, %add3A_604 : i32
    %get3A_606 = arith.index_cast %add3A_605 : i32 to index
    %get3A_607 = arith.constant 48 : index
    %get3A_608 = tpu.vector_load %arg4[%get3A_606, %get3A_607] {strides = array<i32>} : memref<26x128xi32, #tpu.memory_space<vmem>>, vector<16xi32>,
    %sub3A_609 = arith.constant 100 : i32
    %sub3A_610 = vector.broadcast %sub3A_609 : i32 to vector<16xi32>
    %sub3A_611 = arith.subi %sub3A_610, %add3A_544 : vector<16xi32>
    %add3A_612 = arith.addi %get3A_608, %sub3A_611 : vector<16xi32>
    %add3A_613 = arith.constant 4 : i32
    %add3A_614 = vector.broadcast %add3A_613 : i32 to vector<16xi32>
    %add3A_615 = arith.addi %add3A_544, %add3A_614 : vector<16xi32>
    %lt3A_616 = arith.cmpi slt, %get3A_608, %add3A_615 : vector<16xi32>
    tpu.vector_store_idx %arg5[%add3A_612, %add3A_43], %broadcast_in_dim3A_26 masked %lt3A_616 : memref<104x128xi32, #tpu.memory_space<vmem>>[vector<16xi32>, vector<16xi32>], vector<16xi32>, vector<16xi1>
    %get3A_617 = arith.index_cast %rem3A_540 : i32 to index
    %get3A_618 = arith.constant 64 : index
    %get3A_619 = tpu.vector_load %arg4[%get3A_617, %get3A_618] {strides = array<i32>} : memref<26x128xi32, #tpu.memory_space<vmem>>, vector<16xi32>,
    %sub3A_620 = arith.subi %get3A_619, %add3A_544 : vector<16xi32>
    %ge3A_621 = arith.cmpi sge, %get3A_619, %add3A_544 : vector<16xi32>
    tpu.vector_store_idx %arg5[%sub3A_620, %add3A_47], %broadcast_in_dim3A_26 masked %ge3A_621 : memref<104x128xi32, #tpu.memory_space<vmem>>[vector<16xi32>, vector<16xi32>], vector<16xi32>, vector<16xi1>
    %add3A_622 = arith.constant 1 : i32
    %add3A_623 = arith.addi %rem3A_540, %add3A_622 : i32
    %get3A_624 = arith.index_cast %add3A_623 : i32 to index
    %get3A_625 = arith.constant 64 : index
    %get3A_626 = tpu.vector_load %arg4[%get3A_624, %get3A_625] {strides = array<i32>} : memref<26x128xi32, #tpu.memory_space<vmem>>, vector<16xi32>,
    %sub3A_627 = arith.constant 100 : i32
    %sub3A_628 = vector.broadcast %sub3A_627 : i32 to vector<16xi32>
    %sub3A_629 = arith.subi %sub3A_628, %add3A_544 : vector<16xi32>
    %add3A_630 = arith.addi %get3A_626, %sub3A_629 : vector<16xi32>
    %add3A_631 = arith.constant 4 : i32
    %add3A_632 = vector.broadcast %add3A_631 : i32 to vector<16xi32>
    %add3A_633 = arith.addi %add3A_544, %add3A_632 : vector<16xi32>
    %lt3A_634 = arith.cmpi slt, %get3A_626, %add3A_633 : vector<16xi32>
    tpu.vector_store_idx %arg5[%add3A_630, %add3A_47], %broadcast_in_dim3A_26 masked %lt3A_634 : memref<104x128xi32, #tpu.memory_space<vmem>>[vector<16xi32>, vector<16xi32>], vector<16xi32>, vector<16xi1>
    %get3A_635 = arith.index_cast %rem3A_540 : i32 to index
    %get3A_636 = arith.constant 80 : index
    %get3A_637 = tpu.vector_load %arg4[%get3A_635, %get3A_636] {strides = array<i32>} : memref<26x128xi32, #tpu.memory_space<vmem>>, vector<16xi32>,
    %sub3A_638 = arith.subi %get3A_637, %add3A_544 : vector<16xi32>
    %ge3A_639 = arith.cmpi sge, %get3A_637, %add3A_544 : vector<16xi32>
    tpu.vector_store_idx %arg5[%sub3A_638, %add3A_51], %broadcast_in_dim3A_26 masked %ge3A_639 : memref<104x128xi32, #tpu.memory_space<vmem>>[vector<16xi32>, vector<16xi32>], vector<16xi32>, vector<16xi1>
    %add3A_640 = arith.constant 1 : i32
    %add3A_641 = arith.addi %rem3A_540, %add3A_640 : i32
    %get3A_642 = arith.index_cast %add3A_641 : i32 to index
    %get3A_643 = arith.constant 80 : index
    %get3A_644 = tpu.vector_load %arg4[%get3A_642, %get3A_643] {strides = array<i32>} : memref<26x128xi32, #tpu.memory_space<vmem>>, vector<16xi32>,
    %sub3A_645 = arith.constant 100 : i32
    %sub3A_646 = vector.broadcast %sub3A_645 : i32 to vector<16xi32>
    %sub3A_647 = arith.subi %sub3A_646, %add3A_544 : vector<16xi32>
    %add3A_648 = arith.addi %get3A_644, %sub3A_647 : vector<16xi32>
    %add3A_649 = arith.constant 4 : i32
    %add3A_650 = vector.broadcast %add3A_649 : i32 to vector<16xi32>
    %add3A_651 = arith.addi %add3A_544, %add3A_650 : vector<16xi32>
    %lt3A_652 = arith.cmpi slt, %get3A_644, %add3A_651 : vector<16xi32>
    tpu.vector_store_idx %arg5[%add3A_648, %add3A_51], %broadcast_in_dim3A_26 masked %lt3A_652 : memref<104x128xi32, #tpu.memory_space<vmem>>[vector<16xi32>, vector<16xi32>], vector<16xi32>, vector<16xi1>
    %get3A_653 = arith.index_cast %rem3A_540 : i32 to index
    %get3A_654 = arith.constant 96 : index
    %get3A_655 = tpu.vector_load %arg4[%get3A_653, %get3A_654] {strides = array<i32>} : memref<26x128xi32, #tpu.memory_space<vmem>>, vector<16xi32>,
    %sub3A_656 = arith.subi %get3A_655, %add3A_544 : vector<16xi32>
    %ge3A_657 = arith.cmpi sge, %get3A_655, %add3A_544 : vector<16xi32>
    tpu.vector_store_idx %arg5[%sub3A_656, %add3A_55], %broadcast_in_dim3A_26 masked %ge3A_657 : memref<104x128xi32, #tpu.memory_space<vmem>>[vector<16xi32>, vector<16xi32>], vector<16xi32>, vector<16xi1>
    %add3A_658 = arith.constant 1 : i32
    %add3A_659 = arith.addi %rem3A_540, %add3A_658 : i32
    %get3A_660 = arith.index_cast %add3A_659 : i32 to index
    %get3A_661 = arith.constant 96 : index
    %get3A_662 = tpu.vector_load %arg4[%get3A_660, %get3A_661] {strides = array<i32>} : memref<26x128xi32, #tpu.memory_space<vmem>>, vector<16xi32>,
    %sub3A_663 = arith.constant 100 : i32
    %sub3A_664 = vector.broadcast %sub3A_663 : i32 to vector<16xi32>
    %sub3A_665 = arith.subi %sub3A_664, %add3A_544 : vector<16xi32>
    %add3A_666 = arith.addi %get3A_662, %sub3A_665 : vector<16xi32>
    %add3A_667 = arith.constant 4 : i32
    %add3A_668 = vector.broadcast %add3A_667 : i32 to vector<16xi32>
    %add3A_669 = arith.addi %add3A_544, %add3A_668 : vector<16xi32>
    %lt3A_670 = arith.cmpi slt, %get3A_662, %add3A_669 : vector<16xi32>
    tpu.vector_store_idx %arg5[%add3A_666, %add3A_55], %broadcast_in_dim3A_26 masked %lt3A_670 : memref<104x128xi32, #tpu.memory_space<vmem>>[vector<16xi32>, vector<16xi32>], vector<16xi32>, vector<16xi1>
    %get3A_671 = arith.index_cast %rem3A_540 : i32 to index
    %get3A_672 = arith.constant 112 : index
    %get3A_673 = tpu.vector_load %arg4[%get3A_671, %get3A_672] {strides = array<i32>} : memref<26x128xi32, #tpu.memory_space<vmem>>, vector<16xi32>,
    %sub3A_674 = arith.subi %get3A_673, %add3A_544 : vector<16xi32>
    %ge3A_675 = arith.cmpi sge, %get3A_673, %add3A_544 : vector<16xi32>
    tpu.vector_store_idx %arg5[%sub3A_674, %add3A_59], %broadcast_in_dim3A_26 masked %ge3A_675 : memref<104x128xi32, #tpu.memory_space<vmem>>[vector<16xi32>, vector<16xi32>], vector<16xi32>, vector<16xi1>
    %add3A_676 = arith.constant 1 : i32
    %add3A_677 = arith.addi %rem3A_540, %add3A_676 : i32
    %get3A_678 = arith.index_cast %add3A_677 : i32 to index
    %get3A_679 = arith.constant 112 : index
    %get3A_680 = tpu.vector_load %arg4[%get3A_678, %get3A_679] {strides = array<i32>} : memref<26x128xi32, #tpu.memory_space<vmem>>, vector<16xi32>,
    %sub3A_681 = arith.constant 100 : i32
    %sub3A_682 = vector.broadcast %sub3A_681 : i32 to vector<16xi32>
    %sub3A_683 = arith.subi %sub3A_682, %add3A_544 : vector<16xi32>
    %add3A_684 = arith.addi %get3A_680, %sub3A_683 : vector<16xi32>
    %add3A_685 = arith.constant 4 : i32
    %add3A_686 = vector.broadcast %add3A_685 : i32 to vector<16xi32>
    %add3A_687 = arith.addi %add3A_544, %add3A_686 : vector<16xi32>
    %lt3A_688 = arith.cmpi slt, %get3A_680, %add3A_687 : vector<16xi32>
    tpu.vector_store_idx %arg5[%add3A_684, %add3A_59], %broadcast_in_dim3A_26 masked %lt3A_688 : memref<104x128xi32, #tpu.memory_space<vmem>>[vector<16xi32>, vector<16xi32>], vector<16xi32>, vector<16xi1>
    %mul3A_689 = arith.constant 104 : i32
    %mul3A_690 = arith.muli %rem3A_540, %mul3A_689 : i32
    %dma_start3A_691 = tpu.memref_slice %arg3[%mul3A_690, %mul3A_20] : memref<2600x1024xi32, #tpu.memory_space<hbm>> -> memref<104x128xi32, #tpu.memory_space<hbm>>
    %dma_start3A_692 = tpu.memref_slice %arg3[%mul3A_690, %mul3A_20] : memref<2600x1024xi32, #tpu.memory_space<hbm>> -> memref<104x128xi32, #tpu.memory_space<hbm>>
    tpu.enqueue_dma source(%arg5 : memref<104x128xi32, #tpu.memory_space<vmem>>) target(%dma_start3A_692 : memref<104x128xi32, #tpu.memory_space<hbm>>) target_semaphore(%arg7 : memref<!tpu.dma_semaphore, #tpu.memory_space<semaphore_mem>>)
    %dma_wait3A_693 = tpu.memref_slice %arg3[%mul3A_380, %mul3A_20] : memref<2600x1024xi32, #tpu.memory_space<hbm>> -> memref<104x128xi32, #tpu.memory_space<hbm>>
    %dma_wait3A_694 = tpu.memref_slice %arg3[%mul3A_380, %mul3A_20] : memref<2600x1024xi32, #tpu.memory_space<hbm>> -> memref<104x128xi32, #tpu.memory_space<hbm>>
    tpu.wait_dma2 semaphore(%arg8 : memref<!tpu.dma_semaphore, #tpu.memory_space<semaphore_mem>>) src(%arg6 : memref<104x128xi32, #tpu.memory_space<vmem>>) dst(%dma_wait3A_694 : memref<104x128xi32, #tpu.memory_space<hbm>>)
    %add3A_695 = arith.constant 4 : i32
    %add3A_696 = arith.addi %select_n3A, %add3A_695 : i32
    %rem3A_697 = arith.constant 25 : i32
    %rem3A_698 = arith.remsi %add3A_696, %rem3A_697 : i32
    %mul3A_699 = arith.constant 4 : i32
    %mul3A_700 = arith.muli %mul3A_699, %rem3A_698 : i32
    %add3A_701 = vector.broadcast %mul3A_700 : i32 to vector<16xi32>
    %add3A_702 = arith.addi %broadcast_in_dim3A_28, %add3A_701 : vector<16xi32>
    %get3A_703 = arith.index_cast %rem3A_698 : i32 to index
    %get3A_704 = arith.constant 0 : index
    %get3A_705 = tpu.vector_load %arg4[%get3A_703, %get3A_704] {strides = array<i32>} : memref<26x128xi32, #tpu.memory_space<vmem>>, vector<16xi32>,
    %sub3A_706 = arith.subi %get3A_705, %add3A_702 : vector<16xi32>
    %ge3A_707 = arith.cmpi sge, %get3A_705, %add3A_702 : vector<16xi32>
    tpu.vector_store_idx %arg6[%sub3A_706, %add3A_31], %broadcast_in_dim3A_24 masked %ge3A_707 : memref<104x128xi32, #tpu.memory_space<vmem>>[vector<16xi32>, vector<16xi32>], vector<16xi32>, vector<16xi1>
    %add3A_708 = arith.constant 1 : i32
    %add3A_709 = arith.addi %rem3A_698, %add3A_708 : i32
    %get3A_710 = arith.index_cast %add3A_709 : i32 to index
    %get3A_711 = arith.constant 0 : index
    %get3A_712 = tpu.vector_load %arg4[%get3A_710, %get3A_711] {strides = array<i32>} : memref<26x128xi32, #tpu.memory_space<vmem>>, vector<16xi32>,
    %sub3A_713 = arith.constant 100 : i32
    %sub3A_714 = vector.broadcast %sub3A_713 : i32 to vector<16xi32>
    %sub3A_715 = arith.subi %sub3A_714, %add3A_702 : vector<16xi32>
    %add3A_716 = arith.addi %get3A_712, %sub3A_715 : vector<16xi32>
    %add3A_717 = arith.constant 4 : i32
    %add3A_718 = vector.broadcast %add3A_717 : i32 to vector<16xi32>
    %add3A_719 = arith.addi %add3A_702, %add3A_718 : vector<16xi32>
    %lt3A_720 = arith.cmpi slt, %get3A_712, %add3A_719 : vector<16xi32>
    tpu.vector_store_idx %arg6[%add3A_716, %add3A_31], %broadcast_in_dim3A_24 masked %lt3A_720 : memref<104x128xi32, #tpu.memory_space<vmem>>[vector<16xi32>, vector<16xi32>], vector<16xi32>, vector<16xi1>
    %get3A_721 = arith.index_cast %rem3A_698 : i32 to index
    %get3A_722 = arith.constant 16 : index
    %get3A_723 = tpu.vector_load %arg4[%get3A_721, %get3A_722] {strides = array<i32>} : memref<26x128xi32, #tpu.memory_space<vmem>>, vector<16xi32>,
    %sub3A_724 = arith.subi %get3A_723, %add3A_702 : vector<16xi32>
    %ge3A_725 = arith.cmpi sge, %get3A_723, %add3A_702 : vector<16xi32>
    tpu.vector_store_idx %arg6[%sub3A_724, %add3A_35], %broadcast_in_dim3A_24 masked %ge3A_725 : memref<104x128xi32, #tpu.memory_space<vmem>>[vector<16xi32>, vector<16xi32>], vector<16xi32>, vector<16xi1>
    %add3A_726 = arith.constant 1 : i32
    %add3A_727 = arith.addi %rem3A_698, %add3A_726 : i32
    %get3A_728 = arith.index_cast %add3A_727 : i32 to index
    %get3A_729 = arith.constant 16 : index
    %get3A_730 = tpu.vector_load %arg4[%get3A_728, %get3A_729] {strides = array<i32>} : memref<26x128xi32, #tpu.memory_space<vmem>>, vector<16xi32>,
    %sub3A_731 = arith.constant 100 : i32
    %sub3A_732 = vector.broadcast %sub3A_731 : i32 to vector<16xi32>
    %sub3A_733 = arith.subi %sub3A_732, %add3A_702 : vector<16xi32>
    %add3A_734 = arith.addi %get3A_730, %sub3A_733 : vector<16xi32>
    %add3A_735 = arith.constant 4 : i32
    %add3A_736 = vector.broadcast %add3A_735 : i32 to vector<16xi32>
    %add3A_737 = arith.addi %add3A_702, %add3A_736 : vector<16xi32>
    %lt3A_738 = arith.cmpi slt, %get3A_730, %add3A_737 : vector<16xi32>
    tpu.vector_store_idx %arg6[%add3A_734, %add3A_35], %broadcast_in_dim3A_24 masked %lt3A_738 : memref<104x128xi32, #tpu.memory_space<vmem>>[vector<16xi32>, vector<16xi32>], vector<16xi32>, vector<16xi1>
    %get3A_739 = arith.index_cast %rem3A_698 : i32 to index
    %get3A_740 = arith.constant 32 : index
    %get3A_741 = tpu.vector_load %arg4[%get3A_739, %get3A_740] {strides = array<i32>} : memref<26x128xi32, #tpu.memory_space<vmem>>, vector<16xi32>,
    %sub3A_742 = arith.subi %get3A_741, %add3A_702 : vector<16xi32>
    %ge3A_743 = arith.cmpi sge, %get3A_741, %add3A_702 : vector<16xi32>
    tpu.vector_store_idx %arg6[%sub3A_742, %add3A_39], %broadcast_in_dim3A_24 masked %ge3A_743 : memref<104x128xi32, #tpu.memory_space<vmem>>[vector<16xi32>, vector<16xi32>], vector<16xi32>, vector<16xi1>
    %add3A_744 = arith.constant 1 : i32
    %add3A_745 = arith.addi %rem3A_698, %add3A_744 : i32
    %get3A_746 = arith.index_cast %add3A_745 : i32 to index
    %get3A_747 = arith.constant 32 : index
    %get3A_748 = tpu.vector_load %arg4[%get3A_746, %get3A_747] {strides = array<i32>} : memref<26x128xi32, #tpu.memory_space<vmem>>, vector<16xi32>,
    %sub3A_749 = arith.constant 100 : i32
    %sub3A_750 = vector.broadcast %sub3A_749 : i32 to vector<16xi32>
    %sub3A_751 = arith.subi %sub3A_750, %add3A_702 : vector<16xi32>
    %add3A_752 = arith.addi %get3A_748, %sub3A_751 : vector<16xi32>
    %add3A_753 = arith.constant 4 : i32
    %add3A_754 = vector.broadcast %add3A_753 : i32 to vector<16xi32>
    %add3A_755 = arith.addi %add3A_702, %add3A_754 : vector<16xi32>
    %lt3A_756 = arith.cmpi slt, %get3A_748, %add3A_755 : vector<16xi32>
    tpu.vector_store_idx %arg6[%add3A_752, %add3A_39], %broadcast_in_dim3A_24 masked %lt3A_756 : memref<104x128xi32, #tpu.memory_space<vmem>>[vector<16xi32>, vector<16xi32>], vector<16xi32>, vector<16xi1>
    %get3A_757 = arith.index_cast %rem3A_698 : i32 to index
    %get3A_758 = arith.constant 48 : index
    %get3A_759 = tpu.vector_load %arg4[%get3A_757, %get3A_758] {strides = array<i32>} : memref<26x128xi32, #tpu.memory_space<vmem>>, vector<16xi32>,
    %sub3A_760 = arith.subi %get3A_759, %add3A_702 : vector<16xi32>
    %ge3A_761 = arith.cmpi sge, %get3A_759, %add3A_702 : vector<16xi32>
    tpu.vector_store_idx %arg6[%sub3A_760, %add3A_43], %broadcast_in_dim3A_24 masked %ge3A_761 : memref<104x128xi32, #tpu.memory_space<vmem>>[vector<16xi32>, vector<16xi32>], vector<16xi32>, vector<16xi1>
    %add3A_762 = arith.constant 1 : i32
    %add3A_763 = arith.addi %rem3A_698, %add3A_762 : i32
    %get3A_764 = arith.index_cast %add3A_763 : i32 to index
    %get3A_765 = arith.constant 48 : index
    %get3A_766 = tpu.vector_load %arg4[%get3A_764, %get3A_765] {strides = array<i32>} : memref<26x128xi32, #tpu.memory_space<vmem>>, vector<16xi32>,
    %sub3A_767 = arith.constant 100 : i32
    %sub3A_768 = vector.broadcast %sub3A_767 : i32 to vector<16xi32>
    %sub3A_769 = arith.subi %sub3A_768, %add3A_702 : vector<16xi32>
    %add3A_770 = arith.addi %get3A_766, %sub3A_769 : vector<16xi32>
    %add3A_771 = arith.constant 4 : i32
    %add3A_772 = vector.broadcast %add3A_771 : i32 to vector<16xi32>
    %add3A_773 = arith.addi %add3A_702, %add3A_772 : vector<16xi32>
    %lt3A_774 = arith.cmpi slt, %get3A_766, %add3A_773 : vector<16xi32>
    tpu.vector_store_idx %arg6[%add3A_770, %add3A_43], %broadcast_in_dim3A_24 masked %lt3A_774 : memref<104x128xi32, #tpu.memory_space<vmem>>[vector<16xi32>, vector<16xi32>], vector<16xi32>, vector<16xi1>
    %get3A_775 = arith.index_cast %rem3A_698 : i32 to index
    %get3A_776 = arith.constant 64 : index
    %get3A_777 = tpu.vector_load %arg4[%get3A_775, %get3A_776] {strides = array<i32>} : memref<26x128xi32, #tpu.memory_space<vmem>>, vector<16xi32>,
    %sub3A_778 = arith.subi %get3A_777, %add3A_702 : vector<16xi32>
    %ge3A_779 = arith.cmpi sge, %get3A_777, %add3A_702 : vector<16xi32>
    tpu.vector_store_idx %arg6[%sub3A_778, %add3A_47], %broadcast_in_dim3A_24 masked %ge3A_779 : memref<104x128xi32, #tpu.memory_space<vmem>>[vector<16xi32>, vector<16xi32>], vector<16xi32>, vector<16xi1>
    %add3A_780 = arith.constant 1 : i32
    %add3A_781 = arith.addi %rem3A_698, %add3A_780 : i32
    %get3A_782 = arith.index_cast %add3A_781 : i32 to index
    %get3A_783 = arith.constant 64 : index
    %get3A_784 = tpu.vector_load %arg4[%get3A_782, %get3A_783] {strides = array<i32>} : memref<26x128xi32, #tpu.memory_space<vmem>>, vector<16xi32>,
    %sub3A_785 = arith.constant 100 : i32
    %sub3A_786 = vector.broadcast %sub3A_785 : i32 to vector<16xi32>
    %sub3A_787 = arith.subi %sub3A_786, %add3A_702 : vector<16xi32>
    %add3A_788 = arith.addi %get3A_784, %sub3A_787 : vector<16xi32>
    %add3A_789 = arith.constant 4 : i32
    %add3A_790 = vector.broadcast %add3A_789 : i32 to vector<16xi32>
    %add3A_791 = arith.addi %add3A_702, %add3A_790 : vector<16xi32>
    %lt3A_792 = arith.cmpi slt, %get3A_784, %add3A_791 : vector<16xi32>
    tpu.vector_store_idx %arg6[%add3A_788, %add3A_47], %broadcast_in_dim3A_24 masked %lt3A_792 : memref<104x128xi32, #tpu.memory_space<vmem>>[vector<16xi32>, vector<16xi32>], vector<16xi32>, vector<16xi1>
    %get3A_793 = arith.index_cast %rem3A_698 : i32 to index
    %get3A_794 = arith.constant 80 : index
    %get3A_795 = tpu.vector_load %arg4[%get3A_793, %get3A_794] {strides = array<i32>} : memref<26x128xi32, #tpu.memory_space<vmem>>, vector<16xi32>,
    %sub3A_796 = arith.subi %get3A_795, %add3A_702 : vector<16xi32>
    %ge3A_797 = arith.cmpi sge, %get3A_795, %add3A_702 : vector<16xi32>
    tpu.vector_store_idx %arg6[%sub3A_796, %add3A_51], %broadcast_in_dim3A_24 masked %ge3A_797 : memref<104x128xi32, #tpu.memory_space<vmem>>[vector<16xi32>, vector<16xi32>], vector<16xi32>, vector<16xi1>
    %add3A_798 = arith.constant 1 : i32
    %add3A_799 = arith.addi %rem3A_698, %add3A_798 : i32
    %get3A_800 = arith.index_cast %add3A_799 : i32 to index
    %get3A_801 = arith.constant 80 : index
    %get3A_802 = tpu.vector_load %arg4[%get3A_800, %get3A_801] {strides = array<i32>} : memref<26x128xi32, #tpu.memory_space<vmem>>, vector<16xi32>,
    %sub3A_803 = arith.constant 100 : i32
    %sub3A_804 = vector.broadcast %sub3A_803 : i32 to vector<16xi32>
    %sub3A_805 = arith.subi %sub3A_804, %add3A_702 : vector<16xi32>
    %add3A_806 = arith.addi %get3A_802, %sub3A_805 : vector<16xi32>
    %add3A_807 = arith.constant 4 : i32
    %add3A_808 = vector.broadcast %add3A_807 : i32 to vector<16xi32>
    %add3A_809 = arith.addi %add3A_702, %add3A_808 : vector<16xi32>
    %lt3A_810 = arith.cmpi slt, %get3A_802, %add3A_809 : vector<16xi32>
    tpu.vector_store_idx %arg6[%add3A_806, %add3A_51], %broadcast_in_dim3A_24 masked %lt3A_810 : memref<104x128xi32, #tpu.memory_space<vmem>>[vector<16xi32>, vector<16xi32>], vector<16xi32>, vector<16xi1>
    %get3A_811 = arith.index_cast %rem3A_698 : i32 to index
    %get3A_812 = arith.constant 96 : index
    %get3A_813 = tpu.vector_load %arg4[%get3A_811, %get3A_812] {strides = array<i32>} : memref<26x128xi32, #tpu.memory_space<vmem>>, vector<16xi32>,
    %sub3A_814 = arith.subi %get3A_813, %add3A_702 : vector<16xi32>
    %ge3A_815 = arith.cmpi sge, %get3A_813, %add3A_702 : vector<16xi32>
    tpu.vector_store_idx %arg6[%sub3A_814, %add3A_55], %broadcast_in_dim3A_24 masked %ge3A_815 : memref<104x128xi32, #tpu.memory_space<vmem>>[vector<16xi32>, vector<16xi32>], vector<16xi32>, vector<16xi1>
    %add3A_816 = arith.constant 1 : i32
    %add3A_817 = arith.addi %rem3A_698, %add3A_816 : i32
    %get3A_818 = arith.index_cast %add3A_817 : i32 to index
    %get3A_819 = arith.constant 96 : index
    %get3A_820 = tpu.vector_load %arg4[%get3A_818, %get3A_819] {strides = array<i32>} : memref<26x128xi32, #tpu.memory_space<vmem>>, vector<16xi32>,
    %sub3A_821 = arith.constant 100 : i32
    %sub3A_822 = vector.broadcast %sub3A_821 : i32 to vector<16xi32>
    %sub3A_823 = arith.subi %sub3A_822, %add3A_702 : vector<16xi32>
    %add3A_824 = arith.addi %get3A_820, %sub3A_823 : vector<16xi32>
    %add3A_825 = arith.constant 4 : i32
    %add3A_826 = vector.broadcast %add3A_825 : i32 to vector<16xi32>
    %add3A_827 = arith.addi %add3A_702, %add3A_826 : vector<16xi32>
    %lt3A_828 = arith.cmpi slt, %get3A_820, %add3A_827 : vector<16xi32>
    tpu.vector_store_idx %arg6[%add3A_824, %add3A_55], %broadcast_in_dim3A_24 masked %lt3A_828 : memref<104x128xi32, #tpu.memory_space<vmem>>[vector<16xi32>, vector<16xi32>], vector<16xi32>, vector<16xi1>
    %get3A_829 = arith.index_cast %rem3A_698 : i32 to index
    %get3A_830 = arith.constant 112 : index
    %get3A_831 = tpu.vector_load %arg4[%get3A_829, %get3A_830] {strides = array<i32>} : memref<26x128xi32, #tpu.memory_space<vmem>>, vector<16xi32>,
    %sub3A_832 = arith.subi %get3A_831, %add3A_702 : vector<16xi32>
    %ge3A_833 = arith.cmpi sge, %get3A_831, %add3A_702 : vector<16xi32>
    tpu.vector_store_idx %arg6[%sub3A_832, %add3A_59], %broadcast_in_dim3A_24 masked %ge3A_833 : memref<104x128xi32, #tpu.memory_space<vmem>>[vector<16xi32>, vector<16xi32>], vector<16xi32>, vector<16xi1>
    %add3A_834 = arith.constant 1 : i32
    %add3A_835 = arith.addi %rem3A_698, %add3A_834 : i32
    %get3A_836 = arith.index_cast %add3A_835 : i32 to index
    %get3A_837 = arith.constant 112 : index
    %get3A_838 = tpu.vector_load %arg4[%get3A_836, %get3A_837] {strides = array<i32>} : memref<26x128xi32, #tpu.memory_space<vmem>>, vector<16xi32>,
    %sub3A_839 = arith.constant 100 : i32
    %sub3A_840 = vector.broadcast %sub3A_839 : i32 to vector<16xi32>
    %sub3A_841 = arith.subi %sub3A_840, %add3A_702 : vector<16xi32>
    %add3A_842 = arith.addi %get3A_838, %sub3A_841 : vector<16xi32>
    %add3A_843 = arith.constant 4 : i32
    %add3A_844 = vector.broadcast %add3A_843 : i32 to vector<16xi32>
    %add3A_845 = arith.addi %add3A_702, %add3A_844 : vector<16xi32>
    %lt3A_846 = arith.cmpi slt, %get3A_838, %add3A_845 : vector<16xi32>
    tpu.vector_store_idx %arg6[%add3A_842, %add3A_59], %broadcast_in_dim3A_24 masked %lt3A_846 : memref<104x128xi32, #tpu.memory_space<vmem>>[vector<16xi32>, vector<16xi32>], vector<16xi32>, vector<16xi1>
    %add3A_847 = arith.constant 12 : i32
    %add3A_848 = arith.addi %select_n3A, %add3A_847 : i32
    %rem3A_849 = arith.constant 25 : i32
    %rem3A_850 = arith.remsi %add3A_848, %rem3A_849 : i32
    %mul3A_851 = arith.constant 4 : i32
    %mul3A_852 = arith.muli %mul3A_851, %rem3A_850 : i32
    %add3A_853 = vector.broadcast %mul3A_852 : i32 to vector<16xi32>
    %add3A_854 = arith.addi %broadcast_in_dim3A_28, %add3A_853 : vector<16xi32>
    %get3A_855 = arith.index_cast %rem3A_850 : i32 to index
    %get3A_856 = arith.constant 0 : index
    %get3A_857 = tpu.vector_load %arg4[%get3A_855, %get3A_856] {strides = array<i32>} : memref<26x128xi32, #tpu.memory_space<vmem>>, vector<16xi32>,
    %sub3A_858 = arith.subi %get3A_857, %add3A_854 : vector<16xi32>
    %ge3A_859 = arith.cmpi sge, %get3A_857, %add3A_854 : vector<16xi32>
    tpu.vector_store_idx %arg6[%sub3A_858, %add3A_31], %broadcast_in_dim3A_26 masked %ge3A_859 : memref<104x128xi32, #tpu.memory_space<vmem>>[vector<16xi32>, vector<16xi32>], vector<16xi32>, vector<16xi1>
    %add3A_860 = arith.constant 1 : i32
    %add3A_861 = arith.addi %rem3A_850, %add3A_860 : i32
    %get3A_862 = arith.index_cast %add3A_861 : i32 to index
    %get3A_863 = arith.constant 0 : index
    %get3A_864 = tpu.vector_load %arg4[%get3A_862, %get3A_863] {strides = array<i32>} : memref<26x128xi32, #tpu.memory_space<vmem>>, vector<16xi32>,
    %sub3A_865 = arith.constant 100 : i32
    %sub3A_866 = vector.broadcast %sub3A_865 : i32 to vector<16xi32>
    %sub3A_867 = arith.subi %sub3A_866, %add3A_854 : vector<16xi32>
    %add3A_868 = arith.addi %get3A_864, %sub3A_867 : vector<16xi32>
    %add3A_869 = arith.constant 4 : i32
    %add3A_870 = vector.broadcast %add3A_869 : i32 to vector<16xi32>
    %add3A_871 = arith.addi %add3A_854, %add3A_870 : vector<16xi32>
    %lt3A_872 = arith.cmpi slt, %get3A_864, %add3A_871 : vector<16xi32>
    tpu.vector_store_idx %arg6[%add3A_868, %add3A_31], %broadcast_in_dim3A_26 masked %lt3A_872 : memref<104x128xi32, #tpu.memory_space<vmem>>[vector<16xi32>, vector<16xi32>], vector<16xi32>, vector<16xi1>
    %get3A_873 = arith.index_cast %rem3A_850 : i32 to index
    %get3A_874 = arith.constant 16 : index
    %get3A_875 = tpu.vector_load %arg4[%get3A_873, %get3A_874] {strides = array<i32>} : memref<26x128xi32, #tpu.memory_space<vmem>>, vector<16xi32>,
    %sub3A_876 = arith.subi %get3A_875, %add3A_854 : vector<16xi32>
    %ge3A_877 = arith.cmpi sge, %get3A_875, %add3A_854 : vector<16xi32>
    tpu.vector_store_idx %arg6[%sub3A_876, %add3A_35], %broadcast_in_dim3A_26 masked %ge3A_877 : memref<104x128xi32, #tpu.memory_space<vmem>>[vector<16xi32>, vector<16xi32>], vector<16xi32>, vector<16xi1>
    %add3A_878 = arith.constant 1 : i32
    %add3A_879 = arith.addi %rem3A_850, %add3A_878 : i32
    %get3A_880 = arith.index_cast %add3A_879 : i32 to index
    %get3A_881 = arith.constant 16 : index
    %get3A_882 = tpu.vector_load %arg4[%get3A_880, %get3A_881] {strides = array<i32>} : memref<26x128xi32, #tpu.memory_space<vmem>>, vector<16xi32>,
    %sub3A_883 = arith.constant 100 : i32
    %sub3A_884 = vector.broadcast %sub3A_883 : i32 to vector<16xi32>
    %sub3A_885 = arith.subi %sub3A_884, %add3A_854 : vector<16xi32>
    %add3A_886 = arith.addi %get3A_882, %sub3A_885 : vector<16xi32>
    %add3A_887 = arith.constant 4 : i32
    %add3A_888 = vector.broadcast %add3A_887 : i32 to vector<16xi32>
    %add3A_889 = arith.addi %add3A_854, %add3A_888 : vector<16xi32>
    %lt3A_890 = arith.cmpi slt, %get3A_882, %add3A_889 : vector<16xi32>
    tpu.vector_store_idx %arg6[%add3A_886, %add3A_35], %broadcast_in_dim3A_26 masked %lt3A_890 : memref<104x128xi32, #tpu.memory_space<vmem>>[vector<16xi32>, vector<16xi32>], vector<16xi32>, vector<16xi1>
    %get3A_891 = arith.index_cast %rem3A_850 : i32 to index
    %get3A_892 = arith.constant 32 : index
    %get3A_893 = tpu.vector_load %arg4[%get3A_891, %get3A_892] {strides = array<i32>} : memref<26x128xi32, #tpu.memory_space<vmem>>, vector<16xi32>,
    %sub3A_894 = arith.subi %get3A_893, %add3A_854 : vector<16xi32>
    %ge3A_895 = arith.cmpi sge, %get3A_893, %add3A_854 : vector<16xi32>
    tpu.vector_store_idx %arg6[%sub3A_894, %add3A_39], %broadcast_in_dim3A_26 masked %ge3A_895 : memref<104x128xi32, #tpu.memory_space<vmem>>[vector<16xi32>, vector<16xi32>], vector<16xi32>, vector<16xi1>
    %add3A_896 = arith.constant 1 : i32
    %add3A_897 = arith.addi %rem3A_850, %add3A_896 : i32
    %get3A_898 = arith.index_cast %add3A_897 : i32 to index
    %get3A_899 = arith.constant 32 : index
    %get3A_900 = tpu.vector_load %arg4[%get3A_898, %get3A_899] {strides = array<i32>} : memref<26x128xi32, #tpu.memory_space<vmem>>, vector<16xi32>,
    %sub3A_901 = arith.constant 100 : i32
    %sub3A_902 = vector.broadcast %sub3A_901 : i32 to vector<16xi32>
    %sub3A_903 = arith.subi %sub3A_902, %add3A_854 : vector<16xi32>
    %add3A_904 = arith.addi %get3A_900, %sub3A_903 : vector<16xi32>
    %add3A_905 = arith.constant 4 : i32
    %add3A_906 = vector.broadcast %add3A_905 : i32 to vector<16xi32>
    %add3A_907 = arith.addi %add3A_854, %add3A_906 : vector<16xi32>
    %lt3A_908 = arith.cmpi slt, %get3A_900, %add3A_907 : vector<16xi32>
    tpu.vector_store_idx %arg6[%add3A_904, %add3A_39], %broadcast_in_dim3A_26 masked %lt3A_908 : memref<104x128xi32, #tpu.memory_space<vmem>>[vector<16xi32>, vector<16xi32>], vector<16xi32>, vector<16xi1>
    %get3A_909 = arith.index_cast %rem3A_850 : i32 to index
    %get3A_910 = arith.constant 48 : index
    %get3A_911 = tpu.vector_load %arg4[%get3A_909, %get3A_910] {strides = array<i32>} : memref<26x128xi32, #tpu.memory_space<vmem>>, vector<16xi32>,
    %sub3A_912 = arith.subi %get3A_911, %add3A_854 : vector<16xi32>
    %ge3A_913 = arith.cmpi sge, %get3A_911, %add3A_854 : vector<16xi32>
    tpu.vector_store_idx %arg6[%sub3A_912, %add3A_43], %broadcast_in_dim3A_26 masked %ge3A_913 : memref<104x128xi32, #tpu.memory_space<vmem>>[vector<16xi32>, vector<16xi32>], vector<16xi32>, vector<16xi1>
    %add3A_914 = arith.constant 1 : i32
    %add3A_915 = arith.addi %rem3A_850, %add3A_914 : i32
    %get3A_916 = arith.index_cast %add3A_915 : i32 to index
    %get3A_917 = arith.constant 48 : index
    %get3A_918 = tpu.vector_load %arg4[%get3A_916, %get3A_917] {strides = array<i32>} : memref<26x128xi32, #tpu.memory_space<vmem>>, vector<16xi32>,
    %sub3A_919 = arith.constant 100 : i32
    %sub3A_920 = vector.broadcast %sub3A_919 : i32 to vector<16xi32>
    %sub3A_921 = arith.subi %sub3A_920, %add3A_854 : vector<16xi32>
    %add3A_922 = arith.addi %get3A_918, %sub3A_921 : vector<16xi32>
    %add3A_923 = arith.constant 4 : i32
    %add3A_924 = vector.broadcast %add3A_923 : i32 to vector<16xi32>
    %add3A_925 = arith.addi %add3A_854, %add3A_924 : vector<16xi32>
    %lt3A_926 = arith.cmpi slt, %get3A_918, %add3A_925 : vector<16xi32>
    tpu.vector_store_idx %arg6[%add3A_922, %add3A_43], %broadcast_in_dim3A_26 masked %lt3A_926 : memref<104x128xi32, #tpu.memory_space<vmem>>[vector<16xi32>, vector<16xi32>], vector<16xi32>, vector<16xi1>
    %get3A_927 = arith.index_cast %rem3A_850 : i32 to index
    %get3A_928 = arith.constant 64 : index
    %get3A_929 = tpu.vector_load %arg4[%get3A_927, %get3A_928] {strides = array<i32>} : memref<26x128xi32, #tpu.memory_space<vmem>>, vector<16xi32>,
    %sub3A_930 = arith.subi %get3A_929, %add3A_854 : vector<16xi32>
    %ge3A_931 = arith.cmpi sge, %get3A_929, %add3A_854 : vector<16xi32>
    tpu.vector_store_idx %arg6[%sub3A_930, %add3A_47], %broadcast_in_dim3A_26 masked %ge3A_931 : memref<104x128xi32, #tpu.memory_space<vmem>>[vector<16xi32>, vector<16xi32>], vector<16xi32>, vector<16xi1>
    %add3A_932 = arith.constant 1 : i32
    %add3A_933 = arith.addi %rem3A_850, %add3A_932 : i32
    %get3A_934 = arith.index_cast %add3A_933 : i32 to index
    %get3A_935 = arith.constant 64 : index
    %get3A_936 = tpu.vector_load %arg4[%get3A_934, %get3A_935] {strides = array<i32>} : memref<26x128xi32, #tpu.memory_space<vmem>>, vector<16xi32>,
    %sub3A_937 = arith.constant 100 : i32
    %sub3A_938 = vector.broadcast %sub3A_937 : i32 to vector<16xi32>
    %sub3A_939 = arith.subi %sub3A_938, %add3A_854 : vector<16xi32>
    %add3A_940 = arith.addi %get3A_936, %sub3A_939 : vector<16xi32>
    %add3A_941 = arith.constant 4 : i32
    %add3A_942 = vector.broadcast %add3A_941 : i32 to vector<16xi32>
    %add3A_943 = arith.addi %add3A_854, %add3A_942 : vector<16xi32>
    %lt3A_944 = arith.cmpi slt, %get3A_936, %add3A_943 : vector<16xi32>
    tpu.vector_store_idx %arg6[%add3A_940, %add3A_47], %broadcast_in_dim3A_26 masked %lt3A_944 : memref<104x128xi32, #tpu.memory_space<vmem>>[vector<16xi32>, vector<16xi32>], vector<16xi32>, vector<16xi1>
    %get3A_945 = arith.index_cast %rem3A_850 : i32 to index
    %get3A_946 = arith.constant 80 : index
    %get3A_947 = tpu.vector_load %arg4[%get3A_945, %get3A_946] {strides = array<i32>} : memref<26x128xi32, #tpu.memory_space<vmem>>, vector<16xi32>,
    %sub3A_948 = arith.subi %get3A_947, %add3A_854 : vector<16xi32>
    %ge3A_949 = arith.cmpi sge, %get3A_947, %add3A_854 : vector<16xi32>
    tpu.vector_store_idx %arg6[%sub3A_948, %add3A_51], %broadcast_in_dim3A_26 masked %ge3A_949 : memref<104x128xi32, #tpu.memory_space<vmem>>[vector<16xi32>, vector<16xi32>], vector<16xi32>, vector<16xi1>
    %add3A_950 = arith.constant 1 : i32
    %add3A_951 = arith.addi %rem3A_850, %add3A_950 : i32
    %get3A_952 = arith.index_cast %add3A_951 : i32 to index
    %get3A_953 = arith.constant 80 : index
    %get3A_954 = tpu.vector_load %arg4[%get3A_952, %get3A_953] {strides = array<i32>} : memref<26x128xi32, #tpu.memory_space<vmem>>, vector<16xi32>,
    %sub3A_955 = arith.constant 100 : i32
    %sub3A_956 = vector.broadcast %sub3A_955 : i32 to vector<16xi32>
    %sub3A_957 = arith.subi %sub3A_956, %add3A_854 : vector<16xi32>
    %add3A_958 = arith.addi %get3A_954, %sub3A_957 : vector<16xi32>
    %add3A_959 = arith.constant 4 : i32
    %add3A_960 = vector.broadcast %add3A_959 : i32 to vector<16xi32>
    %add3A_961 = arith.addi %add3A_854, %add3A_960 : vector<16xi32>
    %lt3A_962 = arith.cmpi slt, %get3A_954, %add3A_961 : vector<16xi32>
    tpu.vector_store_idx %arg6[%add3A_958, %add3A_51], %broadcast_in_dim3A_26 masked %lt3A_962 : memref<104x128xi32, #tpu.memory_space<vmem>>[vector<16xi32>, vector<16xi32>], vector<16xi32>, vector<16xi1>
    %get3A_963 = arith.index_cast %rem3A_850 : i32 to index
    %get3A_964 = arith.constant 96 : index
    %get3A_965 = tpu.vector_load %arg4[%get3A_963, %get3A_964] {strides = array<i32>} : memref<26x128xi32, #tpu.memory_space<vmem>>, vector<16xi32>,
    %sub3A_966 = arith.subi %get3A_965, %add3A_854 : vector<16xi32>
    %ge3A_967 = arith.cmpi sge, %get3A_965, %add3A_854 : vector<16xi32>
    tpu.vector_store_idx %arg6[%sub3A_966, %add3A_55], %broadcast_in_dim3A_26 masked %ge3A_967 : memref<104x128xi32, #tpu.memory_space<vmem>>[vector<16xi32>, vector<16xi32>], vector<16xi32>, vector<16xi1>
    %add3A_968 = arith.constant 1 : i32
    %add3A_969 = arith.addi %rem3A_850, %add3A_968 : i32
    %get3A_970 = arith.index_cast %add3A_969 : i32 to index
    %get3A_971 = arith.constant 96 : index
    %get3A_972 = tpu.vector_load %arg4[%get3A_970, %get3A_971] {strides = array<i32>} : memref<26x128xi32, #tpu.memory_space<vmem>>, vector<16xi32>,
    %sub3A_973 = arith.constant 100 : i32
    %sub3A_974 = vector.broadcast %sub3A_973 : i32 to vector<16xi32>
    %sub3A_975 = arith.subi %sub3A_974, %add3A_854 : vector<16xi32>
    %add3A_976 = arith.addi %get3A_972, %sub3A_975 : vector<16xi32>
    %add3A_977 = arith.constant 4 : i32
    %add3A_978 = vector.broadcast %add3A_977 : i32 to vector<16xi32>
    %add3A_979 = arith.addi %add3A_854, %add3A_978 : vector<16xi32>
    %lt3A_980 = arith.cmpi slt, %get3A_972, %add3A_979 : vector<16xi32>
    tpu.vector_store_idx %arg6[%add3A_976, %add3A_55], %broadcast_in_dim3A_26 masked %lt3A_980 : memref<104x128xi32, #tpu.memory_space<vmem>>[vector<16xi32>, vector<16xi32>], vector<16xi32>, vector<16xi1>
    %get3A_981 = arith.index_cast %rem3A_850 : i32 to index
    %get3A_982 = arith.constant 112 : index
    %get3A_983 = tpu.vector_load %arg4[%get3A_981, %get3A_982] {strides = array<i32>} : memref<26x128xi32, #tpu.memory_space<vmem>>, vector<16xi32>,
    %sub3A_984 = arith.subi %get3A_983, %add3A_854 : vector<16xi32>
    %ge3A_985 = arith.cmpi sge, %get3A_983, %add3A_854 : vector<16xi32>
    tpu.vector_store_idx %arg6[%sub3A_984, %add3A_59], %broadcast_in_dim3A_26 masked %ge3A_985 : memref<104x128xi32, #tpu.memory_space<vmem>>[vector<16xi32>, vector<16xi32>], vector<16xi32>, vector<16xi1>
    %add3A_986 = arith.constant 1 : i32
    %add3A_987 = arith.addi %rem3A_850, %add3A_986 : i32
    %get3A_988 = arith.index_cast %add3A_987 : i32 to index
    %get3A_989 = arith.constant 112 : index
    %get3A_990 = tpu.vector_load %arg4[%get3A_988, %get3A_989] {strides = array<i32>} : memref<26x128xi32, #tpu.memory_space<vmem>>, vector<16xi32>,
    %sub3A_991 = arith.constant 100 : i32
    %sub3A_992 = vector.broadcast %sub3A_991 : i32 to vector<16xi32>
    %sub3A_993 = arith.subi %sub3A_992, %add3A_854 : vector<16xi32>
    %add3A_994 = arith.addi %get3A_990, %sub3A_993 : vector<16xi32>
    %add3A_995 = arith.constant 4 : i32
    %add3A_996 = vector.broadcast %add3A_995 : i32 to vector<16xi32>
    %add3A_997 = arith.addi %add3A_854, %add3A_996 : vector<16xi32>
    %lt3A_998 = arith.cmpi slt, %get3A_990, %add3A_997 : vector<16xi32>
    tpu.vector_store_idx %arg6[%add3A_994, %add3A_59], %broadcast_in_dim3A_26 masked %lt3A_998 : memref<104x128xi32, #tpu.memory_space<vmem>>[vector<16xi32>, vector<16xi32>], vector<16xi32>, vector<16xi1>
    %mul3A_999 = arith.constant 104 : i32
    %mul3A_1000 = arith.muli %rem3A_850, %mul3A_999 : i32
    %dma_start3A_1001 = tpu.memref_slice %arg3[%mul3A_1000, %mul3A_20] : memref<2600x1024xi32, #tpu.memory_space<hbm>> -> memref<104x128xi32, #tpu.memory_space<hbm>>
    %dma_start3A_1002 = tpu.memref_slice %arg3[%mul3A_1000, %mul3A_20] : memref<2600x1024xi32, #tpu.memory_space<hbm>> -> memref<104x128xi32, #tpu.memory_space<hbm>>
    tpu.enqueue_dma source(%arg6 : memref<104x128xi32, #tpu.memory_space<vmem>>) target(%dma_start3A_1002 : memref<104x128xi32, #tpu.memory_space<hbm>>) target_semaphore(%arg8 : memref<!tpu.dma_semaphore, #tpu.memory_space<semaphore_mem>>)
    %dma_wait3A_1003 = tpu.memref_slice %arg3[%mul3A_690, %mul3A_20] : memref<2600x1024xi32, #tpu.memory_space<hbm>> -> memref<104x128xi32, #tpu.memory_space<hbm>>
    %dma_wait3A_1004 = tpu.memref_slice %arg3[%mul3A_690, %mul3A_20] : memref<2600x1024xi32, #tpu.memory_space<hbm>> -> memref<104x128xi32, #tpu.memory_space<hbm>>
    tpu.wait_dma2 semaphore(%arg7 : memref<!tpu.dma_semaphore, #tpu.memory_space<semaphore_mem>>) src(%arg5 : memref<104x128xi32, #tpu.memory_space<vmem>>) dst(%dma_wait3A_1004 : memref<104x128xi32, #tpu.memory_space<hbm>>)
    %add3A_1005 = arith.constant 8 : i32
    %add3A_1006 = arith.addi %select_n3A, %add3A_1005 : i32
    %rem3A_1007 = arith.constant 25 : i32
    %rem3A_1008 = arith.remsi %add3A_1006, %rem3A_1007 : i32
    %mul3A_1009 = arith.constant 4 : i32
    %mul3A_1010 = arith.muli %mul3A_1009, %rem3A_1008 : i32
    %add3A_1011 = vector.broadcast %mul3A_1010 : i32 to vector<16xi32>
    %add3A_1012 = arith.addi %broadcast_in_dim3A_28, %add3A_1011 : vector<16xi32>
    %get3A_1013 = arith.index_cast %rem3A_1008 : i32 to index
    %get3A_1014 = arith.constant 0 : index
    %get3A_1015 = tpu.vector_load %arg4[%get3A_1013, %get3A_1014] {strides = array<i32>} : memref<26x128xi32, #tpu.memory_space<vmem>>, vector<16xi32>,
    %sub3A_1016 = arith.subi %get3A_1015, %add3A_1012 : vector<16xi32>
    %ge3A_1017 = arith.cmpi sge, %get3A_1015, %add3A_1012 : vector<16xi32>
    tpu.vector_store_idx %arg5[%sub3A_1016, %add3A_31], %broadcast_in_dim3A_24 masked %ge3A_1017 : memref<104x128xi32, #tpu.memory_space<vmem>>[vector<16xi32>, vector<16xi32>], vector<16xi32>, vector<16xi1>
    %add3A_1018 = arith.constant 1 : i32
    %add3A_1019 = arith.addi %rem3A_1008, %add3A_1018 : i32
    %get3A_1020 = arith.index_cast %add3A_1019 : i32 to index
    %get3A_1021 = arith.constant 0 : index
    %get3A_1022 = tpu.vector_load %arg4[%get3A_1020, %get3A_1021] {strides = array<i32>} : memref<26x128xi32, #tpu.memory_space<vmem>>, vector<16xi32>,
    %sub3A_1023 = arith.constant 100 : i32
    %sub3A_1024 = vector.broadcast %sub3A_1023 : i32 to vector<16xi32>
    %sub3A_1025 = arith.subi %sub3A_1024, %add3A_1012 : vector<16xi32>
    %add3A_1026 = arith.addi %get3A_1022, %sub3A_1025 : vector<16xi32>
    %add3A_1027 = arith.constant 4 : i32
    %add3A_1028 = vector.broadcast %add3A_1027 : i32 to vector<16xi32>
    %add3A_1029 = arith.addi %add3A_1012, %add3A_1028 : vector<16xi32>
    %lt3A_1030 = arith.cmpi slt, %get3A_1022, %add3A_1029 : vector<16xi32>
    tpu.vector_store_idx %arg5[%add3A_1026, %add3A_31], %broadcast_in_dim3A_24 masked %lt3A_1030 : memref<104x128xi32, #tpu.memory_space<vmem>>[vector<16xi32>, vector<16xi32>], vector<16xi32>, vector<16xi1>
    %get3A_1031 = arith.index_cast %rem3A_1008 : i32 to index
    %get3A_1032 = arith.constant 16 : index
    %get3A_1033 = tpu.vector_load %arg4[%get3A_1031, %get3A_1032] {strides = array<i32>} : memref<26x128xi32, #tpu.memory_space<vmem>>, vector<16xi32>,
    %sub3A_1034 = arith.subi %get3A_1033, %add3A_1012 : vector<16xi32>
    %ge3A_1035 = arith.cmpi sge, %get3A_1033, %add3A_1012 : vector<16xi32>
    tpu.vector_store_idx %arg5[%sub3A_1034, %add3A_35], %broadcast_in_dim3A_24 masked %ge3A_1035 : memref<104x128xi32, #tpu.memory_space<vmem>>[vector<16xi32>, vector<16xi32>], vector<16xi32>, vector<16xi1>
    %add3A_1036 = arith.constant 1 : i32
    %add3A_1037 = arith.addi %rem3A_1008, %add3A_1036 : i32
    %get3A_1038 = arith.index_cast %add3A_1037 : i32 to index
    %get3A_1039 = arith.constant 16 : index
    %get3A_1040 = tpu.vector_load %arg4[%get3A_1038, %get3A_1039] {strides = array<i32>} : memref<26x128xi32, #tpu.memory_space<vmem>>, vector<16xi32>,
    %sub3A_1041 = arith.constant 100 : i32
    %sub3A_1042 = vector.broadcast %sub3A_1041 : i32 to vector<16xi32>
    %sub3A_1043 = arith.subi %sub3A_1042, %add3A_1012 : vector<16xi32>
    %add3A_1044 = arith.addi %get3A_1040, %sub3A_1043 : vector<16xi32>
    %add3A_1045 = arith.constant 4 : i32
    %add3A_1046 = vector.broadcast %add3A_1045 : i32 to vector<16xi32>
    %add3A_1047 = arith.addi %add3A_1012, %add3A_1046 : vector<16xi32>
    %lt3A_1048 = arith.cmpi slt, %get3A_1040, %add3A_1047 : vector<16xi32>
    tpu.vector_store_idx %arg5[%add3A_1044, %add3A_35], %broadcast_in_dim3A_24 masked %lt3A_1048 : memref<104x128xi32, #tpu.memory_space<vmem>>[vector<16xi32>, vector<16xi32>], vector<16xi32>, vector<16xi1>
    %get3A_1049 = arith.index_cast %rem3A_1008 : i32 to index
    %get3A_1050 = arith.constant 32 : index
    %get3A_1051 = tpu.vector_load %arg4[%get3A_1049, %get3A_1050] {strides = array<i32>} : memref<26x128xi32, #tpu.memory_space<vmem>>, vector<16xi32>,
    %sub3A_1052 = arith.subi %get3A_1051, %add3A_1012 : vector<16xi32>
    %ge3A_1053 = arith.cmpi sge, %get3A_1051, %add3A_1012 : vector<16xi32>
    tpu.vector_store_idx %arg5[%sub3A_1052, %add3A_39], %broadcast_in_dim3A_24 masked %ge3A_1053 : memref<104x128xi32, #tpu.memory_space<vmem>>[vector<16xi32>, vector<16xi32>], vector<16xi32>, vector<16xi1>
    %add3A_1054 = arith.constant 1 : i32
    %add3A_1055 = arith.addi %rem3A_1008, %add3A_1054 : i32
    %get3A_1056 = arith.index_cast %add3A_1055 : i32 to index
    %get3A_1057 = arith.constant 32 : index
    %get3A_1058 = tpu.vector_load %arg4[%get3A_1056, %get3A_1057] {strides = array<i32>} : memref<26x128xi32, #tpu.memory_space<vmem>>, vector<16xi32>,
    %sub3A_1059 = arith.constant 100 : i32
    %sub3A_1060 = vector.broadcast %sub3A_1059 : i32 to vector<16xi32>
    %sub3A_1061 = arith.subi %sub3A_1060, %add3A_1012 : vector<16xi32>
    %add3A_1062 = arith.addi %get3A_1058, %sub3A_1061 : vector<16xi32>
    %add3A_1063 = arith.constant 4 : i32
    %add3A_1064 = vector.broadcast %add3A_1063 : i32 to vector<16xi32>
    %add3A_1065 = arith.addi %add3A_1012, %add3A_1064 : vector<16xi32>
    %lt3A_1066 = arith.cmpi slt, %get3A_1058, %add3A_1065 : vector<16xi32>
    tpu.vector_store_idx %arg5[%add3A_1062, %add3A_39], %broadcast_in_dim3A_24 masked %lt3A_1066 : memref<104x128xi32, #tpu.memory_space<vmem>>[vector<16xi32>, vector<16xi32>], vector<16xi32>, vector<16xi1>
    %get3A_1067 = arith.index_cast %rem3A_1008 : i32 to index
    %get3A_1068 = arith.constant 48 : index
    %get3A_1069 = tpu.vector_load %arg4[%get3A_1067, %get3A_1068] {strides = array<i32>} : memref<26x128xi32, #tpu.memory_space<vmem>>, vector<16xi32>,
    %sub3A_1070 = arith.subi %get3A_1069, %add3A_1012 : vector<16xi32>
    %ge3A_1071 = arith.cmpi sge, %get3A_1069, %add3A_1012 : vector<16xi32>
    tpu.vector_store_idx %arg5[%sub3A_1070, %add3A_43], %broadcast_in_dim3A_24 masked %ge3A_1071 : memref<104x128xi32, #tpu.memory_space<vmem>>[vector<16xi32>, vector<16xi32>], vector<16xi32>, vector<16xi1>
    %add3A_1072 = arith.constant 1 : i32
    %add3A_1073 = arith.addi %rem3A_1008, %add3A_1072 : i32
    %get3A_1074 = arith.index_cast %add3A_1073 : i32 to index
    %get3A_1075 = arith.constant 48 : index
    %get3A_1076 = tpu.vector_load %arg4[%get3A_1074, %get3A_1075] {strides = array<i32>} : memref<26x128xi32, #tpu.memory_space<vmem>>, vector<16xi32>,
    %sub3A_1077 = arith.constant 100 : i32
    %sub3A_1078 = vector.broadcast %sub3A_1077 : i32 to vector<16xi32>
    %sub3A_1079 = arith.subi %sub3A_1078, %add3A_1012 : vector<16xi32>
    %add3A_1080 = arith.addi %get3A_1076, %sub3A_1079 : vector<16xi32>
    %add3A_1081 = arith.constant 4 : i32
    %add3A_1082 = vector.broadcast %add3A_1081 : i32 to vector<16xi32>
    %add3A_1083 = arith.addi %add3A_1012, %add3A_1082 : vector<16xi32>
    %lt3A_1084 = arith.cmpi slt, %get3A_1076, %add3A_1083 : vector<16xi32>
    tpu.vector_store_idx %arg5[%add3A_1080, %add3A_43], %broadcast_in_dim3A_24 masked %lt3A_1084 : memref<104x128xi32, #tpu.memory_space<vmem>>[vector<16xi32>, vector<16xi32>], vector<16xi32>, vector<16xi1>
    %get3A_1085 = arith.index_cast %rem3A_1008 : i32 to index
    %get3A_1086 = arith.constant 64 : index
    %get3A_1087 = tpu.vector_load %arg4[%get3A_1085, %get3A_1086] {strides = array<i32>} : memref<26x128xi32, #tpu.memory_space<vmem>>, vector<16xi32>,
    %sub3A_1088 = arith.subi %get3A_1087, %add3A_1012 : vector<16xi32>
    %ge3A_1089 = arith.cmpi sge, %get3A_1087, %add3A_1012 : vector<16xi32>
    tpu.vector_store_idx %arg5[%sub3A_1088, %add3A_47], %broadcast_in_dim3A_24 masked %ge3A_1089 : memref<104x128xi32, #tpu.memory_space<vmem>>[vector<16xi32>, vector<16xi32>], vector<16xi32>, vector<16xi1>
    %add3A_1090 = arith.constant 1 : i32
    %add3A_1091 = arith.addi %rem3A_1008, %add3A_1090 : i32
    %get3A_1092 = arith.index_cast %add3A_1091 : i32 to index
    %get3A_1093 = arith.constant 64 : index
    %get3A_1094 = tpu.vector_load %arg4[%get3A_1092, %get3A_1093] {strides = array<i32>} : memref<26x128xi32, #tpu.memory_space<vmem>>, vector<16xi32>,
    %sub3A_1095 = arith.constant 100 : i32
    %sub3A_1096 = vector.broadcast %sub3A_1095 : i32 to vector<16xi32>
    %sub3A_1097 = arith.subi %sub3A_1096, %add3A_1012 : vector<16xi32>
    %add3A_1098 = arith.addi %get3A_1094, %sub3A_1097 : vector<16xi32>
    %add3A_1099 = arith.constant 4 : i32
    %add3A_1100 = vector.broadcast %add3A_1099 : i32 to vector<16xi32>
    %add3A_1101 = arith.addi %add3A_1012, %add3A_1100 : vector<16xi32>
    %lt3A_1102 = arith.cmpi slt, %get3A_1094, %add3A_1101 : vector<16xi32>
    tpu.vector_store_idx %arg5[%add3A_1098, %add3A_47], %broadcast_in_dim3A_24 masked %lt3A_1102 : memref<104x128xi32, #tpu.memory_space<vmem>>[vector<16xi32>, vector<16xi32>], vector<16xi32>, vector<16xi1>
    %get3A_1103 = arith.index_cast %rem3A_1008 : i32 to index
    %get3A_1104 = arith.constant 80 : index
    %get3A_1105 = tpu.vector_load %arg4[%get3A_1103, %get3A_1104] {strides = array<i32>} : memref<26x128xi32, #tpu.memory_space<vmem>>, vector<16xi32>,
    %sub3A_1106 = arith.subi %get3A_1105, %add3A_1012 : vector<16xi32>
    %ge3A_1107 = arith.cmpi sge, %get3A_1105, %add3A_1012 : vector<16xi32>
    tpu.vector_store_idx %arg5[%sub3A_1106, %add3A_51], %broadcast_in_dim3A_24 masked %ge3A_1107 : memref<104x128xi32, #tpu.memory_space<vmem>>[vector<16xi32>, vector<16xi32>], vector<16xi32>, vector<16xi1>
    %add3A_1108 = arith.constant 1 : i32
    %add3A_1109 = arith.addi %rem3A_1008, %add3A_1108 : i32
    %get3A_1110 = arith.index_cast %add3A_1109 : i32 to index
    %get3A_1111 = arith.constant 80 : index
    %get3A_1112 = tpu.vector_load %arg4[%get3A_1110, %get3A_1111] {strides = array<i32>} : memref<26x128xi32, #tpu.memory_space<vmem>>, vector<16xi32>,
    %sub3A_1113 = arith.constant 100 : i32
    %sub3A_1114 = vector.broadcast %sub3A_1113 : i32 to vector<16xi32>
    %sub3A_1115 = arith.subi %sub3A_1114, %add3A_1012 : vector<16xi32>
    %add3A_1116 = arith.addi %get3A_1112, %sub3A_1115 : vector<16xi32>
    %add3A_1117 = arith.constant 4 : i32
    %add3A_1118 = vector.broadcast %add3A_1117 : i32 to vector<16xi32>
    %add3A_1119 = arith.addi %add3A_1012, %add3A_1118 : vector<16xi32>
    %lt3A_1120 = arith.cmpi slt, %get3A_1112, %add3A_1119 : vector<16xi32>
    tpu.vector_store_idx %arg5[%add3A_1116, %add3A_51], %broadcast_in_dim3A_24 masked %lt3A_1120 : memref<104x128xi32, #tpu.memory_space<vmem>>[vector<16xi32>, vector<16xi32>], vector<16xi32>, vector<16xi1>
    %get3A_1121 = arith.index_cast %rem3A_1008 : i32 to index
    %get3A_1122 = arith.constant 96 : index
    %get3A_1123 = tpu.vector_load %arg4[%get3A_1121, %get3A_1122] {strides = array<i32>} : memref<26x128xi32, #tpu.memory_space<vmem>>, vector<16xi32>,
    %sub3A_1124 = arith.subi %get3A_1123, %add3A_1012 : vector<16xi32>
    %ge3A_1125 = arith.cmpi sge, %get3A_1123, %add3A_1012 : vector<16xi32>
    tpu.vector_store_idx %arg5[%sub3A_1124, %add3A_55], %broadcast_in_dim3A_24 masked %ge3A_1125 : memref<104x128xi32, #tpu.memory_space<vmem>>[vector<16xi32>, vector<16xi32>], vector<16xi32>, vector<16xi1>
    %add3A_1126 = arith.constant 1 : i32
    %add3A_1127 = arith.addi %rem3A_1008, %add3A_1126 : i32
    %get3A_1128 = arith.index_cast %add3A_1127 : i32 to index
    %get3A_1129 = arith.constant 96 : index
    %get3A_1130 = tpu.vector_load %arg4[%get3A_1128, %get3A_1129] {strides = array<i32>} : memref<26x128xi32, #tpu.memory_space<vmem>>, vector<16xi32>,
    %sub3A_1131 = arith.constant 100 : i32
    %sub3A_1132 = vector.broadcast %sub3A_1131 : i32 to vector<16xi32>
    %sub3A_1133 = arith.subi %sub3A_1132, %add3A_1012 : vector<16xi32>
    %add3A_1134 = arith.addi %get3A_1130, %sub3A_1133 : vector<16xi32>
    %add3A_1135 = arith.constant 4 : i32
    %add3A_1136 = vector.broadcast %add3A_1135 : i32 to vector<16xi32>
    %add3A_1137 = arith.addi %add3A_1012, %add3A_1136 : vector<16xi32>
    %lt3A_1138 = arith.cmpi slt, %get3A_1130, %add3A_1137 : vector<16xi32>
    tpu.vector_store_idx %arg5[%add3A_1134, %add3A_55], %broadcast_in_dim3A_24 masked %lt3A_1138 : memref<104x128xi32, #tpu.memory_space<vmem>>[vector<16xi32>, vector<16xi32>], vector<16xi32>, vector<16xi1>
    %get3A_1139 = arith.index_cast %rem3A_1008 : i32 to index
    %get3A_1140 = arith.constant 112 : index
    %get3A_1141 = tpu.vector_load %arg4[%get3A_1139, %get3A_1140] {strides = array<i32>} : memref<26x128xi32, #tpu.memory_space<vmem>>, vector<16xi32>,
    %sub3A_1142 = arith.subi %get3A_1141, %add3A_1012 : vector<16xi32>
    %ge3A_1143 = arith.cmpi sge, %get3A_1141, %add3A_1012 : vector<16xi32>
    tpu.vector_store_idx %arg5[%sub3A_1142, %add3A_59], %broadcast_in_dim3A_24 masked %ge3A_1143 : memref<104x128xi32, #tpu.memory_space<vmem>>[vector<16xi32>, vector<16xi32>], vector<16xi32>, vector<16xi1>
    %add3A_1144 = arith.constant 1 : i32
    %add3A_1145 = arith.addi %rem3A_1008, %add3A_1144 : i32
    %get3A_1146 = arith.index_cast %add3A_1145 : i32 to index
    %get3A_1147 = arith.constant 112 : index
    %get3A_1148 = tpu.vector_load %arg4[%get3A_1146, %get3A_1147] {strides = array<i32>} : memref<26x128xi32, #tpu.memory_space<vmem>>, vector<16xi32>,
    %sub3A_1149 = arith.constant 100 : i32
    %sub3A_1150 = vector.broadcast %sub3A_1149 : i32 to vector<16xi32>
    %sub3A_1151 = arith.subi %sub3A_1150, %add3A_1012 : vector<16xi32>
    %add3A_1152 = arith.addi %get3A_1148, %sub3A_1151 : vector<16xi32>
    %add3A_1153 = arith.constant 4 : i32
    %add3A_1154 = vector.broadcast %add3A_1153 : i32 to vector<16xi32>
    %add3A_1155 = arith.addi %add3A_1012, %add3A_1154 : vector<16xi32>
    %lt3A_1156 = arith.cmpi slt, %get3A_1148, %add3A_1155 : vector<16xi32>
    tpu.vector_store_idx %arg5[%add3A_1152, %add3A_59], %broadcast_in_dim3A_24 masked %lt3A_1156 : memref<104x128xi32, #tpu.memory_space<vmem>>[vector<16xi32>, vector<16xi32>], vector<16xi32>, vector<16xi1>
    %add3A_1157 = arith.constant 16 : i32
    %add3A_1158 = arith.addi %select_n3A, %add3A_1157 : i32
    %rem3A_1159 = arith.constant 25 : i32
    %rem3A_1160 = arith.remsi %add3A_1158, %rem3A_1159 : i32
    %mul3A_1161 = arith.constant 4 : i32
    %mul3A_1162 = arith.muli %mul3A_1161, %rem3A_1160 : i32
    %add3A_1163 = vector.broadcast %mul3A_1162 : i32 to vector<16xi32>
    %add3A_1164 = arith.addi %broadcast_in_dim3A_28, %add3A_1163 : vector<16xi32>
    %get3A_1165 = arith.index_cast %rem3A_1160 : i32 to index
    %get3A_1166 = arith.constant 0 : index
    %get3A_1167 = tpu.vector_load %arg4[%get3A_1165, %get3A_1166] {strides = array<i32>} : memref<26x128xi32, #tpu.memory_space<vmem>>, vector<16xi32>,
    %sub3A_1168 = arith.subi %get3A_1167, %add3A_1164 : vector<16xi32>
    %ge3A_1169 = arith.cmpi sge, %get3A_1167, %add3A_1164 : vector<16xi32>
    tpu.vector_store_idx %arg5[%sub3A_1168, %add3A_31], %broadcast_in_dim3A_26 masked %ge3A_1169 : memref<104x128xi32, #tpu.memory_space<vmem>>[vector<16xi32>, vector<16xi32>], vector<16xi32>, vector<16xi1>
    %add3A_1170 = arith.constant 1 : i32
    %add3A_1171 = arith.addi %rem3A_1160, %add3A_1170 : i32
    %get3A_1172 = arith.index_cast %add3A_1171 : i32 to index
    %get3A_1173 = arith.constant 0 : index
    %get3A_1174 = tpu.vector_load %arg4[%get3A_1172, %get3A_1173] {strides = array<i32>} : memref<26x128xi32, #tpu.memory_space<vmem>>, vector<16xi32>,
    %sub3A_1175 = arith.constant 100 : i32
    %sub3A_1176 = vector.broadcast %sub3A_1175 : i32 to vector<16xi32>
    %sub3A_1177 = arith.subi %sub3A_1176, %add3A_1164 : vector<16xi32>
    %add3A_1178 = arith.addi %get3A_1174, %sub3A_1177 : vector<16xi32>
    %add3A_1179 = arith.constant 4 : i32
    %add3A_1180 = vector.broadcast %add3A_1179 : i32 to vector<16xi32>
    %add3A_1181 = arith.addi %add3A_1164, %add3A_1180 : vector<16xi32>
    %lt3A_1182 = arith.cmpi slt, %get3A_1174, %add3A_1181 : vector<16xi32>
    tpu.vector_store_idx %arg5[%add3A_1178, %add3A_31], %broadcast_in_dim3A_26 masked %lt3A_1182 : memref<104x128xi32, #tpu.memory_space<vmem>>[vector<16xi32>, vector<16xi32>], vector<16xi32>, vector<16xi1>
    %get3A_1183 = arith.index_cast %rem3A_1160 : i32 to index
    %get3A_1184 = arith.constant 16 : index
    %get3A_1185 = tpu.vector_load %arg4[%get3A_1183, %get3A_1184] {strides = array<i32>} : memref<26x128xi32, #tpu.memory_space<vmem>>, vector<16xi32>,
    %sub3A_1186 = arith.subi %get3A_1185, %add3A_1164 : vector<16xi32>
    %ge3A_1187 = arith.cmpi sge, %get3A_1185, %add3A_1164 : vector<16xi32>
    tpu.vector_store_idx %arg5[%sub3A_1186, %add3A_35], %broadcast_in_dim3A_26 masked %ge3A_1187 : memref<104x128xi32, #tpu.memory_space<vmem>>[vector<16xi32>, vector<16xi32>], vector<16xi32>, vector<16xi1>
    %add3A_1188 = arith.constant 1 : i32
    %add3A_1189 = arith.addi %rem3A_1160, %add3A_1188 : i32
    %get3A_1190 = arith.index_cast %add3A_1189 : i32 to index
    %get3A_1191 = arith.constant 16 : index
    %get3A_1192 = tpu.vector_load %arg4[%get3A_1190, %get3A_1191] {strides = array<i32>} : memref<26x128xi32, #tpu.memory_space<vmem>>, vector<16xi32>,
    %sub3A_1193 = arith.constant 100 : i32
    %sub3A_1194 = vector.broadcast %sub3A_1193 : i32 to vector<16xi32>
    %sub3A_1195 = arith.subi %sub3A_1194, %add3A_1164 : vector<16xi32>
    %add3A_1196 = arith.addi %get3A_1192, %sub3A_1195 : vector<16xi32>
    %add3A_1197 = arith.constant 4 : i32
    %add3A_1198 = vector.broadcast %add3A_1197 : i32 to vector<16xi32>
    %add3A_1199 = arith.addi %add3A_1164, %add3A_1198 : vector<16xi32>
    %lt3A_1200 = arith.cmpi slt, %get3A_1192, %add3A_1199 : vector<16xi32>
    tpu.vector_store_idx %arg5[%add3A_1196, %add3A_35], %broadcast_in_dim3A_26 masked %lt3A_1200 : memref<104x128xi32, #tpu.memory_space<vmem>>[vector<16xi32>, vector<16xi32>], vector<16xi32>, vector<16xi1>
    %get3A_1201 = arith.index_cast %rem3A_1160 : i32 to index
    %get3A_1202 = arith.constant 32 : index
    %get3A_1203 = tpu.vector_load %arg4[%get3A_1201, %get3A_1202] {strides = array<i32>} : memref<26x128xi32, #tpu.memory_space<vmem>>, vector<16xi32>,
    %sub3A_1204 = arith.subi %get3A_1203, %add3A_1164 : vector<16xi32>
    %ge3A_1205 = arith.cmpi sge, %get3A_1203, %add3A_1164 : vector<16xi32>
    tpu.vector_store_idx %arg5[%sub3A_1204, %add3A_39], %broadcast_in_dim3A_26 masked %ge3A_1205 : memref<104x128xi32, #tpu.memory_space<vmem>>[vector<16xi32>, vector<16xi32>], vector<16xi32>, vector<16xi1>
    %add3A_1206 = arith.constant 1 : i32
    %add3A_1207 = arith.addi %rem3A_1160, %add3A_1206 : i32
    %get3A_1208 = arith.index_cast %add3A_1207 : i32 to index
    %get3A_1209 = arith.constant 32 : index
    %get3A_1210 = tpu.vector_load %arg4[%get3A_1208, %get3A_1209] {strides = array<i32>} : memref<26x128xi32, #tpu.memory_space<vmem>>, vector<16xi32>,
    %sub3A_1211 = arith.constant 100 : i32
    %sub3A_1212 = vector.broadcast %sub3A_1211 : i32 to vector<16xi32>
    %sub3A_1213 = arith.subi %sub3A_1212, %add3A_1164 : vector<16xi32>
    %add3A_1214 = arith.addi %get3A_1210, %sub3A_1213 : vector<16xi32>
    %add3A_1215 = arith.constant 4 : i32
    %add3A_1216 = vector.broadcast %add3A_1215 : i32 to vector<16xi32>
    %add3A_1217 = arith.addi %add3A_1164, %add3A_1216 : vector<16xi32>
    %lt3A_1218 = arith.cmpi slt, %get3A_1210, %add3A_1217 : vector<16xi32>
    tpu.vector_store_idx %arg5[%add3A_1214, %add3A_39], %broadcast_in_dim3A_26 masked %lt3A_1218 : memref<104x128xi32, #tpu.memory_space<vmem>>[vector<16xi32>, vector<16xi32>], vector<16xi32>, vector<16xi1>
    %get3A_1219 = arith.index_cast %rem3A_1160 : i32 to index
    %get3A_1220 = arith.constant 48 : index
    %get3A_1221 = tpu.vector_load %arg4[%get3A_1219, %get3A_1220] {strides = array<i32>} : memref<26x128xi32, #tpu.memory_space<vmem>>, vector<16xi32>,
    %sub3A_1222 = arith.subi %get3A_1221, %add3A_1164 : vector<16xi32>
    %ge3A_1223 = arith.cmpi sge, %get3A_1221, %add3A_1164 : vector<16xi32>
    tpu.vector_store_idx %arg5[%sub3A_1222, %add3A_43], %broadcast_in_dim3A_26 masked %ge3A_1223 : memref<104x128xi32, #tpu.memory_space<vmem>>[vector<16xi32>, vector<16xi32>], vector<16xi32>, vector<16xi1>
    %add3A_1224 = arith.constant 1 : i32
    %add3A_1225 = arith.addi %rem3A_1160, %add3A_1224 : i32
    %get3A_1226 = arith.index_cast %add3A_1225 : i32 to index
    %get3A_1227 = arith.constant 48 : index
    %get3A_1228 = tpu.vector_load %arg4[%get3A_1226, %get3A_1227] {strides = array<i32>} : memref<26x128xi32, #tpu.memory_space<vmem>>, vector<16xi32>,
    %sub3A_1229 = arith.constant 100 : i32
    %sub3A_1230 = vector.broadcast %sub3A_1229 : i32 to vector<16xi32>
    %sub3A_1231 = arith.subi %sub3A_1230, %add3A_1164 : vector<16xi32>
    %add3A_1232 = arith.addi %get3A_1228, %sub3A_1231 : vector<16xi32>
    %add3A_1233 = arith.constant 4 : i32
    %add3A_1234 = vector.broadcast %add3A_1233 : i32 to vector<16xi32>
    %add3A_1235 = arith.addi %add3A_1164, %add3A_1234 : vector<16xi32>
    %lt3A_1236 = arith.cmpi slt, %get3A_1228, %add3A_1235 : vector<16xi32>
    tpu.vector_store_idx %arg5[%add3A_1232, %add3A_43], %broadcast_in_dim3A_26 masked %lt3A_1236 : memref<104x128xi32, #tpu.memory_space<vmem>>[vector<16xi32>, vector<16xi32>], vector<16xi32>, vector<16xi1>
    %get3A_1237 = arith.index_cast %rem3A_1160 : i32 to index
    %get3A_1238 = arith.constant 64 : index
    %get3A_1239 = tpu.vector_load %arg4[%get3A_1237, %get3A_1238] {strides = array<i32>} : memref<26x128xi32, #tpu.memory_space<vmem>>, vector<16xi32>,
    %sub3A_1240 = arith.subi %get3A_1239, %add3A_1164 : vector<16xi32>
    %ge3A_1241 = arith.cmpi sge, %get3A_1239, %add3A_1164 : vector<16xi32>
    tpu.vector_store_idx %arg5[%sub3A_1240, %add3A_47], %broadcast_in_dim3A_26 masked %ge3A_1241 : memref<104x128xi32, #tpu.memory_space<vmem>>[vector<16xi32>, vector<16xi32>], vector<16xi32>, vector<16xi1>
    %add3A_1242 = arith.constant 1 : i32
    %add3A_1243 = arith.addi %rem3A_1160, %add3A_1242 : i32
    %get3A_1244 = arith.index_cast %add3A_1243 : i32 to index
    %get3A_1245 = arith.constant 64 : index
    %get3A_1246 = tpu.vector_load %arg4[%get3A_1244, %get3A_1245] {strides = array<i32>} : memref<26x128xi32, #tpu.memory_space<vmem>>, vector<16xi32>,
    %sub3A_1247 = arith.constant 100 : i32
    %sub3A_1248 = vector.broadcast %sub3A_1247 : i32 to vector<16xi32>
    %sub3A_1249 = arith.subi %sub3A_1248, %add3A_1164 : vector<16xi32>
    %add3A_1250 = arith.addi %get3A_1246, %sub3A_1249 : vector<16xi32>
    %add3A_1251 = arith.constant 4 : i32
    %add3A_1252 = vector.broadcast %add3A_1251 : i32 to vector<16xi32>
    %add3A_1253 = arith.addi %add3A_1164, %add3A_1252 : vector<16xi32>
    %lt3A_1254 = arith.cmpi slt, %get3A_1246, %add3A_1253 : vector<16xi32>
    tpu.vector_store_idx %arg5[%add3A_1250, %add3A_47], %broadcast_in_dim3A_26 masked %lt3A_1254 : memref<104x128xi32, #tpu.memory_space<vmem>>[vector<16xi32>, vector<16xi32>], vector<16xi32>, vector<16xi1>
    %get3A_1255 = arith.index_cast %rem3A_1160 : i32 to index
    %get3A_1256 = arith.constant 80 : index
    %get3A_1257 = tpu.vector_load %arg4[%get3A_1255, %get3A_1256] {strides = array<i32>} : memref<26x128xi32, #tpu.memory_space<vmem>>, vector<16xi32>,
    %sub3A_1258 = arith.subi %get3A_1257, %add3A_1164 : vector<16xi32>
    %ge3A_1259 = arith.cmpi sge, %get3A_1257, %add3A_1164 : vector<16xi32>
    tpu.vector_store_idx %arg5[%sub3A_1258, %add3A_51], %broadcast_in_dim3A_26 masked %ge3A_1259 : memref<104x128xi32, #tpu.memory_space<vmem>>[vector<16xi32>, vector<16xi32>], vector<16xi32>, vector<16xi1>
    %add3A_1260 = arith.constant 1 : i32
    %add3A_1261 = arith.addi %rem3A_1160, %add3A_1260 : i32
    %get3A_1262 = arith.index_cast %add3A_1261 : i32 to index
    %get3A_1263 = arith.constant 80 : index
    %get3A_1264 = tpu.vector_load %arg4[%get3A_1262, %get3A_1263] {strides = array<i32>} : memref<26x128xi32, #tpu.memory_space<vmem>>, vector<16xi32>,
    %sub3A_1265 = arith.constant 100 : i32
    %sub3A_1266 = vector.broadcast %sub3A_1265 : i32 to vector<16xi32>
    %sub3A_1267 = arith.subi %sub3A_1266, %add3A_1164 : vector<16xi32>
    %add3A_1268 = arith.addi %get3A_1264, %sub3A_1267 : vector<16xi32>
    %add3A_1269 = arith.constant 4 : i32
    %add3A_1270 = vector.broadcast %add3A_1269 : i32 to vector<16xi32>
    %add3A_1271 = arith.addi %add3A_1164, %add3A_1270 : vector<16xi32>
    %lt3A_1272 = arith.cmpi slt, %get3A_1264, %add3A_1271 : vector<16xi32>
    tpu.vector_store_idx %arg5[%add3A_1268, %add3A_51], %broadcast_in_dim3A_26 masked %lt3A_1272 : memref<104x128xi32, #tpu.memory_space<vmem>>[vector<16xi32>, vector<16xi32>], vector<16xi32>, vector<16xi1>
    %get3A_1273 = arith.index_cast %rem3A_1160 : i32 to index
    %get3A_1274 = arith.constant 96 : index
    %get3A_1275 = tpu.vector_load %arg4[%get3A_1273, %get3A_1274] {strides = array<i32>} : memref<26x128xi32, #tpu.memory_space<vmem>>, vector<16xi32>,
    %sub3A_1276 = arith.subi %get3A_1275, %add3A_1164 : vector<16xi32>
    %ge3A_1277 = arith.cmpi sge, %get3A_1275, %add3A_1164 : vector<16xi32>
    tpu.vector_store_idx %arg5[%sub3A_1276, %add3A_55], %broadcast_in_dim3A_26 masked %ge3A_1277 : memref<104x128xi32, #tpu.memory_space<vmem>>[vector<16xi32>, vector<16xi32>], vector<16xi32>, vector<16xi1>
    %add3A_1278 = arith.constant 1 : i32
    %add3A_1279 = arith.addi %rem3A_1160, %add3A_1278 : i32
    %get3A_1280 = arith.index_cast %add3A_1279 : i32 to index
    %get3A_1281 = arith.constant 96 : index
    %get3A_1282 = tpu.vector_load %arg4[%get3A_1280, %get3A_1281] {strides = array<i32>} : memref<26x128xi32, #tpu.memory_space<vmem>>, vector<16xi32>,
    %sub3A_1283 = arith.constant 100 : i32
    %sub3A_1284 = vector.broadcast %sub3A_1283 : i32 to vector<16xi32>
    %sub3A_1285 = arith.subi %sub3A_1284, %add3A_1164 : vector<16xi32>
    %add3A_1286 = arith.addi %get3A_1282, %sub3A_1285 : vector<16xi32>
    %add3A_1287 = arith.constant 4 : i32
    %add3A_1288 = vector.broadcast %add3A_1287 : i32 to vector<16xi32>
    %add3A_1289 = arith.addi %add3A_1164, %add3A_1288 : vector<16xi32>
    %lt3A_1290 = arith.cmpi slt, %get3A_1282, %add3A_1289 : vector<16xi32>
    tpu.vector_store_idx %arg5[%add3A_1286, %add3A_55], %broadcast_in_dim3A_26 masked %lt3A_1290 : memref<104x128xi32, #tpu.memory_space<vmem>>[vector<16xi32>, vector<16xi32>], vector<16xi32>, vector<16xi1>
    %get3A_1291 = arith.index_cast %rem3A_1160 : i32 to index
    %get3A_1292 = arith.constant 112 : index
    %get3A_1293 = tpu.vector_load %arg4[%get3A_1291, %get3A_1292] {strides = array<i32>} : memref<26x128xi32, #tpu.memory_space<vmem>>, vector<16xi32>,
    %sub3A_1294 = arith.subi %get3A_1293, %add3A_1164 : vector<16xi32>
    %ge3A_1295 = arith.cmpi sge, %get3A_1293, %add3A_1164 : vector<16xi32>
    tpu.vector_store_idx %arg5[%sub3A_1294, %add3A_59], %broadcast_in_dim3A_26 masked %ge3A_1295 : memref<104x128xi32, #tpu.memory_space<vmem>>[vector<16xi32>, vector<16xi32>], vector<16xi32>, vector<16xi1>
    %add3A_1296 = arith.constant 1 : i32
    %add3A_1297 = arith.addi %rem3A_1160, %add3A_1296 : i32
    %get3A_1298 = arith.index_cast %add3A_1297 : i32 to index
    %get3A_1299 = arith.constant 112 : index
    %get3A_1300 = tpu.vector_load %arg4[%get3A_1298, %get3A_1299] {strides = array<i32>} : memref<26x128xi32, #tpu.memory_space<vmem>>, vector<16xi32>,
    %sub3A_1301 = arith.constant 100 : i32
    %sub3A_1302 = vector.broadcast %sub3A_1301 : i32 to vector<16xi32>
    %sub3A_1303 = arith.subi %sub3A_1302, %add3A_1164 : vector<16xi32>
    %add3A_1304 = arith.addi %get3A_1300, %sub3A_1303 : vector<16xi32>
    %add3A_1305 = arith.constant 4 : i32
    %add3A_1306 = vector.broadcast %add3A_1305 : i32 to vector<16xi32>
    %add3A_1307 = arith.addi %add3A_1164, %add3A_1306 : vector<16xi32>
    %lt3A_1308 = arith.cmpi slt, %get3A_1300, %add3A_1307 : vector<16xi32>
    tpu.vector_store_idx %arg5[%add3A_1304, %add3A_59], %broadcast_in_dim3A_26 masked %lt3A_1308 : memref<104x128xi32, #tpu.memory_space<vmem>>[vector<16xi32>, vector<16xi32>], vector<16xi32>, vector<16xi1>
    %mul3A_1309 = arith.constant 104 : i32
    %mul3A_1310 = arith.muli %rem3A_1160, %mul3A_1309 : i32
    %dma_start3A_1311 = tpu.memref_slice %arg3[%mul3A_1310, %mul3A_20] : memref<2600x1024xi32, #tpu.memory_space<hbm>> -> memref<104x128xi32, #tpu.memory_space<hbm>>
    %dma_start3A_1312 = tpu.memref_slice %arg3[%mul3A_1310, %mul3A_20] : memref<2600x1024xi32, #tpu.memory_space<hbm>> -> memref<104x128xi32, #tpu.memory_space<hbm>>
    tpu.enqueue_dma source(%arg5 : memref<104x128xi32, #tpu.memory_space<vmem>>) target(%dma_start3A_1312 : memref<104x128xi32, #tpu.memory_space<hbm>>) target_semaphore(%arg7 : memref<!tpu.dma_semaphore, #tpu.memory_space<semaphore_mem>>)
    %dma_wait3A_1313 = tpu.memref_slice %arg3[%mul3A_1000, %mul3A_20] : memref<2600x1024xi32, #tpu.memory_space<hbm>> -> memref<104x128xi32, #tpu.memory_space<hbm>>
    %dma_wait3A_1314 = tpu.memref_slice %arg3[%mul3A_1000, %mul3A_20] : memref<2600x1024xi32, #tpu.memory_space<hbm>> -> memref<104x128xi32, #tpu.memory_space<hbm>>
    tpu.wait_dma2 semaphore(%arg8 : memref<!tpu.dma_semaphore, #tpu.memory_space<semaphore_mem>>) src(%arg6 : memref<104x128xi32, #tpu.memory_space<vmem>>) dst(%dma_wait3A_1314 : memref<104x128xi32, #tpu.memory_space<hbm>>)
    %add3A_1315 = arith.constant 12 : i32
    %add3A_1316 = arith.addi %select_n3A, %add3A_1315 : i32
    %rem3A_1317 = arith.constant 25 : i32
    %rem3A_1318 = arith.remsi %add3A_1316, %rem3A_1317 : i32
    %mul3A_1319 = arith.constant 4 : i32
    %mul3A_1320 = arith.muli %mul3A_1319, %rem3A_1318 : i32
    %add3A_1321 = vector.broadcast %mul3A_1320 : i32 to vector<16xi32>
    %add3A_1322 = arith.addi %broadcast_in_dim3A_28, %add3A_1321 : vector<16xi32>
    %get3A_1323 = arith.index_cast %rem3A_1318 : i32 to index
    %get3A_1324 = arith.constant 0 : index
    %get3A_1325 = tpu.vector_load %arg4[%get3A_1323, %get3A_1324] {strides = array<i32>} : memref<26x128xi32, #tpu.memory_space<vmem>>, vector<16xi32>,
    %sub3A_1326 = arith.subi %get3A_1325, %add3A_1322 : vector<16xi32>
    %ge3A_1327 = arith.cmpi sge, %get3A_1325, %add3A_1322 : vector<16xi32>
    tpu.vector_store_idx %arg6[%sub3A_1326, %add3A_31], %broadcast_in_dim3A_24 masked %ge3A_1327 : memref<104x128xi32, #tpu.memory_space<vmem>>[vector<16xi32>, vector<16xi32>], vector<16xi32>, vector<16xi1>
    %add3A_1328 = arith.constant 1 : i32
    %add3A_1329 = arith.addi %rem3A_1318, %add3A_1328 : i32
    %get3A_1330 = arith.index_cast %add3A_1329 : i32 to index
    %get3A_1331 = arith.constant 0 : index
    %get3A_1332 = tpu.vector_load %arg4[%get3A_1330, %get3A_1331] {strides = array<i32>} : memref<26x128xi32, #tpu.memory_space<vmem>>, vector<16xi32>,
    %sub3A_1333 = arith.constant 100 : i32
    %sub3A_1334 = vector.broadcast %sub3A_1333 : i32 to vector<16xi32>
    %sub3A_1335 = arith.subi %sub3A_1334, %add3A_1322 : vector<16xi32>
    %add3A_1336 = arith.addi %get3A_1332, %sub3A_1335 : vector<16xi32>
    %add3A_1337 = arith.constant 4 : i32
    %add3A_1338 = vector.broadcast %add3A_1337 : i32 to vector<16xi32>
    %add3A_1339 = arith.addi %add3A_1322, %add3A_1338 : vector<16xi32>
    %lt3A_1340 = arith.cmpi slt, %get3A_1332, %add3A_1339 : vector<16xi32>
    tpu.vector_store_idx %arg6[%add3A_1336, %add3A_31], %broadcast_in_dim3A_24 masked %lt3A_1340 : memref<104x128xi32, #tpu.memory_space<vmem>>[vector<16xi32>, vector<16xi32>], vector<16xi32>, vector<16xi1>
    %get3A_1341 = arith.index_cast %rem3A_1318 : i32 to index
    %get3A_1342 = arith.constant 16 : index
    %get3A_1343 = tpu.vector_load %arg4[%get3A_1341, %get3A_1342] {strides = array<i32>} : memref<26x128xi32, #tpu.memory_space<vmem>>, vector<16xi32>,
    %sub3A_1344 = arith.subi %get3A_1343, %add3A_1322 : vector<16xi32>
    %ge3A_1345 = arith.cmpi sge, %get3A_1343, %add3A_1322 : vector<16xi32>
    tpu.vector_store_idx %arg6[%sub3A_1344, %add3A_35], %broadcast_in_dim3A_24 masked %ge3A_1345 : memref<104x128xi32, #tpu.memory_space<vmem>>[vector<16xi32>, vector<16xi32>], vector<16xi32>, vector<16xi1>
    %add3A_1346 = arith.constant 1 : i32
    %add3A_1347 = arith.addi %rem3A_1318, %add3A_1346 : i32
    %get3A_1348 = arith.index_cast %add3A_1347 : i32 to index
    %get3A_1349 = arith.constant 16 : index
    %get3A_1350 = tpu.vector_load %arg4[%get3A_1348, %get3A_1349] {strides = array<i32>} : memref<26x128xi32, #tpu.memory_space<vmem>>, vector<16xi32>,
    %sub3A_1351 = arith.constant 100 : i32
    %sub3A_1352 = vector.broadcast %sub3A_1351 : i32 to vector<16xi32>
    %sub3A_1353 = arith.subi %sub3A_1352, %add3A_1322 : vector<16xi32>
    %add3A_1354 = arith.addi %get3A_1350, %sub3A_1353 : vector<16xi32>
    %add3A_1355 = arith.constant 4 : i32
    %add3A_1356 = vector.broadcast %add3A_1355 : i32 to vector<16xi32>
    %add3A_1357 = arith.addi %add3A_1322, %add3A_1356 : vector<16xi32>
    %lt3A_1358 = arith.cmpi slt, %get3A_1350, %add3A_1357 : vector<16xi32>
    tpu.vector_store_idx %arg6[%add3A_1354, %add3A_35], %broadcast_in_dim3A_24 masked %lt3A_1358 : memref<104x128xi32, #tpu.memory_space<vmem>>[vector<16xi32>, vector<16xi32>], vector<16xi32>, vector<16xi1>
    %get3A_1359 = arith.index_cast %rem3A_1318 : i32 to index
    %get3A_1360 = arith.constant 32 : index
    %get3A_1361 = tpu.vector_load %arg4[%get3A_1359, %get3A_1360] {strides = array<i32>} : memref<26x128xi32, #tpu.memory_space<vmem>>, vector<16xi32>,
    %sub3A_1362 = arith.subi %get3A_1361, %add3A_1322 : vector<16xi32>
    %ge3A_1363 = arith.cmpi sge, %get3A_1361, %add3A_1322 : vector<16xi32>
    tpu.vector_store_idx %arg6[%sub3A_1362, %add3A_39], %broadcast_in_dim3A_24 masked %ge3A_1363 : memref<104x128xi32, #tpu.memory_space<vmem>>[vector<16xi32>, vector<16xi32>], vector<16xi32>, vector<16xi1>
    %add3A_1364 = arith.constant 1 : i32
    %add3A_1365 = arith.addi %rem3A_1318, %add3A_1364 : i32
    %get3A_1366 = arith.index_cast %add3A_1365 : i32 to index
    %get3A_1367 = arith.constant 32 : index
    %get3A_1368 = tpu.vector_load %arg4[%get3A_1366, %get3A_1367] {strides = array<i32>} : memref<26x128xi32, #tpu.memory_space<vmem>>, vector<16xi32>,
    %sub3A_1369 = arith.constant 100 : i32
    %sub3A_1370 = vector.broadcast %sub3A_1369 : i32 to vector<16xi32>
    %sub3A_1371 = arith.subi %sub3A_1370, %add3A_1322 : vector<16xi32>
    %add3A_1372 = arith.addi %get3A_1368, %sub3A_1371 : vector<16xi32>
    %add3A_1373 = arith.constant 4 : i32
    %add3A_1374 = vector.broadcast %add3A_1373 : i32 to vector<16xi32>
    %add3A_1375 = arith.addi %add3A_1322, %add3A_1374 : vector<16xi32>
    %lt3A_1376 = arith.cmpi slt, %get3A_1368, %add3A_1375 : vector<16xi32>
    tpu.vector_store_idx %arg6[%add3A_1372, %add3A_39], %broadcast_in_dim3A_24 masked %lt3A_1376 : memref<104x128xi32, #tpu.memory_space<vmem>>[vector<16xi32>, vector<16xi32>], vector<16xi32>, vector<16xi1>
    %get3A_1377 = arith.index_cast %rem3A_1318 : i32 to index
    %get3A_1378 = arith.constant 48 : index
    %get3A_1379 = tpu.vector_load %arg4[%get3A_1377, %get3A_1378] {strides = array<i32>} : memref<26x128xi32, #tpu.memory_space<vmem>>, vector<16xi32>,
    %sub3A_1380 = arith.subi %get3A_1379, %add3A_1322 : vector<16xi32>
    %ge3A_1381 = arith.cmpi sge, %get3A_1379, %add3A_1322 : vector<16xi32>
    tpu.vector_store_idx %arg6[%sub3A_1380, %add3A_43], %broadcast_in_dim3A_24 masked %ge3A_1381 : memref<104x128xi32, #tpu.memory_space<vmem>>[vector<16xi32>, vector<16xi32>], vector<16xi32>, vector<16xi1>
    %add3A_1382 = arith.constant 1 : i32
    %add3A_1383 = arith.addi %rem3A_1318, %add3A_1382 : i32
    %get3A_1384 = arith.index_cast %add3A_1383 : i32 to index
    %get3A_1385 = arith.constant 48 : index
    %get3A_1386 = tpu.vector_load %arg4[%get3A_1384, %get3A_1385] {strides = array<i32>} : memref<26x128xi32, #tpu.memory_space<vmem>>, vector<16xi32>,
    %sub3A_1387 = arith.constant 100 : i32
    %sub3A_1388 = vector.broadcast %sub3A_1387 : i32 to vector<16xi32>
    %sub3A_1389 = arith.subi %sub3A_1388, %add3A_1322 : vector<16xi32>
    %add3A_1390 = arith.addi %get3A_1386, %sub3A_1389 : vector<16xi32>
    %add3A_1391 = arith.constant 4 : i32
    %add3A_1392 = vector.broadcast %add3A_1391 : i32 to vector<16xi32>
    %add3A_1393 = arith.addi %add3A_1322, %add3A_1392 : vector<16xi32>
    %lt3A_1394 = arith.cmpi slt, %get3A_1386, %add3A_1393 : vector<16xi32>
    tpu.vector_store_idx %arg6[%add3A_1390, %add3A_43], %broadcast_in_dim3A_24 masked %lt3A_1394 : memref<104x128xi32, #tpu.memory_space<vmem>>[vector<16xi32>, vector<16xi32>], vector<16xi32>, vector<16xi1>
    %get3A_1395 = arith.index_cast %rem3A_1318 : i32 to index
    %get3A_1396 = arith.constant 64 : index
    %get3A_1397 = tpu.vector_load %arg4[%get3A_1395, %get3A_1396] {strides = array<i32>} : memref<26x128xi32, #tpu.memory_space<vmem>>, vector<16xi32>,
    %sub3A_1398 = arith.subi %get3A_1397, %add3A_1322 : vector<16xi32>
    %ge3A_1399 = arith.cmpi sge, %get3A_1397, %add3A_1322 : vector<16xi32>
    tpu.vector_store_idx %arg6[%sub3A_1398, %add3A_47], %broadcast_in_dim3A_24 masked %ge3A_1399 : memref<104x128xi32, #tpu.memory_space<vmem>>[vector<16xi32>, vector<16xi32>], vector<16xi32>, vector<16xi1>
    %add3A_1400 = arith.constant 1 : i32
    %add3A_1401 = arith.addi %rem3A_1318, %add3A_1400 : i32
    %get3A_1402 = arith.index_cast %add3A_1401 : i32 to index
    %get3A_1403 = arith.constant 64 : index
    %get3A_1404 = tpu.vector_load %arg4[%get3A_1402, %get3A_1403] {strides = array<i32>} : memref<26x128xi32, #tpu.memory_space<vmem>>, vector<16xi32>,
    %sub3A_1405 = arith.constant 100 : i32
    %sub3A_1406 = vector.broadcast %sub3A_1405 : i32 to vector<16xi32>
    %sub3A_1407 = arith.subi %sub3A_1406, %add3A_1322 : vector<16xi32>
    %add3A_1408 = arith.addi %get3A_1404, %sub3A_1407 : vector<16xi32>
    %add3A_1409 = arith.constant 4 : i32
    %add3A_1410 = vector.broadcast %add3A_1409 : i32 to vector<16xi32>
    %add3A_1411 = arith.addi %add3A_1322, %add3A_1410 : vector<16xi32>
    %lt3A_1412 = arith.cmpi slt, %get3A_1404, %add3A_1411 : vector<16xi32>
    tpu.vector_store_idx %arg6[%add3A_1408, %add3A_47], %broadcast_in_dim3A_24 masked %lt3A_1412 : memref<104x128xi32, #tpu.memory_space<vmem>>[vector<16xi32>, vector<16xi32>], vector<16xi32>, vector<16xi1>
    %get3A_1413 = arith.index_cast %rem3A_1318 : i32 to index
    %get3A_1414 = arith.constant 80 : index
    %get3A_1415 = tpu.vector_load %arg4[%get3A_1413, %get3A_1414] {strides = array<i32>} : memref<26x128xi32, #tpu.memory_space<vmem>>, vector<16xi32>,
    %sub3A_1416 = arith.subi %get3A_1415, %add3A_1322 : vector<16xi32>
    %ge3A_1417 = arith.cmpi sge, %get3A_1415, %add3A_1322 : vector<16xi32>
    tpu.vector_store_idx %arg6[%sub3A_1416, %add3A_51], %broadcast_in_dim3A_24 masked %ge3A_1417 : memref<104x128xi32, #tpu.memory_space<vmem>>[vector<16xi32>, vector<16xi32>], vector<16xi32>, vector<16xi1>
    %add3A_1418 = arith.constant 1 : i32
    %add3A_1419 = arith.addi %rem3A_1318, %add3A_1418 : i32
    %get3A_1420 = arith.index_cast %add3A_1419 : i32 to index
    %get3A_1421 = arith.constant 80 : index
    %get3A_1422 = tpu.vector_load %arg4[%get3A_1420, %get3A_1421] {strides = array<i32>} : memref<26x128xi32, #tpu.memory_space<vmem>>, vector<16xi32>,
    %sub3A_1423 = arith.constant 100 : i32
    %sub3A_1424 = vector.broadcast %sub3A_1423 : i32 to vector<16xi32>
    %sub3A_1425 = arith.subi %sub3A_1424, %add3A_1322 : vector<16xi32>
    %add3A_1426 = arith.addi %get3A_1422, %sub3A_1425 : vector<16xi32>
    %add3A_1427 = arith.constant 4 : i32
    %add3A_1428 = vector.broadcast %add3A_1427 : i32 to vector<16xi32>
    %add3A_1429 = arith.addi %add3A_1322, %add3A_1428 : vector<16xi32>
    %lt3A_1430 = arith.cmpi slt, %get3A_1422, %add3A_1429 : vector<16xi32>
    tpu.vector_store_idx %arg6[%add3A_1426, %add3A_51], %broadcast_in_dim3A_24 masked %lt3A_1430 : memref<104x128xi32, #tpu.memory_space<vmem>>[vector<16xi32>, vector<16xi32>], vector<16xi32>, vector<16xi1>
    %get3A_1431 = arith.index_cast %rem3A_1318 : i32 to index
    %get3A_1432 = arith.constant 96 : index
    %get3A_1433 = tpu.vector_load %arg4[%get3A_1431, %get3A_1432] {strides = array<i32>} : memref<26x128xi32, #tpu.memory_space<vmem>>, vector<16xi32>,
    %sub3A_1434 = arith.subi %get3A_1433, %add3A_1322 : vector<16xi32>
    %ge3A_1435 = arith.cmpi sge, %get3A_1433, %add3A_1322 : vector<16xi32>
    tpu.vector_store_idx %arg6[%sub3A_1434, %add3A_55], %broadcast_in_dim3A_24 masked %ge3A_1435 : memref<104x128xi32, #tpu.memory_space<vmem>>[vector<16xi32>, vector<16xi32>], vector<16xi32>, vector<16xi1>
    %add3A_1436 = arith.constant 1 : i32
    %add3A_1437 = arith.addi %rem3A_1318, %add3A_1436 : i32
    %get3A_1438 = arith.index_cast %add3A_1437 : i32 to index
    %get3A_1439 = arith.constant 96 : index
    %get3A_1440 = tpu.vector_load %arg4[%get3A_1438, %get3A_1439] {strides = array<i32>} : memref<26x128xi32, #tpu.memory_space<vmem>>, vector<16xi32>,
    %sub3A_1441 = arith.constant 100 : i32
    %sub3A_1442 = vector.broadcast %sub3A_1441 : i32 to vector<16xi32>
    %sub3A_1443 = arith.subi %sub3A_1442, %add3A_1322 : vector<16xi32>
    %add3A_1444 = arith.addi %get3A_1440, %sub3A_1443 : vector<16xi32>
    %add3A_1445 = arith.constant 4 : i32
    %add3A_1446 = vector.broadcast %add3A_1445 : i32 to vector<16xi32>
    %add3A_1447 = arith.addi %add3A_1322, %add3A_1446 : vector<16xi32>
    %lt3A_1448 = arith.cmpi slt, %get3A_1440, %add3A_1447 : vector<16xi32>
    tpu.vector_store_idx %arg6[%add3A_1444, %add3A_55], %broadcast_in_dim3A_24 masked %lt3A_1448 : memref<104x128xi32, #tpu.memory_space<vmem>>[vector<16xi32>, vector<16xi32>], vector<16xi32>, vector<16xi1>
    %get3A_1449 = arith.index_cast %rem3A_1318 : i32 to index
    %get3A_1450 = arith.constant 112 : index
    %get3A_1451 = tpu.vector_load %arg4[%get3A_1449, %get3A_1450] {strides = array<i32>} : memref<26x128xi32, #tpu.memory_space<vmem>>, vector<16xi32>,
    %sub3A_1452 = arith.subi %get3A_1451, %add3A_1322 : vector<16xi32>
    %ge3A_1453 = arith.cmpi sge, %get3A_1451, %add3A_1322 : vector<16xi32>
    tpu.vector_store_idx %arg6[%sub3A_1452, %add3A_59], %broadcast_in_dim3A_24 masked %ge3A_1453 : memref<104x128xi32, #tpu.memory_space<vmem>>[vector<16xi32>, vector<16xi32>], vector<16xi32>, vector<16xi1>
    %add3A_1454 = arith.constant 1 : i32
    %add3A_1455 = arith.addi %rem3A_1318, %add3A_1454 : i32
    %get3A_1456 = arith.index_cast %add3A_1455 : i32 to index
    %get3A_1457 = arith.constant 112 : index
    %get3A_1458 = tpu.vector_load %arg4[%get3A_1456, %get3A_1457] {strides = array<i32>} : memref<26x128xi32, #tpu.memory_space<vmem>>, vector<16xi32>,
    %sub3A_1459 = arith.constant 100 : i32
    %sub3A_1460 = vector.broadcast %sub3A_1459 : i32 to vector<16xi32>
    %sub3A_1461 = arith.subi %sub3A_1460, %add3A_1322 : vector<16xi32>
    %add3A_1462 = arith.addi %get3A_1458, %sub3A_1461 : vector<16xi32>
    %add3A_1463 = arith.constant 4 : i32
    %add3A_1464 = vector.broadcast %add3A_1463 : i32 to vector<16xi32>
    %add3A_1465 = arith.addi %add3A_1322, %add3A_1464 : vector<16xi32>
    %lt3A_1466 = arith.cmpi slt, %get3A_1458, %add3A_1465 : vector<16xi32>
    tpu.vector_store_idx %arg6[%add3A_1462, %add3A_59], %broadcast_in_dim3A_24 masked %lt3A_1466 : memref<104x128xi32, #tpu.memory_space<vmem>>[vector<16xi32>, vector<16xi32>], vector<16xi32>, vector<16xi1>
    %add3A_1467 = arith.constant 20 : i32
    %add3A_1468 = arith.addi %select_n3A, %add3A_1467 : i32
    %rem3A_1469 = arith.constant 25 : i32
    %rem3A_1470 = arith.remsi %add3A_1468, %rem3A_1469 : i32
    %mul3A_1471 = arith.constant 4 : i32
    %mul3A_1472 = arith.muli %mul3A_1471, %rem3A_1470 : i32
    %add3A_1473 = vector.broadcast %mul3A_1472 : i32 to vector<16xi32>
    %add3A_1474 = arith.addi %broadcast_in_dim3A_28, %add3A_1473 : vector<16xi32>
    %get3A_1475 = arith.index_cast %rem3A_1470 : i32 to index
    %get3A_1476 = arith.constant 0 : index
    %get3A_1477 = tpu.vector_load %arg4[%get3A_1475, %get3A_1476] {strides = array<i32>} : memref<26x128xi32, #tpu.memory_space<vmem>>, vector<16xi32>,
    %sub3A_1478 = arith.subi %get3A_1477, %add3A_1474 : vector<16xi32>
    %ge3A_1479 = arith.cmpi sge, %get3A_1477, %add3A_1474 : vector<16xi32>
    tpu.vector_store_idx %arg6[%sub3A_1478, %add3A_31], %broadcast_in_dim3A_26 masked %ge3A_1479 : memref<104x128xi32, #tpu.memory_space<vmem>>[vector<16xi32>, vector<16xi32>], vector<16xi32>, vector<16xi1>
    %add3A_1480 = arith.constant 1 : i32
    %add3A_1481 = arith.addi %rem3A_1470, %add3A_1480 : i32
    %get3A_1482 = arith.index_cast %add3A_1481 : i32 to index
    %get3A_1483 = arith.constant 0 : index
    %get3A_1484 = tpu.vector_load %arg4[%get3A_1482, %get3A_1483] {strides = array<i32>} : memref<26x128xi32, #tpu.memory_space<vmem>>, vector<16xi32>,
    %sub3A_1485 = arith.constant 100 : i32
    %sub3A_1486 = vector.broadcast %sub3A_1485 : i32 to vector<16xi32>
    %sub3A_1487 = arith.subi %sub3A_1486, %add3A_1474 : vector<16xi32>
    %add3A_1488 = arith.addi %get3A_1484, %sub3A_1487 : vector<16xi32>
    %add3A_1489 = arith.constant 4 : i32
    %add3A_1490 = vector.broadcast %add3A_1489 : i32 to vector<16xi32>
    %add3A_1491 = arith.addi %add3A_1474, %add3A_1490 : vector<16xi32>
    %lt3A_1492 = arith.cmpi slt, %get3A_1484, %add3A_1491 : vector<16xi32>
    tpu.vector_store_idx %arg6[%add3A_1488, %add3A_31], %broadcast_in_dim3A_26 masked %lt3A_1492 : memref<104x128xi32, #tpu.memory_space<vmem>>[vector<16xi32>, vector<16xi32>], vector<16xi32>, vector<16xi1>
    %get3A_1493 = arith.index_cast %rem3A_1470 : i32 to index
    %get3A_1494 = arith.constant 16 : index
    %get3A_1495 = tpu.vector_load %arg4[%get3A_1493, %get3A_1494] {strides = array<i32>} : memref<26x128xi32, #tpu.memory_space<vmem>>, vector<16xi32>,
    %sub3A_1496 = arith.subi %get3A_1495, %add3A_1474 : vector<16xi32>
    %ge3A_1497 = arith.cmpi sge, %get3A_1495, %add3A_1474 : vector<16xi32>
    tpu.vector_store_idx %arg6[%sub3A_1496, %add3A_35], %broadcast_in_dim3A_26 masked %ge3A_1497 : memref<104x128xi32, #tpu.memory_space<vmem>>[vector<16xi32>, vector<16xi32>], vector<16xi32>, vector<16xi1>
    %add3A_1498 = arith.constant 1 : i32
    %add3A_1499 = arith.addi %rem3A_1470, %add3A_1498 : i32
    %get3A_1500 = arith.index_cast %add3A_1499 : i32 to index
    %get3A_1501 = arith.constant 16 : index
    %get3A_1502 = tpu.vector_load %arg4[%get3A_1500, %get3A_1501] {strides = array<i32>} : memref<26x128xi32, #tpu.memory_space<vmem>>, vector<16xi32>,
    %sub3A_1503 = arith.constant 100 : i32
    %sub3A_1504 = vector.broadcast %sub3A_1503 : i32 to vector<16xi32>
    %sub3A_1505 = arith.subi %sub3A_1504, %add3A_1474 : vector<16xi32>
    %add3A_1506 = arith.addi %get3A_1502, %sub3A_1505 : vector<16xi32>
    %add3A_1507 = arith.constant 4 : i32
    %add3A_1508 = vector.broadcast %add3A_1507 : i32 to vector<16xi32>
    %add3A_1509 = arith.addi %add3A_1474, %add3A_1508 : vector<16xi32>
    %lt3A_1510 = arith.cmpi slt, %get3A_1502, %add3A_1509 : vector<16xi32>
    tpu.vector_store_idx %arg6[%add3A_1506, %add3A_35], %broadcast_in_dim3A_26 masked %lt3A_1510 : memref<104x128xi32, #tpu.memory_space<vmem>>[vector<16xi32>, vector<16xi32>], vector<16xi32>, vector<16xi1>
    %get3A_1511 = arith.index_cast %rem3A_1470 : i32 to index
    %get3A_1512 = arith.constant 32 : index
    %get3A_1513 = tpu.vector_load %arg4[%get3A_1511, %get3A_1512] {strides = array<i32>} : memref<26x128xi32, #tpu.memory_space<vmem>>, vector<16xi32>,
    %sub3A_1514 = arith.subi %get3A_1513, %add3A_1474 : vector<16xi32>
    %ge3A_1515 = arith.cmpi sge, %get3A_1513, %add3A_1474 : vector<16xi32>
    tpu.vector_store_idx %arg6[%sub3A_1514, %add3A_39], %broadcast_in_dim3A_26 masked %ge3A_1515 : memref<104x128xi32, #tpu.memory_space<vmem>>[vector<16xi32>, vector<16xi32>], vector<16xi32>, vector<16xi1>
    %add3A_1516 = arith.constant 1 : i32
    %add3A_1517 = arith.addi %rem3A_1470, %add3A_1516 : i32
    %get3A_1518 = arith.index_cast %add3A_1517 : i32 to index
    %get3A_1519 = arith.constant 32 : index
    %get3A_1520 = tpu.vector_load %arg4[%get3A_1518, %get3A_1519] {strides = array<i32>} : memref<26x128xi32, #tpu.memory_space<vmem>>, vector<16xi32>,
    %sub3A_1521 = arith.constant 100 : i32
    %sub3A_1522 = vector.broadcast %sub3A_1521 : i32 to vector<16xi32>
    %sub3A_1523 = arith.subi %sub3A_1522, %add3A_1474 : vector<16xi32>
    %add3A_1524 = arith.addi %get3A_1520, %sub3A_1523 : vector<16xi32>
    %add3A_1525 = arith.constant 4 : i32
    %add3A_1526 = vector.broadcast %add3A_1525 : i32 to vector<16xi32>
    %add3A_1527 = arith.addi %add3A_1474, %add3A_1526 : vector<16xi32>
    %lt3A_1528 = arith.cmpi slt, %get3A_1520, %add3A_1527 : vector<16xi32>
    tpu.vector_store_idx %arg6[%add3A_1524, %add3A_39], %broadcast_in_dim3A_26 masked %lt3A_1528 : memref<104x128xi32, #tpu.memory_space<vmem>>[vector<16xi32>, vector<16xi32>], vector<16xi32>, vector<16xi1>
    %get3A_1529 = arith.index_cast %rem3A_1470 : i32 to index
    %get3A_1530 = arith.constant 48 : index
    %get3A_1531 = tpu.vector_load %arg4[%get3A_1529, %get3A_1530] {strides = array<i32>} : memref<26x128xi32, #tpu.memory_space<vmem>>, vector<16xi32>,
    %sub3A_1532 = arith.subi %get3A_1531, %add3A_1474 : vector<16xi32>
    %ge3A_1533 = arith.cmpi sge, %get3A_1531, %add3A_1474 : vector<16xi32>
    tpu.vector_store_idx %arg6[%sub3A_1532, %add3A_43], %broadcast_in_dim3A_26 masked %ge3A_1533 : memref<104x128xi32, #tpu.memory_space<vmem>>[vector<16xi32>, vector<16xi32>], vector<16xi32>, vector<16xi1>
    %add3A_1534 = arith.constant 1 : i32
    %add3A_1535 = arith.addi %rem3A_1470, %add3A_1534 : i32
    %get3A_1536 = arith.index_cast %add3A_1535 : i32 to index
    %get3A_1537 = arith.constant 48 : index
    %get3A_1538 = tpu.vector_load %arg4[%get3A_1536, %get3A_1537] {strides = array<i32>} : memref<26x128xi32, #tpu.memory_space<vmem>>, vector<16xi32>,
    %sub3A_1539 = arith.constant 100 : i32
    %sub3A_1540 = vector.broadcast %sub3A_1539 : i32 to vector<16xi32>
    %sub3A_1541 = arith.subi %sub3A_1540, %add3A_1474 : vector<16xi32>
    %add3A_1542 = arith.addi %get3A_1538, %sub3A_1541 : vector<16xi32>
    %add3A_1543 = arith.constant 4 : i32
    %add3A_1544 = vector.broadcast %add3A_1543 : i32 to vector<16xi32>
    %add3A_1545 = arith.addi %add3A_1474, %add3A_1544 : vector<16xi32>
    %lt3A_1546 = arith.cmpi slt, %get3A_1538, %add3A_1545 : vector<16xi32>
    tpu.vector_store_idx %arg6[%add3A_1542, %add3A_43], %broadcast_in_dim3A_26 masked %lt3A_1546 : memref<104x128xi32, #tpu.memory_space<vmem>>[vector<16xi32>, vector<16xi32>], vector<16xi32>, vector<16xi1>
    %get3A_1547 = arith.index_cast %rem3A_1470 : i32 to index
    %get3A_1548 = arith.constant 64 : index
    %get3A_1549 = tpu.vector_load %arg4[%get3A_1547, %get3A_1548] {strides = array<i32>} : memref<26x128xi32, #tpu.memory_space<vmem>>, vector<16xi32>,
    %sub3A_1550 = arith.subi %get3A_1549, %add3A_1474 : vector<16xi32>
    %ge3A_1551 = arith.cmpi sge, %get3A_1549, %add3A_1474 : vector<16xi32>
    tpu.vector_store_idx %arg6[%sub3A_1550, %add3A_47], %broadcast_in_dim3A_26 masked %ge3A_1551 : memref<104x128xi32, #tpu.memory_space<vmem>>[vector<16xi32>, vector<16xi32>], vector<16xi32>, vector<16xi1>
    %add3A_1552 = arith.constant 1 : i32
    %add3A_1553 = arith.addi %rem3A_1470, %add3A_1552 : i32
    %get3A_1554 = arith.index_cast %add3A_1553 : i32 to index
    %get3A_1555 = arith.constant 64 : index
    %get3A_1556 = tpu.vector_load %arg4[%get3A_1554, %get3A_1555] {strides = array<i32>} : memref<26x128xi32, #tpu.memory_space<vmem>>, vector<16xi32>,
    %sub3A_1557 = arith.constant 100 : i32
    %sub3A_1558 = vector.broadcast %sub3A_1557 : i32 to vector<16xi32>
    %sub3A_1559 = arith.subi %sub3A_1558, %add3A_1474 : vector<16xi32>
    %add3A_1560 = arith.addi %get3A_1556, %sub3A_1559 : vector<16xi32>
    %add3A_1561 = arith.constant 4 : i32
    %add3A_1562 = vector.broadcast %add3A_1561 : i32 to vector<16xi32>
    %add3A_1563 = arith.addi %add3A_1474, %add3A_1562 : vector<16xi32>
    %lt3A_1564 = arith.cmpi slt, %get3A_1556, %add3A_1563 : vector<16xi32>
    tpu.vector_store_idx %arg6[%add3A_1560, %add3A_47], %broadcast_in_dim3A_26 masked %lt3A_1564 : memref<104x128xi32, #tpu.memory_space<vmem>>[vector<16xi32>, vector<16xi32>], vector<16xi32>, vector<16xi1>
    %get3A_1565 = arith.index_cast %rem3A_1470 : i32 to index
    %get3A_1566 = arith.constant 80 : index
    %get3A_1567 = tpu.vector_load %arg4[%get3A_1565, %get3A_1566] {strides = array<i32>} : memref<26x128xi32, #tpu.memory_space<vmem>>, vector<16xi32>,
    %sub3A_1568 = arith.subi %get3A_1567, %add3A_1474 : vector<16xi32>
    %ge3A_1569 = arith.cmpi sge, %get3A_1567, %add3A_1474 : vector<16xi32>
    tpu.vector_store_idx %arg6[%sub3A_1568, %add3A_51], %broadcast_in_dim3A_26 masked %ge3A_1569 : memref<104x128xi32, #tpu.memory_space<vmem>>[vector<16xi32>, vector<16xi32>], vector<16xi32>, vector<16xi1>
    %add3A_1570 = arith.constant 1 : i32
    %add3A_1571 = arith.addi %rem3A_1470, %add3A_1570 : i32
    %get3A_1572 = arith.index_cast %add3A_1571 : i32 to index
    %get3A_1573 = arith.constant 80 : index
    %get3A_1574 = tpu.vector_load %arg4[%get3A_1572, %get3A_1573] {strides = array<i32>} : memref<26x128xi32, #tpu.memory_space<vmem>>, vector<16xi32>,
    %sub3A_1575 = arith.constant 100 : i32
    %sub3A_1576 = vector.broadcast %sub3A_1575 : i32 to vector<16xi32>
    %sub3A_1577 = arith.subi %sub3A_1576, %add3A_1474 : vector<16xi32>
    %add3A_1578 = arith.addi %get3A_1574, %sub3A_1577 : vector<16xi32>
    %add3A_1579 = arith.constant 4 : i32
    %add3A_1580 = vector.broadcast %add3A_1579 : i32 to vector<16xi32>
    %add3A_1581 = arith.addi %add3A_1474, %add3A_1580 : vector<16xi32>
    %lt3A_1582 = arith.cmpi slt, %get3A_1574, %add3A_1581 : vector<16xi32>
    tpu.vector_store_idx %arg6[%add3A_1578, %add3A_51], %broadcast_in_dim3A_26 masked %lt3A_1582 : memref<104x128xi32, #tpu.memory_space<vmem>>[vector<16xi32>, vector<16xi32>], vector<16xi32>, vector<16xi1>
    %get3A_1583 = arith.index_cast %rem3A_1470 : i32 to index
    %get3A_1584 = arith.constant 96 : index
    %get3A_1585 = tpu.vector_load %arg4[%get3A_1583, %get3A_1584] {strides = array<i32>} : memref<26x128xi32, #tpu.memory_space<vmem>>, vector<16xi32>,
    %sub3A_1586 = arith.subi %get3A_1585, %add3A_1474 : vector<16xi32>
    %ge3A_1587 = arith.cmpi sge, %get3A_1585, %add3A_1474 : vector<16xi32>
    tpu.vector_store_idx %arg6[%sub3A_1586, %add3A_55], %broadcast_in_dim3A_26 masked %ge3A_1587 : memref<104x128xi32, #tpu.memory_space<vmem>>[vector<16xi32>, vector<16xi32>], vector<16xi32>, vector<16xi1>
    %add3A_1588 = arith.constant 1 : i32
    %add3A_1589 = arith.addi %rem3A_1470, %add3A_1588 : i32
    %get3A_1590 = arith.index_cast %add3A_1589 : i32 to index
    %get3A_1591 = arith.constant 96 : index
    %get3A_1592 = tpu.vector_load %arg4[%get3A_1590, %get3A_1591] {strides = array<i32>} : memref<26x128xi32, #tpu.memory_space<vmem>>, vector<16xi32>,
    %sub3A_1593 = arith.constant 100 : i32
    %sub3A_1594 = vector.broadcast %sub3A_1593 : i32 to vector<16xi32>
    %sub3A_1595 = arith.subi %sub3A_1594, %add3A_1474 : vector<16xi32>
    %add3A_1596 = arith.addi %get3A_1592, %sub3A_1595 : vector<16xi32>
    %add3A_1597 = arith.constant 4 : i32
    %add3A_1598 = vector.broadcast %add3A_1597 : i32 to vector<16xi32>
    %add3A_1599 = arith.addi %add3A_1474, %add3A_1598 : vector<16xi32>
    %lt3A_1600 = arith.cmpi slt, %get3A_1592, %add3A_1599 : vector<16xi32>
    tpu.vector_store_idx %arg6[%add3A_1596, %add3A_55], %broadcast_in_dim3A_26 masked %lt3A_1600 : memref<104x128xi32, #tpu.memory_space<vmem>>[vector<16xi32>, vector<16xi32>], vector<16xi32>, vector<16xi1>
    %get3A_1601 = arith.index_cast %rem3A_1470 : i32 to index
    %get3A_1602 = arith.constant 112 : index
    %get3A_1603 = tpu.vector_load %arg4[%get3A_1601, %get3A_1602] {strides = array<i32>} : memref<26x128xi32, #tpu.memory_space<vmem>>, vector<16xi32>,
    %sub3A_1604 = arith.subi %get3A_1603, %add3A_1474 : vector<16xi32>
    %ge3A_1605 = arith.cmpi sge, %get3A_1603, %add3A_1474 : vector<16xi32>
    tpu.vector_store_idx %arg6[%sub3A_1604, %add3A_59], %broadcast_in_dim3A_26 masked %ge3A_1605 : memref<104x128xi32, #tpu.memory_space<vmem>>[vector<16xi32>, vector<16xi32>], vector<16xi32>, vector<16xi1>
    %add3A_1606 = arith.constant 1 : i32
    %add3A_1607 = arith.addi %rem3A_1470, %add3A_1606 : i32
    %get3A_1608 = arith.index_cast %add3A_1607 : i32 to index
    %get3A_1609 = arith.constant 112 : index
    %get3A_1610 = tpu.vector_load %arg4[%get3A_1608, %get3A_1609] {strides = array<i32>} : memref<26x128xi32, #tpu.memory_space<vmem>>, vector<16xi32>,
    %sub3A_1611 = arith.constant 100 : i32
    %sub3A_1612 = vector.broadcast %sub3A_1611 : i32 to vector<16xi32>
    %sub3A_1613 = arith.subi %sub3A_1612, %add3A_1474 : vector<16xi32>
    %add3A_1614 = arith.addi %get3A_1610, %sub3A_1613 : vector<16xi32>
    %add3A_1615 = arith.constant 4 : i32
    %add3A_1616 = vector.broadcast %add3A_1615 : i32 to vector<16xi32>
    %add3A_1617 = arith.addi %add3A_1474, %add3A_1616 : vector<16xi32>
    %lt3A_1618 = arith.cmpi slt, %get3A_1610, %add3A_1617 : vector<16xi32>
    tpu.vector_store_idx %arg6[%add3A_1614, %add3A_59], %broadcast_in_dim3A_26 masked %lt3A_1618 : memref<104x128xi32, #tpu.memory_space<vmem>>[vector<16xi32>, vector<16xi32>], vector<16xi32>, vector<16xi1>
    %mul3A_1619 = arith.constant 104 : i32
    %mul3A_1620 = arith.muli %rem3A_1470, %mul3A_1619 : i32
    %dma_start3A_1621 = tpu.memref_slice %arg3[%mul3A_1620, %mul3A_20] : memref<2600x1024xi32, #tpu.memory_space<hbm>> -> memref<104x128xi32, #tpu.memory_space<hbm>>
    %dma_start3A_1622 = tpu.memref_slice %arg3[%mul3A_1620, %mul3A_20] : memref<2600x1024xi32, #tpu.memory_space<hbm>> -> memref<104x128xi32, #tpu.memory_space<hbm>>
    tpu.enqueue_dma source(%arg6 : memref<104x128xi32, #tpu.memory_space<vmem>>) target(%dma_start3A_1622 : memref<104x128xi32, #tpu.memory_space<hbm>>) target_semaphore(%arg8 : memref<!tpu.dma_semaphore, #tpu.memory_space<semaphore_mem>>)
    %dma_wait3A_1623 = tpu.memref_slice %arg3[%mul3A_1310, %mul3A_20] : memref<2600x1024xi32, #tpu.memory_space<hbm>> -> memref<104x128xi32, #tpu.memory_space<hbm>>
    %dma_wait3A_1624 = tpu.memref_slice %arg3[%mul3A_1310, %mul3A_20] : memref<2600x1024xi32, #tpu.memory_space<hbm>> -> memref<104x128xi32, #tpu.memory_space<hbm>>
    tpu.wait_dma2 semaphore(%arg7 : memref<!tpu.dma_semaphore, #tpu.memory_space<semaphore_mem>>) src(%arg5 : memref<104x128xi32, #tpu.memory_space<vmem>>) dst(%dma_wait3A_1624 : memref<104x128xi32, #tpu.memory_space<hbm>>)
    %add3A_1625 = arith.constant 16 : i32
    %add3A_1626 = arith.addi %select_n3A, %add3A_1625 : i32
    %rem3A_1627 = arith.constant 25 : i32
    %rem3A_1628 = arith.remsi %add3A_1626, %rem3A_1627 : i32
    %mul3A_1629 = arith.constant 4 : i32
    %mul3A_1630 = arith.muli %mul3A_1629, %rem3A_1628 : i32
    %add3A_1631 = vector.broadcast %mul3A_1630 : i32 to vector<16xi32>
    %add3A_1632 = arith.addi %broadcast_in_dim3A_28, %add3A_1631 : vector<16xi32>
    %get3A_1633 = arith.index_cast %rem3A_1628 : i32 to index
    %get3A_1634 = arith.constant 0 : index
    %get3A_1635 = tpu.vector_load %arg4[%get3A_1633, %get3A_1634] {strides = array<i32>} : memref<26x128xi32, #tpu.memory_space<vmem>>, vector<16xi32>,
    %sub3A_1636 = arith.subi %get3A_1635, %add3A_1632 : vector<16xi32>
    %ge3A_1637 = arith.cmpi sge, %get3A_1635, %add3A_1632 : vector<16xi32>
    tpu.vector_store_idx %arg5[%sub3A_1636, %add3A_31], %broadcast_in_dim3A_24 masked %ge3A_1637 : memref<104x128xi32, #tpu.memory_space<vmem>>[vector<16xi32>, vector<16xi32>], vector<16xi32>, vector<16xi1>
    %add3A_1638 = arith.constant 1 : i32
    %add3A_1639 = arith.addi %rem3A_1628, %add3A_1638 : i32
    %get3A_1640 = arith.index_cast %add3A_1639 : i32 to index
    %get3A_1641 = arith.constant 0 : index
    %get3A_1642 = tpu.vector_load %arg4[%get3A_1640, %get3A_1641] {strides = array<i32>} : memref<26x128xi32, #tpu.memory_space<vmem>>, vector<16xi32>,
    %sub3A_1643 = arith.constant 100 : i32
    %sub3A_1644 = vector.broadcast %sub3A_1643 : i32 to vector<16xi32>
    %sub3A_1645 = arith.subi %sub3A_1644, %add3A_1632 : vector<16xi32>
    %add3A_1646 = arith.addi %get3A_1642, %sub3A_1645 : vector<16xi32>
    %add3A_1647 = arith.constant 4 : i32
    %add3A_1648 = vector.broadcast %add3A_1647 : i32 to vector<16xi32>
    %add3A_1649 = arith.addi %add3A_1632, %add3A_1648 : vector<16xi32>
    %lt3A_1650 = arith.cmpi slt, %get3A_1642, %add3A_1649 : vector<16xi32>
    tpu.vector_store_idx %arg5[%add3A_1646, %add3A_31], %broadcast_in_dim3A_24 masked %lt3A_1650 : memref<104x128xi32, #tpu.memory_space<vmem>>[vector<16xi32>, vector<16xi32>], vector<16xi32>, vector<16xi1>
    %get3A_1651 = arith.index_cast %rem3A_1628 : i32 to index
    %get3A_1652 = arith.constant 16 : index
    %get3A_1653 = tpu.vector_load %arg4[%get3A_1651, %get3A_1652] {strides = array<i32>} : memref<26x128xi32, #tpu.memory_space<vmem>>, vector<16xi32>,
    %sub3A_1654 = arith.subi %get3A_1653, %add3A_1632 : vector<16xi32>
    %ge3A_1655 = arith.cmpi sge, %get3A_1653, %add3A_1632 : vector<16xi32>
    tpu.vector_store_idx %arg5[%sub3A_1654, %add3A_35], %broadcast_in_dim3A_24 masked %ge3A_1655 : memref<104x128xi32, #tpu.memory_space<vmem>>[vector<16xi32>, vector<16xi32>], vector<16xi32>, vector<16xi1>
    %add3A_1656 = arith.constant 1 : i32
    %add3A_1657 = arith.addi %rem3A_1628, %add3A_1656 : i32
    %get3A_1658 = arith.index_cast %add3A_1657 : i32 to index
    %get3A_1659 = arith.constant 16 : index
    %get3A_1660 = tpu.vector_load %arg4[%get3A_1658, %get3A_1659] {strides = array<i32>} : memref<26x128xi32, #tpu.memory_space<vmem>>, vector<16xi32>,
    %sub3A_1661 = arith.constant 100 : i32
    %sub3A_1662 = vector.broadcast %sub3A_1661 : i32 to vector<16xi32>
    %sub3A_1663 = arith.subi %sub3A_1662, %add3A_1632 : vector<16xi32>
    %add3A_1664 = arith.addi %get3A_1660, %sub3A_1663 : vector<16xi32>
    %add3A_1665 = arith.constant 4 : i32
    %add3A_1666 = vector.broadcast %add3A_1665 : i32 to vector<16xi32>
    %add3A_1667 = arith.addi %add3A_1632, %add3A_1666 : vector<16xi32>
    %lt3A_1668 = arith.cmpi slt, %get3A_1660, %add3A_1667 : vector<16xi32>
    tpu.vector_store_idx %arg5[%add3A_1664, %add3A_35], %broadcast_in_dim3A_24 masked %lt3A_1668 : memref<104x128xi32, #tpu.memory_space<vmem>>[vector<16xi32>, vector<16xi32>], vector<16xi32>, vector<16xi1>
    %get3A_1669 = arith.index_cast %rem3A_1628 : i32 to index
    %get3A_1670 = arith.constant 32 : index
    %get3A_1671 = tpu.vector_load %arg4[%get3A_1669, %get3A_1670] {strides = array<i32>} : memref<26x128xi32, #tpu.memory_space<vmem>>, vector<16xi32>,
    %sub3A_1672 = arith.subi %get3A_1671, %add3A_1632 : vector<16xi32>
    %ge3A_1673 = arith.cmpi sge, %get3A_1671, %add3A_1632 : vector<16xi32>
    tpu.vector_store_idx %arg5[%sub3A_1672, %add3A_39], %broadcast_in_dim3A_24 masked %ge3A_1673 : memref<104x128xi32, #tpu.memory_space<vmem>>[vector<16xi32>, vector<16xi32>], vector<16xi32>, vector<16xi1>
    %add3A_1674 = arith.constant 1 : i32
    %add3A_1675 = arith.addi %rem3A_1628, %add3A_1674 : i32
    %get3A_1676 = arith.index_cast %add3A_1675 : i32 to index
    %get3A_1677 = arith.constant 32 : index
    %get3A_1678 = tpu.vector_load %arg4[%get3A_1676, %get3A_1677] {strides = array<i32>} : memref<26x128xi32, #tpu.memory_space<vmem>>, vector<16xi32>,
    %sub3A_1679 = arith.constant 100 : i32
    %sub3A_1680 = vector.broadcast %sub3A_1679 : i32 to vector<16xi32>
    %sub3A_1681 = arith.subi %sub3A_1680, %add3A_1632 : vector<16xi32>
    %add3A_1682 = arith.addi %get3A_1678, %sub3A_1681 : vector<16xi32>
    %add3A_1683 = arith.constant 4 : i32
    %add3A_1684 = vector.broadcast %add3A_1683 : i32 to vector<16xi32>
    %add3A_1685 = arith.addi %add3A_1632, %add3A_1684 : vector<16xi32>
    %lt3A_1686 = arith.cmpi slt, %get3A_1678, %add3A_1685 : vector<16xi32>
    tpu.vector_store_idx %arg5[%add3A_1682, %add3A_39], %broadcast_in_dim3A_24 masked %lt3A_1686 : memref<104x128xi32, #tpu.memory_space<vmem>>[vector<16xi32>, vector<16xi32>], vector<16xi32>, vector<16xi1>
    %get3A_1687 = arith.index_cast %rem3A_1628 : i32 to index
    %get3A_1688 = arith.constant 48 : index
    %get3A_1689 = tpu.vector_load %arg4[%get3A_1687, %get3A_1688] {strides = array<i32>} : memref<26x128xi32, #tpu.memory_space<vmem>>, vector<16xi32>,
    %sub3A_1690 = arith.subi %get3A_1689, %add3A_1632 : vector<16xi32>
    %ge3A_1691 = arith.cmpi sge, %get3A_1689, %add3A_1632 : vector<16xi32>
    tpu.vector_store_idx %arg5[%sub3A_1690, %add3A_43], %broadcast_in_dim3A_24 masked %ge3A_1691 : memref<104x128xi32, #tpu.memory_space<vmem>>[vector<16xi32>, vector<16xi32>], vector<16xi32>, vector<16xi1>
    %add3A_1692 = arith.constant 1 : i32
    %add3A_1693 = arith.addi %rem3A_1628, %add3A_1692 : i32
    %get3A_1694 = arith.index_cast %add3A_1693 : i32 to index
    %get3A_1695 = arith.constant 48 : index
    %get3A_1696 = tpu.vector_load %arg4[%get3A_1694, %get3A_1695] {strides = array<i32>} : memref<26x128xi32, #tpu.memory_space<vmem>>, vector<16xi32>,
    %sub3A_1697 = arith.constant 100 : i32
    %sub3A_1698 = vector.broadcast %sub3A_1697 : i32 to vector<16xi32>
    %sub3A_1699 = arith.subi %sub3A_1698, %add3A_1632 : vector<16xi32>
    %add3A_1700 = arith.addi %get3A_1696, %sub3A_1699 : vector<16xi32>
    %add3A_1701 = arith.constant 4 : i32
    %add3A_1702 = vector.broadcast %add3A_1701 : i32 to vector<16xi32>
    %add3A_1703 = arith.addi %add3A_1632, %add3A_1702 : vector<16xi32>
    %lt3A_1704 = arith.cmpi slt, %get3A_1696, %add3A_1703 : vector<16xi32>
    tpu.vector_store_idx %arg5[%add3A_1700, %add3A_43], %broadcast_in_dim3A_24 masked %lt3A_1704 : memref<104x128xi32, #tpu.memory_space<vmem>>[vector<16xi32>, vector<16xi32>], vector<16xi32>, vector<16xi1>
    %get3A_1705 = arith.index_cast %rem3A_1628 : i32 to index
    %get3A_1706 = arith.constant 64 : index
    %get3A_1707 = tpu.vector_load %arg4[%get3A_1705, %get3A_1706] {strides = array<i32>} : memref<26x128xi32, #tpu.memory_space<vmem>>, vector<16xi32>,
    %sub3A_1708 = arith.subi %get3A_1707, %add3A_1632 : vector<16xi32>
    %ge3A_1709 = arith.cmpi sge, %get3A_1707, %add3A_1632 : vector<16xi32>
    tpu.vector_store_idx %arg5[%sub3A_1708, %add3A_47], %broadcast_in_dim3A_24 masked %ge3A_1709 : memref<104x128xi32, #tpu.memory_space<vmem>>[vector<16xi32>, vector<16xi32>], vector<16xi32>, vector<16xi1>
    %add3A_1710 = arith.constant 1 : i32
    %add3A_1711 = arith.addi %rem3A_1628, %add3A_1710 : i32
    %get3A_1712 = arith.index_cast %add3A_1711 : i32 to index
    %get3A_1713 = arith.constant 64 : index
    %get3A_1714 = tpu.vector_load %arg4[%get3A_1712, %get3A_1713] {strides = array<i32>} : memref<26x128xi32, #tpu.memory_space<vmem>>, vector<16xi32>,
    %sub3A_1715 = arith.constant 100 : i32
    %sub3A_1716 = vector.broadcast %sub3A_1715 : i32 to vector<16xi32>
    %sub3A_1717 = arith.subi %sub3A_1716, %add3A_1632 : vector<16xi32>
    %add3A_1718 = arith.addi %get3A_1714, %sub3A_1717 : vector<16xi32>
    %add3A_1719 = arith.constant 4 : i32
    %add3A_1720 = vector.broadcast %add3A_1719 : i32 to vector<16xi32>
    %add3A_1721 = arith.addi %add3A_1632, %add3A_1720 : vector<16xi32>
    %lt3A_1722 = arith.cmpi slt, %get3A_1714, %add3A_1721 : vector<16xi32>
    tpu.vector_store_idx %arg5[%add3A_1718, %add3A_47], %broadcast_in_dim3A_24 masked %lt3A_1722 : memref<104x128xi32, #tpu.memory_space<vmem>>[vector<16xi32>, vector<16xi32>], vector<16xi32>, vector<16xi1>
    %get3A_1723 = arith.index_cast %rem3A_1628 : i32 to index
    %get3A_1724 = arith.constant 80 : index
    %get3A_1725 = tpu.vector_load %arg4[%get3A_1723, %get3A_1724] {strides = array<i32>} : memref<26x128xi32, #tpu.memory_space<vmem>>, vector<16xi32>,
    %sub3A_1726 = arith.subi %get3A_1725, %add3A_1632 : vector<16xi32>
    %ge3A_1727 = arith.cmpi sge, %get3A_1725, %add3A_1632 : vector<16xi32>
    tpu.vector_store_idx %arg5[%sub3A_1726, %add3A_51], %broadcast_in_dim3A_24 masked %ge3A_1727 : memref<104x128xi32, #tpu.memory_space<vmem>>[vector<16xi32>, vector<16xi32>], vector<16xi32>, vector<16xi1>
    %add3A_1728 = arith.constant 1 : i32
    %add3A_1729 = arith.addi %rem3A_1628, %add3A_1728 : i32
    %get3A_1730 = arith.index_cast %add3A_1729 : i32 to index
    %get3A_1731 = arith.constant 80 : index
    %get3A_1732 = tpu.vector_load %arg4[%get3A_1730, %get3A_1731] {strides = array<i32>} : memref<26x128xi32, #tpu.memory_space<vmem>>, vector<16xi32>,
    %sub3A_1733 = arith.constant 100 : i32
    %sub3A_1734 = vector.broadcast %sub3A_1733 : i32 to vector<16xi32>
    %sub3A_1735 = arith.subi %sub3A_1734, %add3A_1632 : vector<16xi32>
    %add3A_1736 = arith.addi %get3A_1732, %sub3A_1735 : vector<16xi32>
    %add3A_1737 = arith.constant 4 : i32
    %add3A_1738 = vector.broadcast %add3A_1737 : i32 to vector<16xi32>
    %add3A_1739 = arith.addi %add3A_1632, %add3A_1738 : vector<16xi32>
    %lt3A_1740 = arith.cmpi slt, %get3A_1732, %add3A_1739 : vector<16xi32>
    tpu.vector_store_idx %arg5[%add3A_1736, %add3A_51], %broadcast_in_dim3A_24 masked %lt3A_1740 : memref<104x128xi32, #tpu.memory_space<vmem>>[vector<16xi32>, vector<16xi32>], vector<16xi32>, vector<16xi1>
    %get3A_1741 = arith.index_cast %rem3A_1628 : i32 to index
    %get3A_1742 = arith.constant 96 : index
    %get3A_1743 = tpu.vector_load %arg4[%get3A_1741, %get3A_1742] {strides = array<i32>} : memref<26x128xi32, #tpu.memory_space<vmem>>, vector<16xi32>,
    %sub3A_1744 = arith.subi %get3A_1743, %add3A_1632 : vector<16xi32>
    %ge3A_1745 = arith.cmpi sge, %get3A_1743, %add3A_1632 : vector<16xi32>
    tpu.vector_store_idx %arg5[%sub3A_1744, %add3A_55], %broadcast_in_dim3A_24 masked %ge3A_1745 : memref<104x128xi32, #tpu.memory_space<vmem>>[vector<16xi32>, vector<16xi32>], vector<16xi32>, vector<16xi1>
    %add3A_1746 = arith.constant 1 : i32
    %add3A_1747 = arith.addi %rem3A_1628, %add3A_1746 : i32
    %get3A_1748 = arith.index_cast %add3A_1747 : i32 to index
    %get3A_1749 = arith.constant 96 : index
    %get3A_1750 = tpu.vector_load %arg4[%get3A_1748, %get3A_1749] {strides = array<i32>} : memref<26x128xi32, #tpu.memory_space<vmem>>, vector<16xi32>,
    %sub3A_1751 = arith.constant 100 : i32
    %sub3A_1752 = vector.broadcast %sub3A_1751 : i32 to vector<16xi32>
    %sub3A_1753 = arith.subi %sub3A_1752, %add3A_1632 : vector<16xi32>
    %add3A_1754 = arith.addi %get3A_1750, %sub3A_1753 : vector<16xi32>
    %add3A_1755 = arith.constant 4 : i32
    %add3A_1756 = vector.broadcast %add3A_1755 : i32 to vector<16xi32>
    %add3A_1757 = arith.addi %add3A_1632, %add3A_1756 : vector<16xi32>
    %lt3A_1758 = arith.cmpi slt, %get3A_1750, %add3A_1757 : vector<16xi32>
    tpu.vector_store_idx %arg5[%add3A_1754, %add3A_55], %broadcast_in_dim3A_24 masked %lt3A_1758 : memref<104x128xi32, #tpu.memory_space<vmem>>[vector<16xi32>, vector<16xi32>], vector<16xi32>, vector<16xi1>
    %get3A_1759 = arith.index_cast %rem3A_1628 : i32 to index
    %get3A_1760 = arith.constant 112 : index
    %get3A_1761 = tpu.vector_load %arg4[%get3A_1759, %get3A_1760] {strides = array<i32>} : memref<26x128xi32, #tpu.memory_space<vmem>>, vector<16xi32>,
    %sub3A_1762 = arith.subi %get3A_1761, %add3A_1632 : vector<16xi32>
    %ge3A_1763 = arith.cmpi sge, %get3A_1761, %add3A_1632 : vector<16xi32>
    tpu.vector_store_idx %arg5[%sub3A_1762, %add3A_59], %broadcast_in_dim3A_24 masked %ge3A_1763 : memref<104x128xi32, #tpu.memory_space<vmem>>[vector<16xi32>, vector<16xi32>], vector<16xi32>, vector<16xi1>
    %add3A_1764 = arith.constant 1 : i32
    %add3A_1765 = arith.addi %rem3A_1628, %add3A_1764 : i32
    %get3A_1766 = arith.index_cast %add3A_1765 : i32 to index
    %get3A_1767 = arith.constant 112 : index
    %get3A_1768 = tpu.vector_load %arg4[%get3A_1766, %get3A_1767] {strides = array<i32>} : memref<26x128xi32, #tpu.memory_space<vmem>>, vector<16xi32>,
    %sub3A_1769 = arith.constant 100 : i32
    %sub3A_1770 = vector.broadcast %sub3A_1769 : i32 to vector<16xi32>
    %sub3A_1771 = arith.subi %sub3A_1770, %add3A_1632 : vector<16xi32>
    %add3A_1772 = arith.addi %get3A_1768, %sub3A_1771 : vector<16xi32>
    %add3A_1773 = arith.constant 4 : i32
    %add3A_1774 = vector.broadcast %add3A_1773 : i32 to vector<16xi32>
    %add3A_1775 = arith.addi %add3A_1632, %add3A_1774 : vector<16xi32>
    %lt3A_1776 = arith.cmpi slt, %get3A_1768, %add3A_1775 : vector<16xi32>
    tpu.vector_store_idx %arg5[%add3A_1772, %add3A_59], %broadcast_in_dim3A_24 masked %lt3A_1776 : memref<104x128xi32, #tpu.memory_space<vmem>>[vector<16xi32>, vector<16xi32>], vector<16xi32>, vector<16xi1>
    %add3A_1777 = arith.constant 24 : i32
    %add3A_1778 = arith.addi %select_n3A, %add3A_1777 : i32
    %rem3A_1779 = arith.constant 25 : i32
    %rem3A_1780 = arith.remsi %add3A_1778, %rem3A_1779 : i32
    %mul3A_1781 = arith.constant 4 : i32
    %mul3A_1782 = arith.muli %mul3A_1781, %rem3A_1780 : i32
    %add3A_1783 = vector.broadcast %mul3A_1782 : i32 to vector<16xi32>
    %add3A_1784 = arith.addi %broadcast_in_dim3A_28, %add3A_1783 : vector<16xi32>
    %get3A_1785 = arith.index_cast %rem3A_1780 : i32 to index
    %get3A_1786 = arith.constant 0 : index
    %get3A_1787 = tpu.vector_load %arg4[%get3A_1785, %get3A_1786] {strides = array<i32>} : memref<26x128xi32, #tpu.memory_space<vmem>>, vector<16xi32>,
    %sub3A_1788 = arith.subi %get3A_1787, %add3A_1784 : vector<16xi32>
    %ge3A_1789 = arith.cmpi sge, %get3A_1787, %add3A_1784 : vector<16xi32>
    tpu.vector_store_idx %arg5[%sub3A_1788, %add3A_31], %broadcast_in_dim3A_26 masked %ge3A_1789 : memref<104x128xi32, #tpu.memory_space<vmem>>[vector<16xi32>, vector<16xi32>], vector<16xi32>, vector<16xi1>
    %add3A_1790 = arith.constant 1 : i32
    %add3A_1791 = arith.addi %rem3A_1780, %add3A_1790 : i32
    %get3A_1792 = arith.index_cast %add3A_1791 : i32 to index
    %get3A_1793 = arith.constant 0 : index
    %get3A_1794 = tpu.vector_load %arg4[%get3A_1792, %get3A_1793] {strides = array<i32>} : memref<26x128xi32, #tpu.memory_space<vmem>>, vector<16xi32>,
    %sub3A_1795 = arith.constant 100 : i32
    %sub3A_1796 = vector.broadcast %sub3A_1795 : i32 to vector<16xi32>
    %sub3A_1797 = arith.subi %sub3A_1796, %add3A_1784 : vector<16xi32>
    %add3A_1798 = arith.addi %get3A_1794, %sub3A_1797 : vector<16xi32>
    %add3A_1799 = arith.constant 4 : i32
    %add3A_1800 = vector.broadcast %add3A_1799 : i32 to vector<16xi32>
    %add3A_1801 = arith.addi %add3A_1784, %add3A_1800 : vector<16xi32>
    %lt3A_1802 = arith.cmpi slt, %get3A_1794, %add3A_1801 : vector<16xi32>
    tpu.vector_store_idx %arg5[%add3A_1798, %add3A_31], %broadcast_in_dim3A_26 masked %lt3A_1802 : memref<104x128xi32, #tpu.memory_space<vmem>>[vector<16xi32>, vector<16xi32>], vector<16xi32>, vector<16xi1>
    %get3A_1803 = arith.index_cast %rem3A_1780 : i32 to index
    %get3A_1804 = arith.constant 16 : index
    %get3A_1805 = tpu.vector_load %arg4[%get3A_1803, %get3A_1804] {strides = array<i32>} : memref<26x128xi32, #tpu.memory_space<vmem>>, vector<16xi32>,
    %sub3A_1806 = arith.subi %get3A_1805, %add3A_1784 : vector<16xi32>
    %ge3A_1807 = arith.cmpi sge, %get3A_1805, %add3A_1784 : vector<16xi32>
    tpu.vector_store_idx %arg5[%sub3A_1806, %add3A_35], %broadcast_in_dim3A_26 masked %ge3A_1807 : memref<104x128xi32, #tpu.memory_space<vmem>>[vector<16xi32>, vector<16xi32>], vector<16xi32>, vector<16xi1>
    %add3A_1808 = arith.constant 1 : i32
    %add3A_1809 = arith.addi %rem3A_1780, %add3A_1808 : i32
    %get3A_1810 = arith.index_cast %add3A_1809 : i32 to index
    %get3A_1811 = arith.constant 16 : index
    %get3A_1812 = tpu.vector_load %arg4[%get3A_1810, %get3A_1811] {strides = array<i32>} : memref<26x128xi32, #tpu.memory_space<vmem>>, vector<16xi32>,
    %sub3A_1813 = arith.constant 100 : i32
    %sub3A_1814 = vector.broadcast %sub3A_1813 : i32 to vector<16xi32>
    %sub3A_1815 = arith.subi %sub3A_1814, %add3A_1784 : vector<16xi32>
    %add3A_1816 = arith.addi %get3A_1812, %sub3A_1815 : vector<16xi32>
    %add3A_1817 = arith.constant 4 : i32
    %add3A_1818 = vector.broadcast %add3A_1817 : i32 to vector<16xi32>
    %add3A_1819 = arith.addi %add3A_1784, %add3A_1818 : vector<16xi32>
    %lt3A_1820 = arith.cmpi slt, %get3A_1812, %add3A_1819 : vector<16xi32>
    tpu.vector_store_idx %arg5[%add3A_1816, %add3A_35], %broadcast_in_dim3A_26 masked %lt3A_1820 : memref<104x128xi32, #tpu.memory_space<vmem>>[vector<16xi32>, vector<16xi32>], vector<16xi32>, vector<16xi1>
    %get3A_1821 = arith.index_cast %rem3A_1780 : i32 to index
    %get3A_1822 = arith.constant 32 : index
    %get3A_1823 = tpu.vector_load %arg4[%get3A_1821, %get3A_1822] {strides = array<i32>} : memref<26x128xi32, #tpu.memory_space<vmem>>, vector<16xi32>,
    %sub3A_1824 = arith.subi %get3A_1823, %add3A_1784 : vector<16xi32>
    %ge3A_1825 = arith.cmpi sge, %get3A_1823, %add3A_1784 : vector<16xi32>
    tpu.vector_store_idx %arg5[%sub3A_1824, %add3A_39], %broadcast_in_dim3A_26 masked %ge3A_1825 : memref<104x128xi32, #tpu.memory_space<vmem>>[vector<16xi32>, vector<16xi32>], vector<16xi32>, vector<16xi1>
    %add3A_1826 = arith.constant 1 : i32
    %add3A_1827 = arith.addi %rem3A_1780, %add3A_1826 : i32
    %get3A_1828 = arith.index_cast %add3A_1827 : i32 to index
    %get3A_1829 = arith.constant 32 : index
    %get3A_1830 = tpu.vector_load %arg4[%get3A_1828, %get3A_1829] {strides = array<i32>} : memref<26x128xi32, #tpu.memory_space<vmem>>, vector<16xi32>,
    %sub3A_1831 = arith.constant 100 : i32
    %sub3A_1832 = vector.broadcast %sub3A_1831 : i32 to vector<16xi32>
    %sub3A_1833 = arith.subi %sub3A_1832, %add3A_1784 : vector<16xi32>
    %add3A_1834 = arith.addi %get3A_1830, %sub3A_1833 : vector<16xi32>
    %add3A_1835 = arith.constant 4 : i32
    %add3A_1836 = vector.broadcast %add3A_1835 : i32 to vector<16xi32>
    %add3A_1837 = arith.addi %add3A_1784, %add3A_1836 : vector<16xi32>
    %lt3A_1838 = arith.cmpi slt, %get3A_1830, %add3A_1837 : vector<16xi32>
    tpu.vector_store_idx %arg5[%add3A_1834, %add3A_39], %broadcast_in_dim3A_26 masked %lt3A_1838 : memref<104x128xi32, #tpu.memory_space<vmem>>[vector<16xi32>, vector<16xi32>], vector<16xi32>, vector<16xi1>
    %get3A_1839 = arith.index_cast %rem3A_1780 : i32 to index
    %get3A_1840 = arith.constant 48 : index
    %get3A_1841 = tpu.vector_load %arg4[%get3A_1839, %get3A_1840] {strides = array<i32>} : memref<26x128xi32, #tpu.memory_space<vmem>>, vector<16xi32>,
    %sub3A_1842 = arith.subi %get3A_1841, %add3A_1784 : vector<16xi32>
    %ge3A_1843 = arith.cmpi sge, %get3A_1841, %add3A_1784 : vector<16xi32>
    tpu.vector_store_idx %arg5[%sub3A_1842, %add3A_43], %broadcast_in_dim3A_26 masked %ge3A_1843 : memref<104x128xi32, #tpu.memory_space<vmem>>[vector<16xi32>, vector<16xi32>], vector<16xi32>, vector<16xi1>
    %add3A_1844 = arith.constant 1 : i32
    %add3A_1845 = arith.addi %rem3A_1780, %add3A_1844 : i32
    %get3A_1846 = arith.index_cast %add3A_1845 : i32 to index
    %get3A_1847 = arith.constant 48 : index
    %get3A_1848 = tpu.vector_load %arg4[%get3A_1846, %get3A_1847] {strides = array<i32>} : memref<26x128xi32, #tpu.memory_space<vmem>>, vector<16xi32>,
    %sub3A_1849 = arith.constant 100 : i32
    %sub3A_1850 = vector.broadcast %sub3A_1849 : i32 to vector<16xi32>
    %sub3A_1851 = arith.subi %sub3A_1850, %add3A_1784 : vector<16xi32>
    %add3A_1852 = arith.addi %get3A_1848, %sub3A_1851 : vector<16xi32>
    %add3A_1853 = arith.constant 4 : i32
    %add3A_1854 = vector.broadcast %add3A_1853 : i32 to vector<16xi32>
    %add3A_1855 = arith.addi %add3A_1784, %add3A_1854 : vector<16xi32>
    %lt3A_1856 = arith.cmpi slt, %get3A_1848, %add3A_1855 : vector<16xi32>
    tpu.vector_store_idx %arg5[%add3A_1852, %add3A_43], %broadcast_in_dim3A_26 masked %lt3A_1856 : memref<104x128xi32, #tpu.memory_space<vmem>>[vector<16xi32>, vector<16xi32>], vector<16xi32>, vector<16xi1>
    %get3A_1857 = arith.index_cast %rem3A_1780 : i32 to index
    %get3A_1858 = arith.constant 64 : index
    %get3A_1859 = tpu.vector_load %arg4[%get3A_1857, %get3A_1858] {strides = array<i32>} : memref<26x128xi32, #tpu.memory_space<vmem>>, vector<16xi32>,
    %sub3A_1860 = arith.subi %get3A_1859, %add3A_1784 : vector<16xi32>
    %ge3A_1861 = arith.cmpi sge, %get3A_1859, %add3A_1784 : vector<16xi32>
    tpu.vector_store_idx %arg5[%sub3A_1860, %add3A_47], %broadcast_in_dim3A_26 masked %ge3A_1861 : memref<104x128xi32, #tpu.memory_space<vmem>>[vector<16xi32>, vector<16xi32>], vector<16xi32>, vector<16xi1>
    %add3A_1862 = arith.constant 1 : i32
    %add3A_1863 = arith.addi %rem3A_1780, %add3A_1862 : i32
    %get3A_1864 = arith.index_cast %add3A_1863 : i32 to index
    %get3A_1865 = arith.constant 64 : index
    %get3A_1866 = tpu.vector_load %arg4[%get3A_1864, %get3A_1865] {strides = array<i32>} : memref<26x128xi32, #tpu.memory_space<vmem>>, vector<16xi32>,
    %sub3A_1867 = arith.constant 100 : i32
    %sub3A_1868 = vector.broadcast %sub3A_1867 : i32 to vector<16xi32>
    %sub3A_1869 = arith.subi %sub3A_1868, %add3A_1784 : vector<16xi32>
    %add3A_1870 = arith.addi %get3A_1866, %sub3A_1869 : vector<16xi32>
    %add3A_1871 = arith.constant 4 : i32
    %add3A_1872 = vector.broadcast %add3A_1871 : i32 to vector<16xi32>
    %add3A_1873 = arith.addi %add3A_1784, %add3A_1872 : vector<16xi32>
    %lt3A_1874 = arith.cmpi slt, %get3A_1866, %add3A_1873 : vector<16xi32>
    tpu.vector_store_idx %arg5[%add3A_1870, %add3A_47], %broadcast_in_dim3A_26 masked %lt3A_1874 : memref<104x128xi32, #tpu.memory_space<vmem>>[vector<16xi32>, vector<16xi32>], vector<16xi32>, vector<16xi1>
    %get3A_1875 = arith.index_cast %rem3A_1780 : i32 to index
    %get3A_1876 = arith.constant 80 : index
    %get3A_1877 = tpu.vector_load %arg4[%get3A_1875, %get3A_1876] {strides = array<i32>} : memref<26x128xi32, #tpu.memory_space<vmem>>, vector<16xi32>,
    %sub3A_1878 = arith.subi %get3A_1877, %add3A_1784 : vector<16xi32>
    %ge3A_1879 = arith.cmpi sge, %get3A_1877, %add3A_1784 : vector<16xi32>
    tpu.vector_store_idx %arg5[%sub3A_1878, %add3A_51], %broadcast_in_dim3A_26 masked %ge3A_1879 : memref<104x128xi32, #tpu.memory_space<vmem>>[vector<16xi32>, vector<16xi32>], vector<16xi32>, vector<16xi1>
    %add3A_1880 = arith.constant 1 : i32
    %add3A_1881 = arith.addi %rem3A_1780, %add3A_1880 : i32
    %get3A_1882 = arith.index_cast %add3A_1881 : i32 to index
    %get3A_1883 = arith.constant 80 : index
    %get3A_1884 = tpu.vector_load %arg4[%get3A_1882, %get3A_1883] {strides = array<i32>} : memref<26x128xi32, #tpu.memory_space<vmem>>, vector<16xi32>,
    %sub3A_1885 = arith.constant 100 : i32
    %sub3A_1886 = vector.broadcast %sub3A_1885 : i32 to vector<16xi32>
    %sub3A_1887 = arith.subi %sub3A_1886, %add3A_1784 : vector<16xi32>
    %add3A_1888 = arith.addi %get3A_1884, %sub3A_1887 : vector<16xi32>
    %add3A_1889 = arith.constant 4 : i32
    %add3A_1890 = vector.broadcast %add3A_1889 : i32 to vector<16xi32>
    %add3A_1891 = arith.addi %add3A_1784, %add3A_1890 : vector<16xi32>
    %lt3A_1892 = arith.cmpi slt, %get3A_1884, %add3A_1891 : vector<16xi32>
    tpu.vector_store_idx %arg5[%add3A_1888, %add3A_51], %broadcast_in_dim3A_26 masked %lt3A_1892 : memref<104x128xi32, #tpu.memory_space<vmem>>[vector<16xi32>, vector<16xi32>], vector<16xi32>, vector<16xi1>
    %get3A_1893 = arith.index_cast %rem3A_1780 : i32 to index
    %get3A_1894 = arith.constant 96 : index
    %get3A_1895 = tpu.vector_load %arg4[%get3A_1893, %get3A_1894] {strides = array<i32>} : memref<26x128xi32, #tpu.memory_space<vmem>>, vector<16xi32>,
    %sub3A_1896 = arith.subi %get3A_1895, %add3A_1784 : vector<16xi32>
    %ge3A_1897 = arith.cmpi sge, %get3A_1895, %add3A_1784 : vector<16xi32>
    tpu.vector_store_idx %arg5[%sub3A_1896, %add3A_55], %broadcast_in_dim3A_26 masked %ge3A_1897 : memref<104x128xi32, #tpu.memory_space<vmem>>[vector<16xi32>, vector<16xi32>], vector<16xi32>, vector<16xi1>
    %add3A_1898 = arith.constant 1 : i32
    %add3A_1899 = arith.addi %rem3A_1780, %add3A_1898 : i32
    %get3A_1900 = arith.index_cast %add3A_1899 : i32 to index
    %get3A_1901 = arith.constant 96 : index
    %get3A_1902 = tpu.vector_load %arg4[%get3A_1900, %get3A_1901] {strides = array<i32>} : memref<26x128xi32, #tpu.memory_space<vmem>>, vector<16xi32>,
    %sub3A_1903 = arith.constant 100 : i32
    %sub3A_1904 = vector.broadcast %sub3A_1903 : i32 to vector<16xi32>
    %sub3A_1905 = arith.subi %sub3A_1904, %add3A_1784 : vector<16xi32>
    %add3A_1906 = arith.addi %get3A_1902, %sub3A_1905 : vector<16xi32>
    %add3A_1907 = arith.constant 4 : i32
    %add3A_1908 = vector.broadcast %add3A_1907 : i32 to vector<16xi32>
    %add3A_1909 = arith.addi %add3A_1784, %add3A_1908 : vector<16xi32>
    %lt3A_1910 = arith.cmpi slt, %get3A_1902, %add3A_1909 : vector<16xi32>
    tpu.vector_store_idx %arg5[%add3A_1906, %add3A_55], %broadcast_in_dim3A_26 masked %lt3A_1910 : memref<104x128xi32, #tpu.memory_space<vmem>>[vector<16xi32>, vector<16xi32>], vector<16xi32>, vector<16xi1>
    %get3A_1911 = arith.index_cast %rem3A_1780 : i32 to index
    %get3A_1912 = arith.constant 112 : index
    %get3A_1913 = tpu.vector_load %arg4[%get3A_1911, %get3A_1912] {strides = array<i32>} : memref<26x128xi32, #tpu.memory_space<vmem>>, vector<16xi32>,
    %sub3A_1914 = arith.subi %get3A_1913, %add3A_1784 : vector<16xi32>
    %ge3A_1915 = arith.cmpi sge, %get3A_1913, %add3A_1784 : vector<16xi32>
    tpu.vector_store_idx %arg5[%sub3A_1914, %add3A_59], %broadcast_in_dim3A_26 masked %ge3A_1915 : memref<104x128xi32, #tpu.memory_space<vmem>>[vector<16xi32>, vector<16xi32>], vector<16xi32>, vector<16xi1>
    %add3A_1916 = arith.constant 1 : i32
    %add3A_1917 = arith.addi %rem3A_1780, %add3A_1916 : i32
    %get3A_1918 = arith.index_cast %add3A_1917 : i32 to index
    %get3A_1919 = arith.constant 112 : index
    %get3A_1920 = tpu.vector_load %arg4[%get3A_1918, %get3A_1919] {strides = array<i32>} : memref<26x128xi32, #tpu.memory_space<vmem>>, vector<16xi32>,
    %sub3A_1921 = arith.constant 100 : i32
    %sub3A_1922 = vector.broadcast %sub3A_1921 : i32 to vector<16xi32>
    %sub3A_1923 = arith.subi %sub3A_1922, %add3A_1784 : vector<16xi32>
    %add3A_1924 = arith.addi %get3A_1920, %sub3A_1923 : vector<16xi32>
    %add3A_1925 = arith.constant 4 : i32
    %add3A_1926 = vector.broadcast %add3A_1925 : i32 to vector<16xi32>
    %add3A_1927 = arith.addi %add3A_1784, %add3A_1926 : vector<16xi32>
    %lt3A_1928 = arith.cmpi slt, %get3A_1920, %add3A_1927 : vector<16xi32>
    tpu.vector_store_idx %arg5[%add3A_1924, %add3A_59], %broadcast_in_dim3A_26 masked %lt3A_1928 : memref<104x128xi32, #tpu.memory_space<vmem>>[vector<16xi32>, vector<16xi32>], vector<16xi32>, vector<16xi1>
    %mul3A_1929 = arith.constant 104 : i32
    %mul3A_1930 = arith.muli %rem3A_1780, %mul3A_1929 : i32
    %dma_start3A_1931 = tpu.memref_slice %arg3[%mul3A_1930, %mul3A_20] : memref<2600x1024xi32, #tpu.memory_space<hbm>> -> memref<104x128xi32, #tpu.memory_space<hbm>>
    %dma_start3A_1932 = tpu.memref_slice %arg3[%mul3A_1930, %mul3A_20] : memref<2600x1024xi32, #tpu.memory_space<hbm>> -> memref<104x128xi32, #tpu.memory_space<hbm>>
    tpu.enqueue_dma source(%arg5 : memref<104x128xi32, #tpu.memory_space<vmem>>) target(%dma_start3A_1932 : memref<104x128xi32, #tpu.memory_space<hbm>>) target_semaphore(%arg7 : memref<!tpu.dma_semaphore, #tpu.memory_space<semaphore_mem>>)
    %dma_wait3A_1933 = tpu.memref_slice %arg3[%mul3A_1620, %mul3A_20] : memref<2600x1024xi32, #tpu.memory_space<hbm>> -> memref<104x128xi32, #tpu.memory_space<hbm>>
    %dma_wait3A_1934 = tpu.memref_slice %arg3[%mul3A_1620, %mul3A_20] : memref<2600x1024xi32, #tpu.memory_space<hbm>> -> memref<104x128xi32, #tpu.memory_space<hbm>>
    tpu.wait_dma2 semaphore(%arg8 : memref<!tpu.dma_semaphore, #tpu.memory_space<semaphore_mem>>) src(%arg6 : memref<104x128xi32, #tpu.memory_space<vmem>>) dst(%dma_wait3A_1934 : memref<104x128xi32, #tpu.memory_space<hbm>>)
    %dma_wait3A_1935 = tpu.memref_slice %arg3[%mul3A_1930, %mul3A_20] : memref<2600x1024xi32, #tpu.memory_space<hbm>> -> memref<104x128xi32, #tpu.memory_space<hbm>>
    %dma_wait3A_1936 = tpu.memref_slice %arg3[%mul3A_1930, %mul3A_20] : memref<2600x1024xi32, #tpu.memory_space<hbm>> -> memref<104x128xi32, #tpu.memory_space<hbm>>
    tpu.wait_dma2 semaphore(%arg7 : memref<!tpu.dma_semaphore, #tpu.memory_space<semaphore_mem>>) src(%arg5 : memref<104x128xi32, #tpu.memory_space<vmem>>) dst(%dma_wait3A_1936 : memref<104x128xi32, #tpu.memory_space<hbm>>)
    return
  }
}

</mosaic_0001>

<sc_bundles>
// kernel: kernel.3.cloned.1.call-start
scs
__scs_entry_jumppad:
0x0: {  	(pc) =	sbr.rel $0x88, $3  }
0x1: {  	(tag) =	ssettag $0x0;
	lr =	simm.s32 $0x1  }
0x2: {  	[smem:$0x3FA0] =	sst lr;
	_ =	strace $0xD0000000  }
0x3: {  	_ = 	snop  }
0x4: {  	_ = 	snop  }
0x5: {  	_ = 	snop  }
0x6: {  	_ = 	snop  }
0x7: {  	_ = 	snop  }
__scs_overlays_trampoline_lowered:
0x8: {  	[smem:$0x3FAF] =	sst s0  }
0x9: {  	[smem:$0x3FB0] =	sst s1  }
0xa: {  	[smem:$0x3FB1] =	sst s2  }
0xb: {  	[smem:$0x3FB2] =	sst s3  }
0xc: {  	[smem:$0x3FB3] =	sst s4  }
0xd: {  	[smem:$0x3FB4] =	sst s5  }
0xe: {  	[smem:$0x3FB5] =	sst s6  }
0xf: {  	[smem:$0x3FB6] =	sst s7  }
0x10: {  	[smem:$0x3FB7] =	sst s8  }
0x11: {  	[smem:$0x3FB8] =	sst s9;
	s0 =	simm.s32 @!p0 $0x0  }
0x12: {  	s1 =	sld [smem:$0x3F9E];
	s0 =	simm.s32 @p0 $0x1  }
0x13: {  	[smem:$0x3FB9] =	sst s0;
	s0 =	simm.s32 @!p1 $0x0  }
0x14: {  	s2 =	sld [smem:$0x3F9D];
	s0 =	simm.s32 @p1 $0x1  }
0x15: {  	[smem:$0x3FBA] =	sst s0;
	s0 =	simm.s32 @!p2 $0x0  }
0x16: {  	s3 =	sld [smem:$0x3FDB];
	s0 =	simm.s32 @p2 $0x1  }
0x17: {  	s4 =	simm.s32 $0x1BF5;
	[smem:$0x3FBC] =	sst s0  }
0x18: {  	s0 =	sld [smem:$0x3F9F];
	_ =	swait.ge [sflag:s4], $0x0  }
0x19: {  	s7 =	sld [smem:$0x3FA0]  }
0x1a: {  	s8 =	sadd.s32 $0xFFFFE003, lr  }
0x1b: {  	s9 =	sadd.s32 $0xFFFFFEF7, lr;
	s5 =	simm.s32 $0xFFFFFFFF;
	p2 =	slt.u32 s8, $0xFFFFF086  }
0x1c: {  	p1 =	slt.u32 s9, $0xF7A;
	s5 =	simm.s32 @!p2 $0x0  }
0x1d: {  	s5 =	simm.s32 @p1 $0x1;
	p0 =	seq.s32 s7, s2  }
0x1e: {  	s7 =	smul.u32 @!p0 $0xF7A, s2;
	p2 =	seq.s32 @!p0 s5, $0x0  }
0x1f: {  	s9 =	smul.u32 $0xF7A, s1;
	s8 =	simm.s32 @!p0 $0x1BF5;
	p2 =	por !p2, p0  }
0x20: {  	[sflag:s8] =	ssyncset.s32 @!p0 $0xFFFFF086;
	s6 =	sadd.s32 @!p0 s3, s7;
	s7 =	simm.s32 @!p0 $0x108  }
0x21: {  	s3 =	sadd.s32 s3, s9;
	s6 =	sadd.s32 @!p0 $0x88, s6;
	s7 =	simm.s32 @p2 $0x1082  }
0x22: {  	[simem:s7], [sflag:s8] =	dma.local @!p0 [hbm:s6], $0xF7A  }
0x23: {  	s9 =	sor.u32 $0xD0000000, s2;
	s6 =	simm.s32 $0x108;
	_ =	swait.ge @!p0 [sflag:s8], $0x0  }
0x24: {  	s3 =	sadd.s32 $0x88, s3;
	s6 =	simm.s32 @!p1 $0x1082;
	[sflag:s4] =	ssyncset.s32 $0xFFFFF086  }
0x25: {  	[simem:s6], [sflag:s4] =	dma.local [hbm:s3], $0xF7A  }
0x26: {  	[smem:$0x3FA0] =	sst s1;
	(tag) =	ssettag s2;
	_ =	strace s9  }
0x27: {  	s1 =	sld [smem:$0x3FB0]  }
0x28: {  	s2 =	sld [smem:$0x3FB1]  }
0x29: {  	s4 =	sld [smem:$0x3FB3]  }
0x2a: {  	p0 =	seq.s32 s5, $0x0;
	s5 =	sld [smem:$0x3FB4]  }
0x2b: {  	s6 =	sld [smem:$0x3FB5]  }
0x2c: {  	s7 =	sld [smem:$0x3FB6]  }
0x2d: {  	s3 =	simm.s32 $0x108;
	s8 =	sld [smem:$0x3FB7]  }
0x2e: {  	s3 =	simm.s32 @!p0 $0x1082;
	s9 =	sld [smem:$0x3FB8]  }
0x2f: {  	lr =	sadd.s32 s0, s3;
	s0 =	sld [smem:$0x3FAF]  }
0x30: {  	s3 =	sld [smem:$0x3FB2]  }
0x31: {  	[smem:$0x3FBB] =	sst s10  }
0x32: {  	s10 =	sld [smem:$0x3FB9];
	_ =	sdelay $0x3  }
0x33: {  	p0 =	seq.s32 s10, $0x1;
	s10 =	sld [smem:$0x3FBB];
	_ =	sdelay $0x3  }
0x34: {  	[smem:$0x3FBB] =	sst s10  }
0x35: {  	s10 =	sld [smem:$0x3FBA];
	_ =	sdelay $0x3  }
0x36: {  	p1 =	seq.s32 s10, $0x1;
	s10 =	sld [smem:$0x3FBB];
	_ =	sdelay $0x3  }
0x37: {  	[smem:$0x3FBB] =	sst s10  }
0x38: {  	s10 =	sld [smem:$0x3FBC]  }
0x39: {  	_ = 	snop;
	(pc) =	sbr.ind lr, $3  }
0x3a: {  	_ = 	snop  }
0x3b: {  	_ = 	snop  }
0x3c: {  	p2 =	seq.s32 s10, $0x1;
	s10 =	sld [smem:$0x3FBB]  }
0x3d: {  	_ =	shalt  }
0x3e: {  	_ =	shalt  }
0x3f: {  	_ =	shalt  }
0x40: {  	_ =	shalt  }
0x41: {  	_ =	shalt  }
0x42: {  	_ =	shalt  }
0x43: {  	_ =	shalt  }
0x44: {  	_ =	shalt  }
0x45: {  	_ =	shalt  }
0x46: {  	_ =	shalt  }
0x47: {  	_ =	shalt  }
0x48: {  	_ =	shalt  }
0x49: {  	_ =	shalt  }
0x4a: {  	_ =	shalt  }
0x4b: {  	_ =	shalt  }
0x4c: {  	_ =	shalt  }
0x4d: {  	_ =	shalt  }
0x4e: {  	_ =	shalt  }
0x4f: {  	_ =	shalt  }
0x50: {  	_ =	shalt  }
0x51: {  	_ =	shalt  }
0x52: {  	_ =	shalt  }
0x53: {  	_ =	shalt  }
0x54: {  	_ =	shalt  }
0x55: {  	_ =	shalt  }
0x56: {  	_ =	shalt  }
0x57: {  	_ =	shalt  }
0x58: {  	_ =	shalt  }
0x59: {  	_ =	shalt  }
0x5a: {  	_ =	shalt  }
0x5b: {  	_ =	shalt  }
0x5c: {  	_ =	shalt  }
0x5d: {  	_ =	shalt  }
0x5e: {  	_ =	shalt  }
0x5f: {  	_ =	shalt  }
0x60: {  	_ =	shalt  }
0x61: {  	_ =	shalt  }
0x62: {  	_ =	shalt  }
0x63: {  	_ =	shalt  }
0x64: {  	_ =	shalt  }
0x65: {  	_ =	shalt  }
0x66: {  	_ =	shalt  }
0x67: {  	_ =	shalt  }
0x68: {  	_ =	shalt  }
0x69: {  	_ =	shalt  }
0x6a: {  	_ =	shalt  }
0x6b: {  	_ =	shalt  }
0x6c: {  	_ =	shalt  }
0x6d: {  	_ =	shalt  }
0x6e: {  	_ =	shalt  }
0x6f: {  	_ =	shalt  }
0x70: {  	_ =	shalt  }
0x71: {  	_ =	shalt  }
0x72: {  	_ =	shalt  }
0x73: {  	_ =	shalt  }
0x74: {  	_ =	shalt  }
0x75: {  	_ =	shalt  }
0x76: {  	_ =	shalt  }
0x77: {  	_ =	shalt  }
0x78: {  	_ =	shalt  }
0x79: {  	_ =	shalt  }
0x7a: {  	_ =	shalt  }
0x7b: {  	_ =	shalt  }
0x7c: {  	_ =	shalt  }
0x7d: {  	_ =	shalt  }
0x7e: {  	_ =	shalt  }
0x7f: {  	_ =	shalt  }
0x80: {  	_ =	shalt  }
0x81: {  	_ =	shalt  }
0x82: {  	_ =	shalt  }
0x83: {  	_ =	shalt  }
0x84: {  	_ =	shalt  }
0x85: {  	_ =	shalt  }
0x86: {  	_ =	shalt  }
0x87: {  	_ =	shalt  }
.Lfunc_end0:
.L_simem_size_0:
called_computation_lowered:
.L_overlay_start_0:
0x88: {  	s2 =	sld [smem:$0x3FD9]  }
0x89: {  	s3 =	sld [smem:$0x3FFE];
	_ =	sdelay $0x1  }
0x8a: {  	s1 =	srdreg.scid  }
0x8b: {  	s0 =	sand.u32 $0x1, s1  }
0x8c: {  	s18 =	sshll.u32 s0, $0xA;
	s2 =	sadd.s32 s3, s2  }
0x8d: {  	s2 =	sadd.s32 s2, s18  }
0x8e: {  	[smem:$0x3FC7] =	sst s2  }
0x8f: {  	_ = 	snop  }
0x90: {  	s2 =	sld [smem:$0x3FC9]  }
0x91: {  	s19 =	sld [smem:$0x3FD0];
	(tm) =	ssettm $0x1  }
0x92: {  	s4 =	sld [smem:$0x3FFB];
	_ =	sdelay $0x3  }
0x93: {  	_ =	strace s4  }
0x94: {  	s4 =	sld [smem:$0x3FFC];
	_ =	sdelay $0x3  }
0x95: {  	_ =	strace s4  }
0x96: {  	s4 =	sld [smem:$0x3FFD];
	_ =	sdelay $0x3  }
0x97: {  	_ =	strace s4  }
0x98: {  	_ =	strace $0x8FFFFFFF  }
0x99: {  	s20 =	sld [smem:$0x3FDB];
	_ =	sdelay $0x1  }
0x9a: {  	s5 =	simm.s32 $_scs_section_size  }
0x9b: {  	s6 =	simm.s32 $_size__tile_overlayer_lowered;
	s7 =	simm.s32 $_tile_overlayer_lowered  }
0x9c: {  	s23 =	simm.s32 $0x1BFF;
	s22 =	sshll.u32 s7, $0x1;
	s4 =	sadd.s32 s5, s20  }
0x9d: {  	s8 =	simm.s32 $0x0;
	s21 =	sshll.u32 s6, $0x1;
	s6 =	sadd.s32 s22, s4  }
0x9e: {  	[timem:s8], [sflag:s23] =	dma.local [hbm:s6], s21  }
0x9f: {  	_ =	swait.ge [sflag:s23], s21  }
0xa0: {  	s5 =	ssub.s32 $0x0, s21;
	[sflag:s23] =	ssyncset.done $0x0  }
0xa1: {  	[sflag:s23] =	ssyncadd.s32 s5;
	_ =	sdelay $0x1  }
0xa2: {  	s24 =	simm.s32 $0x1B8B  }
0xa3: {  	_ =	swait.ge [sflag:s24], $0x1  }
0xa4: {  	[sflag:s24] =	ssyncset.done $0x0  }
0xa5: {  	s25 =	simm.s32 $0x1B8E;
	[sflag:s24] =	ssyncadd.s32 $0xFFFFFFFF  }
0xa6: {  	s26 =	simm.s32 $execute0_lowered;
	[smem:$0x3FD2] =	sst s25  }
0xa7: {  	s5 =	sshll.u32 s26, $0x1;
	_ =	strace $0x80000046;
	[dreg:$0x1] =	wrdreg $0xFFFFFFFF  }
0xa8: {  	s28 =	simm.s32 $_size_execute0_lowered;
	s4 =	sadd.s32 s4, s5;
	[dreg:$0x0] =	wrdreg $0x0  }
0xa9: {  	s5 =	sshll.u32 s28, $0x1;
	[dreg:$0x2] =	wrdreg s4  }
0xaa: {  	[dreg:$0x3] =	wrdreg s5  }
0xab: {  	[dreg:$0x4] =	wrdreg $0xC0  }
0xac: {  	_ =	task [dreg:s8], $0x5FFFF  }
0xad: {  	[dreg:$0x1] =	wrdreg $0xFFFFFFFF  }
0xae: {  	[dreg:$0x0] =	wrdreg $0x60  }
0xaf: {  	[dreg:$0x2] =	wrdreg s2  }
0xb0: {  	[dreg:$0x3] =	wrdreg s19  }
0xb1: {  	[dreg:$0x4] =	wrdreg $0x9  }
0xb2: {  	_ =	task.clear_ibuf [dreg:s8], $0x5FFFF;
	_ =	strace $0x90000046  }
0xb3: {  	s29 =	simm.s32 $0x9;
	_ =	strace $0x80000048  }
0xb4: {  	_ =	swait.ge [sflag:s29], $0x1  }
0xb5: {  	[sflag:s29] =	ssyncadd.s32 $0xFFFFFFFF  }
0xb6: {  	_ =	strace $0x90000048  }
0xb7: {  	_ =	sfence  }
0xb8: {  	s30 =	sld [smem:$0x0];
	_ =	sdelay $0x2  }
0xb9: {  	s31 =	sshll.u32 s1, $0xD;
	s1 =	sshrl.u32 s1, $0x2  }
0xba: {  	s3 =	sand.u32 $0x4000, s31;
	s1 =	sadd.s32 s1, s30  }
0xbb: {  	s0 =	sor.u32 s3, s0;
	s1 =	sshll.u32 s1, $0x11  }
0xbc: {  	s0 =	sor.u32 s1, s0  }
0xbd: {  	s0 =	sadd.s32 $0x8F2B, s0  }
0xbe: {  	[sflag:s0] =	ssyncadd.remote.s32 $0x1  }
0xbf: {  	_ =	sfence.sel $0xFFFF  }
0xc0: {  	[dreg:$0x0] =	wrdreg $0xFFFFFFFF;
	(pc) =	sbr.abs _section_cstart, $3  }
0xc1: {  	[dreg:$0x1] =	wrdreg $0xFFFFFFFF  }
0xc2: {  	_ =	task.clear_ibuf [dreg:s8], $0x2FFFF;
	_ =	strace $0x9FFFFFFF  }
0xc3: {  	(tm) =	ssettm $0x7FFFFFFF  }
tec
execute0_lowered:
.L_overlay_start_1:
0x0: {  	(tag) =	ssettag $0x1  }
0x1: {  	s3 =	rddreg [dreg:$0x0]  }
0x2: {  	s18 =	rddreg [dreg:$0x1]  }
0x3: {  	s0 =	rddreg [dreg:$0x2];
	s1 =	stileid.u32  }
0x4: {  	s2 =	simm.s32 $0x0;
	s4 =	srdreg.scid;
	s28 =	simm.s32 $0x2  }
0x5: {  	s29 =	simm.s32 $0x0;
	s5 =	sshll.u32 s1, $0x1;
	[smem:$0x7FF] =	sst s2  }
0x6: {  	s4 =	sand.u32 $0x1, s4;
	s14 =	sshrl.u32 s1, $0x2;
	s21 =	sshll.u32 s1, $0x5  }
0x7: {  	s13 =	sand.u32 $0xC, s1;
	s5 =	sand.u32 $0x6, s5;
	_ =	strace $0x80000047  }
0x8: {  	s6 =	ssub.s32 $0x2, s4;
	s17 =	smul.u32 $0x1A000, s14;
	s20 =	sor.u32 $0x4, s14  }
0x9: {  	s24 =	sor.u32 $0x8, s14;
	s26 =	sor.u32 $0xC, s14;
	s31 =	sor.u32 $0x18, s14  }
0xa: {  	s4 =	sor.u32 s4, s5;
	s16 =	sshrl.u32 s6, $0x1;
	s9 =	smul.u32 $0x1A000, s20  }
0xb: {  	s5 =	sand.u32 $0x3FFFFF80, s21;
	s10 =	sshll.u32 s20, $0x7;
	s11 =	smul.u32 $0x1A000, s24  }
0xc: {  	s15 =	sshll.u32 s20, $0x2;
	s12 =	smul.u32 $0x1A000, s26;
	s20 =	sshll.u32 s26, $0x2  }
0xd: {  	s21 =	sor.u32 $0x10, s14;
	p0 =	seq.s32 s31, $0x18;
	s7 =	sshll.u32 s4, $0x7  }
0xe: {  	s19 =	ssub.s32 s6, s16;
	s16 =	sshll.u32 s4, $0xA;
	v3 =	vmov s15;
	s15 =	sor.u32 $0x14, s14  }
0xf: {  	v9 =	vmov s20;
	s20 =	simm.s32 $0x400;
	s3 =	sadd.s32 s3, s7;
	s8 =	sor.u32 s17, s16  }
0x10: {  	s23 =	sor.u32 s9, s16;
	s7 =	sand.u32 $0x3FFFFF80, s10;
	s17 =	sshll.u32 s24, $0x2  }
0x11: {  	s25 =	sor.u32 s11, s16;
	s9 =	sshll.u32 s24, $0x7;
	s11 =	sshll.u32 s26, $0x7  }
0x12: {  	s12 =	sor.u32 s12, s16;
	s24 =	sadd.s32 $0xFFFFFFE7, s31;
	s26 =	smul.u32 $0x1A000, s15  }
0x13: {  	s19 =	smax.u32 s19, $0x1;
	s4 =	sadd.s32 $0xC00, s3;
	s22 =	sshrl.u32 s8, $0x3  }
0x14: {  	s8 =	sshrl.u32 s23, $0x3;
	s10 =	sshrl.u32 s25, $0x3;
	s9 =	sand.u32 $0x3FFFFF80, s9  }
0x15: {  	s11 =	sand.u32 $0x3FFFFF80, s11;
	s12 =	sshrl.u32 s12, $0x3;
	s23 =	sshll.u32 s21, $0x2  }
0x16: {  	v21 =	vlaneseq.u32;
	v22 =	vimm.s32 $0x0;
	s24 =	simm.s32 @p0 $0x18;
	s6 =	sadd.s32 s18, s22;
	s8 =	sadd.s32 s18, s8  }
0x17: {  	v23 =	vimm.s32 $0x1;
	v24 =	vor.u32 $0x10, v21;
	v25 =	vor.u32 $0x20, v21;
	s10 =	sadd.s32 s18, s10;
	s22 =	smul.u32 $0x1A000, s21;
	s12 =	sadd.s32 s18, s12  }
0x18: {  	v26 =	vor.u32 $0x30, v21;
	v27 =	vor.u32 $0x40, v21;
	v6 =	vmov s17;
	s21 =	sshll.u32 s21, $0x7;
	s31 =	smul.u32 $0x1A000, s24;
	s17 =	sor.u32 s26, s16  }
0x19: {  	v28 =	vor.u32 $0x50, v21;
	v0 =	vmov s13;
	v12 =	vmov s23;
	s26 =	sshll.u32 s24, $0x2;
	s23 =	simm.s32 $0x3;
	s13 =	sand.u32 $0x3FFFFF80, s21  }
0x1a: {  	v29 =	vor.u32 $0x60, v21;
	v30 =	vor.u32 $0x70, v21;
	s17 =	sshrl.u32 s17, $0x3;
	v18 =	vmov s26;
	s26 =	simm.s32 $0x1;
	s30 =	sor.u32 s22, s16  }
0x1b: {  	v1 =	vsub.s32 $0x64, v0;
	v2 =	vadd.s32 $0x4, v0;
	v4 =	vsub.s32 $0x64, v3;
	s21 =	sor.u32 s16, s31;
	s16 =	sadd.s32 s18, s17;
	s22 =	simm.s32 $0xC00  }
0x1c: {  	v5 =	vadd.s32 $0x4, v3;
	v10 =	vsub.s32 $0x64, v9;
	v11 =	vadd.s32 $0x4, v9;
	s25 =	sshrl.u32 s30, $0x3;
	s30 =	sshll.u32 s15, $0x7;
	s31 =	sshrl.u32 s21, $0x3  }
0x1d: {  	v7 =	vsub.s32 $0x64, v6;
	v8 =	vadd.s32 $0x4, v6;
	v13 =	vsub.s32 $0x64, v12;
	s21 =	simm.s32 $0x2000;
	s14 =	sadd.s32 s18, s25;
	s25 =	sshll.u32 s15, $0x2  }
0x1e: {  	v14 =	vadd.s32 $0x4, v12;
	v19 =	vsub.s32 $0x64, v18;
	s15 =	sand.u32 $0x3FFFFF80, s30;
	s30 =	sshll.u32 s24, $0x7;
	s18 =	sadd.s32 s18, s31;
	v15 =	vmov s25  }
0x1f: {  	v20 =	vadd.s32 $0x4, v18;
	s24 =	simm.s32 $0x1000;
	s17 =	sand.u32 $0x3FFFFF80, s30;
	s25 =	simm.s32 $0x4400;
	v16 =	vsub.s32 $0x64, v15;
	v17 =	vadd.s32 $0x4, v15  }
.LBB2_1:
0x20: {  	[tilespmem:s2], [sflag:$0x3] =	stream.strided.gather [hbm4b:s3+s20], $0xC00, s21, s20, $0x38;
	[tilespmem:$0x7800] =	vst v63  }
0x21: {  	s30 =	simm.s32 $0x0;
	s31 =	simm.s32 $0x800  }
0x22: {  	[tilespmem:s22], [sflag:$0x3] =	stream.linear.gather [hbm4b:s4+s2], $0x100, $0x38;
	[tilespmem:$0x7800] =	vst v63  }
.LBB2_2:
0x23: {  	p0 =	sne.s32 s31, $0xC800;
	[tilespmem:s30+$0x11F0] =	vst v22  }
0x24: {  	[tilespmem:s30+$0x1000] =	vst v22  }
0x25: {  	[tilespmem:s30+$0x1010] =	vst v22  }
0x26: {  	[tilespmem:s30+$0x1020] =	vst v22  }
0x27: {  	[tilespmem:s30+$0x1030] =	vst v22  }
0x28: {  	[tilespmem:s30+$0x1040] =	vst v22  }
0x29: {  	[tilespmem:s30+$0x1050] =	vst v22  }
0x2a: {  	[tilespmem:s30+$0x1060] =	vst v22  }
0x2b: {  	[tilespmem:s30+$0x1070] =	vst v22  }
0x2c: {  	[tilespmem:s30+$0x1080] =	vst v22  }
0x2d: {  	[tilespmem:s30+$0x1090] =	vst v22  }
0x2e: {  	[tilespmem:s30+$0x10A0] =	vst v22  }
0x2f: {  	[tilespmem:s30+$0x10B0] =	vst v22  }
0x30: {  	[tilespmem:s30+$0x10C0] =	vst v22  }
0x31: {  	[tilespmem:s30+$0x10D0] =	vst v22  }
0x32: {  	[tilespmem:s30+$0x10E0] =	vst v22  }
0x33: {  	[tilespmem:s30+$0x10F0] =	vst v22  }
0x34: {  	[tilespmem:s30+$0x1100] =	vst v22  }
0x35: {  	[tilespmem:s30+$0x1110] =	vst v22  }
0x36: {  	[tilespmem:s30+$0x1120] =	vst v22  }
0x37: {  	[tilespmem:s30+$0x1130] =	vst v22  }
0x38: {  	[tilespmem:s30+$0x1140] =	vst v22  }
0x39: {  	[tilespmem:s30+$0x1150] =	vst v22  }
0x3a: {  	[tilespmem:s30+$0x1160] =	vst v22  }
0x3b: {  	[tilespmem:s30+$0x1170] =	vst v22  }
0x3c: {  	[tilespmem:s30+$0x1180] =	vst v22  }
0x3d: {  	[tilespmem:s30+$0x1190] =	vst v22  }
.Ltmp0:
0x3e: {  	[tilespmem:s30+$0x11A0] =	vst v22;
	(pc) =	sbr.rel @p0 .LBB2_2-.Ltmp0, $4  }
0x3f: {  	[tilespmem:s30+$0x11B0] =	vst v22  }
0x40: {  	[tilespmem:s30+$0x11C0] =	vst v22  }
0x41: {  	[tilespmem:s30+$0x11D0] =	vst v22  }
0x42: {  	[tilespmem:s30+$0x11E0] =	vst v22;
	s30 =	sshra.s32 s31, $0x2;
	s31 =	sadd.s32 $0x800, s31  }
0x43: {  	[tilespmem:s30+$0x11F0] =	vst v22  }
0x44: {  	[tilespmem:s30+$0x1000] =	vst v22  }
0x45: {  	[tilespmem:s30+$0x1010] =	vst v22  }
0x46: {  	[tilespmem:s30+$0x1020] =	vst v22  }
0x47: {  	[tilespmem:s30+$0x1030] =	vst v22  }
0x48: {  	[tilespmem:s30+$0x1040] =	vst v22  }
0x49: {  	[tilespmem:s30+$0x1050] =	vst v22  }
0x4a: {  	[tilespmem:s30+$0x1060] =	vst v22  }
0x4b: {  	[tilespmem:s30+$0x1070] =	vst v22  }
0x4c: {  	[tilespmem:s30+$0x1080] =	vst v22  }
0x4d: {  	[tilespmem:s30+$0x1090] =	vst v22  }
0x4e: {  	[tilespmem:s30+$0x10A0] =	vst v22  }
0x4f: {  	[tilespmem:s30+$0x10B0] =	vst v22  }
0x50: {  	[tilespmem:s30+$0x10C0] =	vst v22  }
0x51: {  	[tilespmem:s30+$0x10D0] =	vst v22  }
0x52: {  	[tilespmem:s30+$0x10E0] =	vst v22  }
0x53: {  	[tilespmem:s30+$0x10F0] =	vst v22  }
0x54: {  	[tilespmem:s30+$0x1100] =	vst v22  }
0x55: {  	[tilespmem:s30+$0x1110] =	vst v22  }
0x56: {  	[tilespmem:s30+$0x1120] =	vst v22  }
0x57: {  	[tilespmem:s30+$0x1130] =	vst v22  }
0x58: {  	[tilespmem:s30+$0x1140] =	vst v22  }
0x59: {  	[tilespmem:s30+$0x1150] =	vst v22  }
0x5a: {  	[tilespmem:s30+$0x1160] =	vst v22  }
0x5b: {  	[tilespmem:s30+$0x1170] =	vst v22  }
0x5c: {  	[tilespmem:s30+$0x1180] =	vst v22  }
0x5d: {  	[tilespmem:s30+$0x1190] =	vst v22  }
0x5e: {  	[tilespmem:s30+$0x11A0] =	vst v22  }
0x5f: {  	[tilespmem:s30+$0x11B0] =	vst v22  }
0x60: {  	[tilespmem:s30+$0x11C0] =	vst v22  }
0x61: {  	[tilespmem:s30+$0x11D0] =	vst v22  }
0x62: {  	[tilespmem:s30+$0x11E0] =	vst v22  }
0x63: {  	_ =	swait.ge [sflag:s23], $0xD00  }
0x64: {  	[sflag:s23] =	ssyncset.done $0x0  }
0x65: {  	[sflag:s23] =	ssyncadd.s32 $0xFFFFF300  }
0x66: {  	v31 =	vld [tilespmem:s5+$0x0];
	_ =	sdelay $0x4  }
0x67: {  	v32 =	vsub.s32 v31, v0  }
0x68: {  	vm0 =	vge.s32 v31, v0;
	v31 =	vshll.u32 v32, $0x7  }
0x69: {  	v31 =	vor.u32 v21, v31;
	_ =	sdelay $0x4  }
0x6a: {  	[tilespmem:v31+s24+$0x0] =	vst.idx.msk vm0, v23  }
0x6b: {  	v31 =	vld [tilespmem:s5+$0x80];
	_ =	sdelay $0x4  }
0x6c: {  	v49 =	vadd.s32 v1, v31  }
0x6d: {  	vm13 =	vlt.s32 v31, v2;
	v31 =	vshll.u32 v49, $0x7  }
0x6e: {  	v31 =	vor.u32 v21, v31;
	_ =	sdelay $0x4  }
0x6f: {  	[tilespmem:v31+s24+$0x0] =	vst.idx.msk vm13, v23  }
0x70: {  	v31 =	vld [tilespmem:s5+$0x10];
	_ =	sdelay $0x4  }
0x71: {  	v50 =	vsub.s32 v31, v0  }
0x72: {  	vm14 =	vge.s32 v31, v0;
	v31 =	vshll.u32 v50, $0x7  }
0x73: {  	v31 =	vor.u32 v24, v31;
	_ =	sdelay $0x4  }
0x74: {  	[tilespmem:v31+s24+$0x0] =	vst.idx.msk vm14, v23  }
0x75: {  	v31 =	vld [tilespmem:s5+$0x90];
	_ =	sdelay $0x4  }
0x76: {  	v51 =	vadd.s32 v1, v31  }
0x77: {  	vm15 =	vlt.s32 v31, v2;
	v31 =	vshll.u32 v51, $0x7  }
0x78: {  	v31 =	vor.u32 v24, v31;
	_ =	sdelay $0x4  }
0x79: {  	[tilespmem:v31+s24+$0x0] =	vst.idx.msk vm15, v23  }
0x7a: {  	v31 =	vld [tilespmem:s5+$0x20];
	_ =	sdelay $0x4  }
0x7b: {  	v52 =	vsub.s32 v31, v0  }
0x7c: {  	vm4 =	vge.s32 v31, v0;
	v31 =	vshll.u32 v52, $0x7  }
0x7d: {  	v31 =	vor.u32 v25, v31;
	_ =	sdelay $0x4  }
0x7e: {  	[tilespmem:v31+s24+$0x0] =	vst.idx.msk vm4, v23  }
0x7f: {  	v31 =	vld [tilespmem:s5+$0xA0];
	_ =	sdelay $0x4  }
0x80: {  	v53 =	vadd.s32 v1, v31  }
0x81: {  	vm5 =	vlt.s32 v31, v2;
	v31 =	vshll.u32 v53, $0x7  }
0x82: {  	v31 =	vor.u32 v25, v31;
	_ =	sdelay $0x4  }
0x83: {  	[tilespmem:v31+s24+$0x0] =	vst.idx.msk vm5, v23  }
0x84: {  	v31 =	vld [tilespmem:s5+$0x30];
	_ =	sdelay $0x4  }
0x85: {  	v54 =	vsub.s32 v31, v0  }
0x86: {  	vm6 =	vge.s32 v31, v0;
	v31 =	vshll.u32 v54, $0x7  }
0x87: {  	v31 =	vor.u32 v26, v31;
	_ =	sdelay $0x4  }
0x88: {  	[tilespmem:v31+s24+$0x0] =	vst.idx.msk vm6, v23  }
0x89: {  	v31 =	vld [tilespmem:s5+$0xB0];
	_ =	sdelay $0x4  }
0x8a: {  	v55 =	vadd.s32 v1, v31  }
0x8b: {  	vm7 =	vlt.s32 v31, v2;
	v31 =	vshll.u32 v55, $0x7  }
0x8c: {  	v31 =	vor.u32 v26, v31;
	_ =	sdelay $0x4  }
0x8d: {  	[tilespmem:v31+s24+$0x0] =	vst.idx.msk vm7, v23  }
0x8e: {  	v31 =	vld [tilespmem:s5+$0x40];
	_ =	sdelay $0x4  }
0x8f: {  	v56 =	vsub.s32 v31, v0  }
0x90: {  	vm8 =	vge.s32 v31, v0;
	v31 =	vshll.u32 v56, $0x7  }
0x91: {  	v31 =	vor.u32 v27, v31;
	_ =	sdelay $0x4  }
0x92: {  	[tilespmem:v31+s24+$0x0] =	vst.idx.msk vm8, v23  }
0x93: {  	v31 =	vld [tilespmem:s5+$0xC0];
	_ =	sdelay $0x4  }
0x94: {  	v57 =	vadd.s32 v1, v31  }
0x95: {  	vm9 =	vlt.s32 v31, v2;
	v31 =	vshll.u32 v57, $0x7  }
0x96: {  	v31 =	vor.u32 v27, v31;
	_ =	sdelay $0x4  }
0x97: {  	[tilespmem:v31+s24+$0x0] =	vst.idx.msk vm9, v23  }
0x98: {  	v31 =	vld [tilespmem:s5+$0x50];
	_ =	sdelay $0x4  }
0x99: {  	v58 =	vsub.s32 v31, v0  }
0x9a: {  	vm10 =	vge.s32 v31, v0;
	v31 =	vshll.u32 v58, $0x7  }
0x9b: {  	v31 =	vor.u32 v28, v31;
	_ =	sdelay $0x4  }
0x9c: {  	[tilespmem:v31+s24+$0x0] =	vst.idx.msk vm10, v23  }
0x9d: {  	v31 =	vld [tilespmem:s5+$0xD0];
	_ =	sdelay $0x4  }
0x9e: {  	v59 =	vadd.s32 v1, v31  }
0x9f: {  	vm11 =	vlt.s32 v31, v2;
	v31 =	vshll.u32 v59, $0x7  }
0xa0: {  	v31 =	vor.u32 v28, v31;
	_ =	sdelay $0x4  }
0xa1: {  	[tilespmem:v31+s24+$0x0] =	vst.idx.msk vm11, v23  }
0xa2: {  	v31 =	vld [tilespmem:s5+$0x60];
	_ =	sdelay $0x4  }
0xa3: {  	v60 =	vsub.s32 v31, v0  }
0xa4: {  	vm12 =	vge.s32 v31, v0;
	v31 =	vshll.u32 v60, $0x7  }
0xa5: {  	v31 =	vor.u32 v29, v31;
	_ =	sdelay $0x4  }
0xa6: {  	[tilespmem:v31+s24+$0x0] =	vst.idx.msk vm12, v23  }
0xa7: {  	v31 =	vld [tilespmem:s5+$0xE0];
	_ =	sdelay $0x4  }
0xa8: {  	v61 =	vadd.s32 v1, v31  }
0xa9: {  	vm13 =	vlt.s32 v31, v2;
	v31 =	vshll.u32 v61, $0x7  }
0xaa: {  	v31 =	vor.u32 v29, v31;
	_ =	sdelay $0x4  }
0xab: {  	[tilespmem:v31+s24+$0x0] =	vst.idx.msk vm13, v23  }
0xac: {  	v31 =	vld [tilespmem:s5+$0x70];
	_ =	sdelay $0x4  }
0xad: {  	v62 =	vsub.s32 v31, v0  }
0xae: {  	vm14 =	vge.s32 v31, v0;
	v31 =	vshll.u32 v62, $0x7  }
0xaf: {  	v31 =	vor.u32 v30, v31;
	_ =	sdelay $0x4  }
0xb0: {  	[tilespmem:v31+s24+$0x0] =	vst.idx.msk vm14, v23  }
0xb1: {  	v31 =	vld [tilespmem:s5+$0xF0];
	_ =	sdelay $0x4  }
0xb2: {  	v63 =	vadd.s32 v1, v31  }
0xb3: {  	vm15 =	vlt.s32 v31, v2;
	v31 =	vshll.u32 v63, $0x7  }
0xb4: {  	v31 =	vor.u32 v30, v31;
	_ =	sdelay $0x4  }
0xb5: {  	s30 =	simm.s32 $0x0;
	s31 =	simm.s32 $0x800;
	[tilespmem:v31+s24+$0x0] =	vst.idx.msk vm15, v23  }
0xb6: {  	[hbm4b:s6+s20] =	stream.strided.scatter [tilespmem:s24], [sflag:$0x1], $0x3400, s21, s20, $0x38;
	[tilespmem:$0x7800] =	vst v63  }
.LBB2_4:
0xb7: {  	p0 =	sne.s32 s31, $0xC800;
	[tilespmem:s30+$0x45F0] =	vst v22  }
0xb8: {  	[tilespmem:s30+$0x4400] =	vst v22  }
0xb9: {  	[tilespmem:s30+$0x4410] =	vst v22  }
0xba: {  	[tilespmem:s30+$0x4420] =	vst v22  }
0xbb: {  	[tilespmem:s30+$0x4430] =	vst v22  }
0xbc: {  	[tilespmem:s30+$0x4440] =	vst v22  }
0xbd: {  	[tilespmem:s30+$0x4450] =	vst v22  }
0xbe: {  	[tilespmem:s30+$0x4460] =	vst v22  }
0xbf: {  	[tilespmem:s30+$0x4470] =	vst v22  }
0xc0: {  	[tilespmem:s30+$0x4480] =	vst v22  }
0xc1: {  	[tilespmem:s30+$0x4490] =	vst v22  }
0xc2: {  	[tilespmem:s30+$0x44A0] =	vst v22  }
0xc3: {  	[tilespmem:s30+$0x44B0] =	vst v22  }
0xc4: {  	[tilespmem:s30+$0x44C0] =	vst v22  }
0xc5: {  	[tilespmem:s30+$0x44D0] =	vst v22  }
0xc6: {  	[tilespmem:s30+$0x44E0] =	vst v22  }
0xc7: {  	[tilespmem:s30+$0x44F0] =	vst v22  }
0xc8: {  	[tilespmem:s30+$0x4500] =	vst v22  }
0xc9: {  	[tilespmem:s30+$0x4510] =	vst v22  }
0xca: {  	[tilespmem:s30+$0x4520] =	vst v22  }
0xcb: {  	[tilespmem:s30+$0x4530] =	vst v22  }
0xcc: {  	[tilespmem:s30+$0x4540] =	vst v22  }
0xcd: {  	[tilespmem:s30+$0x4550] =	vst v22  }
0xce: {  	[tilespmem:s30+$0x4560] =	vst v22  }
0xcf: {  	[tilespmem:s30+$0x4570] =	vst v22  }
0xd0: {  	[tilespmem:s30+$0x4580] =	vst v22  }
0xd1: {  	[tilespmem:s30+$0x4590] =	vst v22  }
.Ltmp1:
0xd2: {  	[tilespmem:s30+$0x45A0] =	vst v22;
	(pc) =	sbr.rel @p0 .LBB2_4-.Ltmp1, $4  }
0xd3: {  	[tilespmem:s30+$0x45B0] =	vst v22  }
0xd4: {  	[tilespmem:s30+$0x45C0] =	vst v22  }
0xd5: {  	[tilespmem:s30+$0x45D0] =	vst v22  }
0xd6: {  	[tilespmem:s30+$0x45E0] =	vst v22;
	s30 =	sshra.s32 s31, $0x2;
	s31 =	sadd.s32 $0x800, s31  }
0xd7: {  	[tilespmem:s30+$0x45F0] =	vst v22  }
0xd8: {  	[tilespmem:s30+$0x4400] =	vst v22  }
0xd9: {  	[tilespmem:s30+$0x4410] =	vst v22  }
0xda: {  	[tilespmem:s30+$0x4420] =	vst v22  }
0xdb: {  	[tilespmem:s30+$0x4430] =	vst v22  }
0xdc: {  	[tilespmem:s30+$0x4440] =	vst v22  }
0xdd: {  	[tilespmem:s30+$0x4450] =	vst v22  }
0xde: {  	[tilespmem:s30+$0x4460] =	vst v22  }
0xdf: {  	[tilespmem:s30+$0x4470] =	vst v22  }
0xe0: {  	[tilespmem:s30+$0x4480] =	vst v22  }
0xe1: {  	[tilespmem:s30+$0x4490] =	vst v22  }
0xe2: {  	[tilespmem:s30+$0x44A0] =	vst v22  }
0xe3: {  	[tilespmem:s30+$0x44B0] =	vst v22  }
0xe4: {  	[tilespmem:s30+$0x44C0] =	vst v22  }
0xe5: {  	[tilespmem:s30+$0x44D0] =	vst v22  }
0xe6: {  	[tilespmem:s30+$0x44E0] =	vst v22  }
0xe7: {  	[tilespmem:s30+$0x44F0] =	vst v22  }
0xe8: {  	[tilespmem:s30+$0x4500] =	vst v22  }
0xe9: {  	[tilespmem:s30+$0x4510] =	vst v22  }
0xea: {  	[tilespmem:s30+$0x4520] =	vst v22  }
0xeb: {  	[tilespmem:s30+$0x4530] =	vst v22  }
0xec: {  	[tilespmem:s30+$0x4540] =	vst v22  }
0xed: {  	[tilespmem:s30+$0x4550] =	vst v22  }
0xee: {  	[tilespmem:s30+$0x4560] =	vst v22  }
0xef: {  	[tilespmem:s30+$0x4570] =	vst v22  }
0xf0: {  	[tilespmem:s30+$0x4580] =	vst v22  }
0xf1: {  	[tilespmem:s30+$0x4590] =	vst v22  }
0xf2: {  	[tilespmem:s30+$0x45A0] =	vst v22  }
0xf3: {  	[tilespmem:s30+$0x45B0] =	vst v22  }
0xf4: {  	[tilespmem:s30+$0x45C0] =	vst v22  }
0xf5: {  	[tilespmem:s30+$0x45D0] =	vst v22  }
0xf6: {  	[tilespmem:s30+$0x45E0] =	vst v22  }
0xf7: {  	v31 =	vld [tilespmem:s7+$0x0];
	_ =	sdelay $0x4  }
0xf8: {  	v32 =	vsub.s32 v31, v3  }
0xf9: {  	vm0 =	vge.s32 v31, v3;
	v31 =	vshll.u32 v32, $0x7  }
0xfa: {  	v31 =	vor.u32 v21, v31;
	_ =	sdelay $0x4  }
0xfb: {  	[tilespmem:v31+s25+$0x0] =	vst.idx.msk vm0, v23  }
0xfc: {  	v31 =	vld [tilespmem:s7+$0x80];
	_ =	sdelay $0x4  }
0xfd: {  	v57 =	vadd.s32 v4, v31  }
0xfe: {  	vm9 =	vlt.s32 v31, v5;
	v31 =	vshll.u32 v57, $0x7  }
0xff: {  	v31 =	vor.u32 v21, v31;
	_ =	sdelay $0x4  }
0x100: {  	[tilespmem:v31+s25+$0x0] =	vst.idx.msk vm9, v23  }
0x101: {  	v31 =	vld [tilespmem:s7+$0x10];
	_ =	sdelay $0x4  }
0x102: {  	v58 =	vsub.s32 v31, v3  }
0x103: {  	vm10 =	vge.s32 v31, v3;
	v31 =	vshll.u32 v58, $0x7  }
0x104: {  	v31 =	vor.u32 v24, v31;
	_ =	sdelay $0x4  }
0x105: {  	[tilespmem:v31+s25+$0x0] =	vst.idx.msk vm10, v23  }
0x106: {  	v31 =	vld [tilespmem:s7+$0x90];
	_ =	sdelay $0x4  }
0x107: {  	v59 =	vadd.s32 v4, v31  }
0x108: {  	vm11 =	vlt.s32 v31, v5;
	v31 =	vshll.u32 v59, $0x7  }
0x109: {  	v31 =	vor.u32 v24, v31;
	_ =	sdelay $0x4  }
0x10a: {  	[tilespmem:v31+s25+$0x0] =	vst.idx.msk vm11, v23  }
0x10b: {  	v31 =	vld [tilespmem:s7+$0x20];
	_ =	sdelay $0x4  }
0x10c: {  	v60 =	vsub.s32 v31, v3  }
0x10d: {  	vm12 =	vge.s32 v31, v3;
	v31 =	vshll.u32 v60, $0x7  }
0x10e: {  	v31 =	vor.u32 v25, v31;
	_ =	sdelay $0x4  }
0x10f: {  	[tilespmem:v31+s25+$0x0] =	vst.idx.msk vm12, v23  }
0x110: {  	v31 =	vld [tilespmem:s7+$0xA0];
	_ =	sdelay $0x4  }
0x111: {  	v61 =	vadd.s32 v4, v31  }
0x112: {  	vm13 =	vlt.s32 v31, v5;
	v31 =	vshll.u32 v61, $0x7  }
0x113: {  	v31 =	vor.u32 v25, v31;
	_ =	sdelay $0x4  }
0x114: {  	[tilespmem:v31+s25+$0x0] =	vst.idx.msk vm13, v23  }
0x115: {  	v31 =	vld [tilespmem:s7+$0x30];
	_ =	sdelay $0x4  }
0x116: {  	v62 =	vsub.s32 v31, v3  }
0x117: {  	vm14 =	vge.s32 v31, v3;
	v31 =	vshll.u32 v62, $0x7  }
0x118: {  	v31 =	vor.u32 v26, v31;
	_ =	sdelay $0x4  }
0x119: {  	[tilespmem:v31+s25+$0x0] =	vst.idx.msk vm14, v23  }
0x11a: {  	v31 =	vld [tilespmem:s7+$0xB0];
	_ =	sdelay $0x4  }
0x11b: {  	v63 =	vadd.s32 v4, v31  }
0x11c: {  	vm15 =	vlt.s32 v31, v5;
	v31 =	vshll.u32 v63, $0x7  }
0x11d: {  	v31 =	vor.u32 v26, v31;
	_ =	sdelay $0x4  }
0x11e: {  	[tilespmem:v31+s25+$0x0] =	vst.idx.msk vm15, v23  }
0x11f: {  	v31 =	vld [tilespmem:s7+$0x40];
	_ =	sdelay $0x4  }
0x120: {  	v36 =	vsub.s32 v31, v3  }
0x121: {  	vm4 =	vge.s32 v31, v3;
	v31 =	vshll.u32 v36, $0x7  }
0x122: {  	v31 =	vor.u32 v27, v31;
	_ =	sdelay $0x4  }
0x123: {  	[tilespmem:v31+s25+$0x0] =	vst.idx.msk vm4, v23  }
0x124: {  	v31 =	vld [tilespmem:s7+$0xC0];
	_ =	sdelay $0x4  }
0x125: {  	v37 =	vadd.s32 v4, v31  }
0x126: {  	vm5 =	vlt.s32 v31, v5;
	v31 =	vshll.u32 v37, $0x7  }
0x127: {  	v31 =	vor.u32 v27, v31;
	_ =	sdelay $0x4  }
0x128: {  	[tilespmem:v31+s25+$0x0] =	vst.idx.msk vm5, v23  }
0x129: {  	v31 =	vld [tilespmem:s7+$0x50];
	_ =	sdelay $0x4  }
0x12a: {  	v38 =	vsub.s32 v31, v3  }
0x12b: {  	vm6 =	vge.s32 v31, v3;
	v31 =	vshll.u32 v38, $0x7  }
0x12c: {  	v31 =	vor.u32 v28, v31;
	_ =	sdelay $0x4  }
0x12d: {  	[tilespmem:v31+s25+$0x0] =	vst.idx.msk vm6, v23  }
0x12e: {  	v31 =	vld [tilespmem:s7+$0xD0];
	_ =	sdelay $0x4  }
0x12f: {  	v39 =	vadd.s32 v4, v31  }
0x130: {  	vm7 =	vlt.s32 v31, v5;
	v31 =	vshll.u32 v39, $0x7  }
0x131: {  	v31 =	vor.u32 v28, v31;
	_ =	sdelay $0x4  }
0x132: {  	[tilespmem:v31+s25+$0x0] =	vst.idx.msk vm7, v23  }
0x133: {  	v31 =	vld [tilespmem:s7+$0x60];
	_ =	sdelay $0x4  }
0x134: {  	v40 =	vsub.s32 v31, v3  }
0x135: {  	vm8 =	vge.s32 v31, v3;
	v31 =	vshll.u32 v40, $0x7  }
0x136: {  	v31 =	vor.u32 v29, v31;
	_ =	sdelay $0x4  }
0x137: {  	[tilespmem:v31+s25+$0x0] =	vst.idx.msk vm8, v23  }
0x138: {  	v31 =	vld [tilespmem:s7+$0xE0];
	_ =	sdelay $0x4  }
0x139: {  	v41 =	vadd.s32 v4, v31  }
0x13a: {  	vm9 =	vlt.s32 v31, v5;
	v31 =	vshll.u32 v41, $0x7  }
0x13b: {  	v31 =	vor.u32 v29, v31;
	_ =	sdelay $0x4  }
0x13c: {  	[tilespmem:v31+s25+$0x0] =	vst.idx.msk vm9, v23  }
0x13d: {  	v31 =	vld [tilespmem:s7+$0x70];
	_ =	sdelay $0x4  }
0x13e: {  	v42 =	vsub.s32 v31, v3  }
0x13f: {  	vm10 =	vge.s32 v31, v3;
	v31 =	vshll.u32 v42, $0x7  }
0x140: {  	v31 =	vor.u32 v30, v31;
	_ =	sdelay $0x4  }
0x141: {  	[tilespmem:v31+s25+$0x0] =	vst.idx.msk vm10, v23  }
0x142: {  	v31 =	vld [tilespmem:s7+$0xF0];
	_ =	sdelay $0x4  }
0x143: {  	v43 =	vadd.s32 v4, v31  }
0x144: {  	vm11 =	vlt.s32 v31, v5;
	v31 =	vshll.u32 v43, $0x7  }
0x145: {  	v31 =	vor.u32 v30, v31;
	_ =	sdelay $0x4  }
0x146: {  	[tilespmem:v31+s25+$0x0] =	vst.idx.msk vm11, v23  }
0x147: {  	[hbm4b:s8+s20] =	stream.strided.scatter [tilespmem:s25], [sflag:$0x2], $0x3400, s21, s20, $0x38;
	[tilespmem:$0x7800] =	vst v63  }
0x148: {  	_ =	swait.ge [sflag:s26], $0x3400  }
0x149: {  	[sflag:s26] =	ssyncset.done $0x0  }
0x14a: {  	[sflag:s26] =	ssyncadd.s32 $0xFFFFCC00  }
0x14b: {  	v31 =	vld [tilespmem:s5+$0x0];
	_ =	sdelay $0x4  }
0x14c: {  	v44 =	vsub.s32 v31, v0  }
0x14d: {  	vm12 =	vge.s32 v31, v0;
	v31 =	vshll.u32 v44, $0x7  }
0x14e: {  	v31 =	vor.u32 v21, v31;
	_ =	sdelay $0x4  }
0x14f: {  	[tilespmem:v31+s24+$0x0] =	vst.idx.msk vm12, v22  }
0x150: {  	v31 =	vld [tilespmem:s5+$0x80];
	_ =	sdelay $0x4  }
0x151: {  	v45 =	vadd.s32 v1, v31  }
0x152: {  	vm13 =	vlt.s32 v31, v2;
	v31 =	vshll.u32 v45, $0x7  }
0x153: {  	v31 =	vor.u32 v21, v31;
	_ =	sdelay $0x4  }
0x154: {  	[tilespmem:v31+s24+$0x0] =	vst.idx.msk vm13, v22  }
0x155: {  	v31 =	vld [tilespmem:s5+$0x10];
	_ =	sdelay $0x4  }
0x156: {  	v46 =	vsub.s32 v31, v0  }
0x157: {  	vm14 =	vge.s32 v31, v0;
	v31 =	vshll.u32 v46, $0x7  }
0x158: {  	v31 =	vor.u32 v24, v31;
	_ =	sdelay $0x4  }
0x159: {  	[tilespmem:v31+s24+$0x0] =	vst.idx.msk vm14, v22  }
0x15a: {  	v31 =	vld [tilespmem:s5+$0x90];
	_ =	sdelay $0x4  }
0x15b: {  	v47 =	vadd.s32 v1, v31  }
0x15c: {  	vm15 =	vlt.s32 v31, v2;
	v31 =	vshll.u32 v47, $0x7  }
0x15d: {  	v31 =	vor.u32 v24, v31;
	_ =	sdelay $0x4  }
0x15e: {  	[tilespmem:v31+s24+$0x0] =	vst.idx.msk vm15, v22  }
0x15f: {  	v31 =	vld [tilespmem:s5+$0x20];
	_ =	sdelay $0x4  }
0x160: {  	v48 =	vsub.s32 v31, v0  }
0x161: {  	vm4 =	vge.s32 v31, v0;
	v31 =	vshll.u32 v48, $0x7  }
0x162: {  	v31 =	vor.u32 v25, v31;
	_ =	sdelay $0x4  }
0x163: {  	[tilespmem:v31+s24+$0x0] =	vst.idx.msk vm4, v22  }
0x164: {  	v31 =	vld [tilespmem:s5+$0xA0];
	_ =	sdelay $0x4  }
0x165: {  	v49 =	vadd.s32 v1, v31  }
0x166: {  	vm5 =	vlt.s32 v31, v2;
	v31 =	vshll.u32 v49, $0x7  }
0x167: {  	v31 =	vor.u32 v25, v31;
	_ =	sdelay $0x4  }
0x168: {  	[tilespmem:v31+s24+$0x0] =	vst.idx.msk vm5, v22  }
0x169: {  	v31 =	vld [tilespmem:s5+$0x30];
	_ =	sdelay $0x4  }
0x16a: {  	v50 =	vsub.s32 v31, v0  }
0x16b: {  	vm6 =	vge.s32 v31, v0;
	v31 =	vshll.u32 v50, $0x7  }
0x16c: {  	v31 =	vor.u32 v26, v31;
	_ =	sdelay $0x4  }
0x16d: {  	[tilespmem:v31+s24+$0x0] =	vst.idx.msk vm6, v22  }
0x16e: {  	v31 =	vld [tilespmem:s5+$0xB0];
	_ =	sdelay $0x4  }
0x16f: {  	v51 =	vadd.s32 v1, v31  }
0x170: {  	vm7 =	vlt.s32 v31, v2;
	v31 =	vshll.u32 v51, $0x7  }
0x171: {  	v31 =	vor.u32 v26, v31;
	_ =	sdelay $0x4  }
0x172: {  	[tilespmem:v31+s24+$0x0] =	vst.idx.msk vm7, v22  }
0x173: {  	v31 =	vld [tilespmem:s5+$0x40];
	_ =	sdelay $0x4  }
0x174: {  	v52 =	vsub.s32 v31, v0  }
0x175: {  	vm8 =	vge.s32 v31, v0;
	v31 =	vshll.u32 v52, $0x7  }
0x176: {  	v31 =	vor.u32 v27, v31;
	_ =	sdelay $0x4  }
0x177: {  	[tilespmem:v31+s24+$0x0] =	vst.idx.msk vm8, v22  }
0x178: {  	v31 =	vld [tilespmem:s5+$0xC0];
	_ =	sdelay $0x4  }
0x179: {  	v53 =	vadd.s32 v1, v31  }
0x17a: {  	vm9 =	vlt.s32 v31, v2;
	v31 =	vshll.u32 v53, $0x7  }
0x17b: {  	v31 =	vor.u32 v27, v31;
	_ =	sdelay $0x4  }
0x17c: {  	[tilespmem:v31+s24+$0x0] =	vst.idx.msk vm9, v22  }
0x17d: {  	v31 =	vld [tilespmem:s5+$0x50];
	_ =	sdelay $0x4  }
0x17e: {  	v54 =	vsub.s32 v31, v0  }
0x17f: {  	vm10 =	vge.s32 v31, v0;
	v31 =	vshll.u32 v54, $0x7  }
0x180: {  	v31 =	vor.u32 v28, v31;
	_ =	sdelay $0x4  }
0x181: {  	[tilespmem:v31+s24+$0x0] =	vst.idx.msk vm10, v22  }
0x182: {  	v31 =	vld [tilespmem:s5+$0xD0];
	_ =	sdelay $0x4  }
0x183: {  	v55 =	vadd.s32 v1, v31  }
0x184: {  	vm11 =	vlt.s32 v31, v2;
	v31 =	vshll.u32 v55, $0x7  }
0x185: {  	v31 =	vor.u32 v28, v31;
	_ =	sdelay $0x4  }
0x186: {  	[tilespmem:v31+s24+$0x0] =	vst.idx.msk vm11, v22  }
0x187: {  	v31 =	vld [tilespmem:s5+$0x60];
	_ =	sdelay $0x4  }
0x188: {  	v56 =	vsub.s32 v31, v0  }
0x189: {  	vm12 =	vge.s32 v31, v0;
	v31 =	vshll.u32 v56, $0x7  }
0x18a: {  	v31 =	vor.u32 v29, v31;
	_ =	sdelay $0x4  }
0x18b: {  	[tilespmem:v31+s24+$0x0] =	vst.idx.msk vm12, v22  }
0x18c: {  	v31 =	vld [tilespmem:s5+$0xE0];
	_ =	sdelay $0x4  }
0x18d: {  	v57 =	vadd.s32 v1, v31  }
0x18e: {  	vm13 =	vlt.s32 v31, v2;
	v31 =	vshll.u32 v57, $0x7  }
0x18f: {  	v31 =	vor.u32 v29, v31;
	_ =	sdelay $0x4  }
0x190: {  	[tilespmem:v31+s24+$0x0] =	vst.idx.msk vm13, v22  }
0x191: {  	v31 =	vld [tilespmem:s5+$0x70];
	_ =	sdelay $0x4  }
0x192: {  	v58 =	vsub.s32 v31, v0  }
0x193: {  	vm14 =	vge.s32 v31, v0;
	v31 =	vshll.u32 v58, $0x7  }
0x194: {  	v31 =	vor.u32 v30, v31;
	_ =	sdelay $0x4  }
0x195: {  	[tilespmem:v31+s24+$0x0] =	vst.idx.msk vm14, v22  }
0x196: {  	v31 =	vld [tilespmem:s5+$0xF0];
	_ =	sdelay $0x4  }
0x197: {  	v59 =	vadd.s32 v1, v31  }
0x198: {  	vm15 =	vlt.s32 v31, v2;
	v31 =	vshll.u32 v59, $0x7  }
0x199: {  	v31 =	vor.u32 v30, v31;
	_ =	sdelay $0x4  }
0x19a: {  	[tilespmem:v31+s24+$0x0] =	vst.idx.msk vm15, v22  }
0x19b: {  	v31 =	vld [tilespmem:s9+$0x0];
	_ =	sdelay $0x4  }
0x19c: {  	v60 =	vsub.s32 v31, v6  }
0x19d: {  	vm4 =	vge.s32 v31, v6;
	v31 =	vshll.u32 v60, $0x7  }
0x19e: {  	v31 =	vor.u32 v21, v31;
	_ =	sdelay $0x4  }
0x19f: {  	[tilespmem:v31+s24+$0x0] =	vst.idx.msk vm4, v23  }
0x1a0: {  	v31 =	vld [tilespmem:s9+$0x80];
	_ =	sdelay $0x4  }
0x1a1: {  	v61 =	vadd.s32 v7, v31  }
0x1a2: {  	vm5 =	vlt.s32 v31, v8;
	v31 =	vshll.u32 v61, $0x7  }
0x1a3: {  	v31 =	vor.u32 v21, v31;
	_ =	sdelay $0x4  }
0x1a4: {  	[tilespmem:v31+s24+$0x0] =	vst.idx.msk vm5, v23  }
0x1a5: {  	v31 =	vld [tilespmem:s9+$0x10];
	_ =	sdelay $0x4  }
0x1a6: {  	v62 =	vsub.s32 v31, v6  }
0x1a7: {  	vm6 =	vge.s32 v31, v6;
	v31 =	vshll.u32 v62, $0x7  }
0x1a8: {  	v31 =	vor.u32 v24, v31;
	_ =	sdelay $0x4  }
0x1a9: {  	[tilespmem:v31+s24+$0x0] =	vst.idx.msk vm6, v23  }
0x1aa: {  	v31 =	vld [tilespmem:s9+$0x90];
	_ =	sdelay $0x4  }
0x1ab: {  	v63 =	vadd.s32 v7, v31  }
0x1ac: {  	vm7 =	vlt.s32 v31, v8;
	v31 =	vshll.u32 v63, $0x7  }
0x1ad: {  	v31 =	vor.u32 v24, v31;
	_ =	sdelay $0x4  }
0x1ae: {  	[tilespmem:v31+s24+$0x0] =	vst.idx.msk vm7, v23  }
0x1af: {  	v31 =	vld [tilespmem:s9+$0x20];
	_ =	sdelay $0x4  }
0x1b0: {  	v36 =	vsub.s32 v31, v6  }
0x1b1: {  	vm8 =	vge.s32 v31, v6;
	v31 =	vshll.u32 v36, $0x7  }
0x1b2: {  	v31 =	vor.u32 v25, v31;
	_ =	sdelay $0x4  }
0x1b3: {  	[tilespmem:v31+s24+$0x0] =	vst.idx.msk vm8, v23  }
0x1b4: {  	v31 =	vld [tilespmem:s9+$0xA0];
	_ =	sdelay $0x4  }
0x1b5: {  	v37 =	vadd.s32 v7, v31  }
0x1b6: {  	vm9 =	vlt.s32 v31, v8;
	v31 =	vshll.u32 v37, $0x7  }
0x1b7: {  	v31 =	vor.u32 v25, v31;
	_ =	sdelay $0x4  }
0x1b8: {  	[tilespmem:v31+s24+$0x0] =	vst.idx.msk vm9, v23  }
0x1b9: {  	v31 =	vld [tilespmem:s9+$0x30];
	_ =	sdelay $0x4  }
0x1ba: {  	v38 =	vsub.s32 v31, v6  }
0x1bb: {  	vm10 =	vge.s32 v31, v6;
	v31 =	vshll.u32 v38, $0x7  }
0x1bc: {  	v31 =	vor.u32 v26, v31;
	_ =	sdelay $0x4  }
0x1bd: {  	[tilespmem:v31+s24+$0x0] =	vst.idx.msk vm10, v23  }
0x1be: {  	v31 =	vld [tilespmem:s9+$0xB0];
	_ =	sdelay $0x4  }
0x1bf: {  	v39 =	vadd.s32 v7, v31  }
0x1c0: {  	vm11 =	vlt.s32 v31, v8;
	v31 =	vshll.u32 v39, $0x7  }
0x1c1: {  	v31 =	vor.u32 v26, v31;
	_ =	sdelay $0x4  }
0x1c2: {  	[tilespmem:v31+s24+$0x0] =	vst.idx.msk vm11, v23  }
0x1c3: {  	v31 =	vld [tilespmem:s9+$0x40];
	_ =	sdelay $0x4  }
0x1c4: {  	v40 =	vsub.s32 v31, v6  }
0x1c5: {  	vm12 =	vge.s32 v31, v6;
	v31 =	vshll.u32 v40, $0x7  }
0x1c6: {  	v31 =	vor.u32 v27, v31;
	_ =	sdelay $0x4  }
0x1c7: {  	[tilespmem:v31+s24+$0x0] =	vst.idx.msk vm12, v23  }
0x1c8: {  	v31 =	vld [tilespmem:s9+$0xC0];
	_ =	sdelay $0x4  }
0x1c9: {  	v41 =	vadd.s32 v7, v31  }
0x1ca: {  	vm13 =	vlt.s32 v31, v8;
	v31 =	vshll.u32 v41, $0x7  }
0x1cb: {  	v31 =	vor.u32 v27, v31;
	_ =	sdelay $0x4  }
0x1cc: {  	[tilespmem:v31+s24+$0x0] =	vst.idx.msk vm13, v23  }
0x1cd: {  	v31 =	vld [tilespmem:s9+$0x50];
	_ =	sdelay $0x4  }
0x1ce: {  	v42 =	vsub.s32 v31, v6  }
0x1cf: {  	vm14 =	vge.s32 v31, v6;
	v31 =	vshll.u32 v42, $0x7  }
0x1d0: {  	v31 =	vor.u32 v28, v31;
	_ =	sdelay $0x4  }
0x1d1: {  	[tilespmem:v31+s24+$0x0] =	vst.idx.msk vm14, v23  }
0x1d2: {  	v31 =	vld [tilespmem:s9+$0xD0];
	_ =	sdelay $0x4  }
0x1d3: {  	v43 =	vadd.s32 v7, v31  }
0x1d4: {  	vm15 =	vlt.s32 v31, v8;
	v31 =	vshll.u32 v43, $0x7  }
0x1d5: {  	v31 =	vor.u32 v28, v31;
	_ =	sdelay $0x4  }
0x1d6: {  	[tilespmem:v31+s24+$0x0] =	vst.idx.msk vm15, v23  }
0x1d7: {  	v31 =	vld [tilespmem:s9+$0x60];
	_ =	sdelay $0x4  }
0x1d8: {  	v44 =	vsub.s32 v31, v6  }
0x1d9: {  	vm4 =	vge.s32 v31, v6;
	v31 =	vshll.u32 v44, $0x7  }
0x1da: {  	v31 =	vor.u32 v29, v31;
	_ =	sdelay $0x4  }
0x1db: {  	[tilespmem:v31+s24+$0x0] =	vst.idx.msk vm4, v23  }
0x1dc: {  	v31 =	vld [tilespmem:s9+$0xE0];
	_ =	sdelay $0x4  }
0x1dd: {  	v45 =	vadd.s32 v7, v31  }
0x1de: {  	vm5 =	vlt.s32 v31, v8;
	v31 =	vshll.u32 v45, $0x7  }
0x1df: {  	v31 =	vor.u32 v29, v31;
	_ =	sdelay $0x4  }
0x1e0: {  	[tilespmem:v31+s24+$0x0] =	vst.idx.msk vm5, v23  }
0x1e1: {  	v31 =	vld [tilespmem:s9+$0x70];
	_ =	sdelay $0x4  }
0x1e2: {  	v46 =	vsub.s32 v31, v6  }
0x1e3: {  	vm6 =	vge.s32 v31, v6;
	v31 =	vshll.u32 v46, $0x7  }
0x1e4: {  	v31 =	vor.u32 v30, v31;
	_ =	sdelay $0x4  }
0x1e5: {  	[tilespmem:v31+s24+$0x0] =	vst.idx.msk vm6, v23  }
0x1e6: {  	v31 =	vld [tilespmem:s9+$0xF0];
	_ =	sdelay $0x4  }
0x1e7: {  	v47 =	vadd.s32 v7, v31  }
0x1e8: {  	vm7 =	vlt.s32 v31, v8;
	v31 =	vshll.u32 v47, $0x7  }
0x1e9: {  	v31 =	vor.u32 v30, v31;
	_ =	sdelay $0x4  }
0x1ea: {  	[tilespmem:v31+s24+$0x0] =	vst.idx.msk vm7, v23  }
0x1eb: {  	[hbm4b:s10+s20] =	stream.strided.scatter [tilespmem:s24], [sflag:$0x1], $0x3400, s21, s20, $0x38;
	[tilespmem:$0x7800] =	vst v63  }
0x1ec: {  	_ =	swait.ge [sflag:s28], $0x3400  }
0x1ed: {  	[sflag:s28] =	ssyncset.done $0x0  }
0x1ee: {  	[sflag:s28] =	ssyncadd.s32 $0xFFFFCC00  }
0x1ef: {  	v31 =	vld [tilespmem:s7+$0x0];
	_ =	sdelay $0x4  }
0x1f0: {  	v48 =	vsub.s32 v31, v3  }
0x1f1: {  	vm8 =	vge.s32 v31, v3;
	v31 =	vshll.u32 v48, $0x7  }
0x1f2: {  	v31 =	vor.u32 v21, v31;
	_ =	sdelay $0x4  }
0x1f3: {  	[tilespmem:v31+s25+$0x0] =	vst.idx.msk vm8, v22  }
0x1f4: {  	v31 =	vld [tilespmem:s7+$0x80];
	_ =	sdelay $0x4  }
0x1f5: {  	v49 =	vadd.s32 v4, v31  }
0x1f6: {  	vm9 =	vlt.s32 v31, v5;
	v31 =	vshll.u32 v49, $0x7  }
0x1f7: {  	v31 =	vor.u32 v21, v31;
	_ =	sdelay $0x4  }
0x1f8: {  	[tilespmem:v31+s25+$0x0] =	vst.idx.msk vm9, v22  }
0x1f9: {  	v31 =	vld [tilespmem:s7+$0x10];
	_ =	sdelay $0x4  }
0x1fa: {  	v50 =	vsub.s32 v31, v3  }
0x1fb: {  	vm10 =	vge.s32 v31, v3;
	v31 =	vshll.u32 v50, $0x7  }
0x1fc: {  	v31 =	vor.u32 v24, v31;
	_ =	sdelay $0x4  }
0x1fd: {  	[tilespmem:v31+s25+$0x0] =	vst.idx.msk vm10, v22  }
0x1fe: {  	v31 =	vld [tilespmem:s7+$0x90];
	_ =	sdelay $0x4  }
0x1ff: {  	v51 =	vadd.s32 v4, v31  }
0x200: {  	vm11 =	vlt.s32 v31, v5;
	v31 =	vshll.u32 v51, $0x7  }
0x201: {  	v31 =	vor.u32 v24, v31;
	_ =	sdelay $0x4  }
0x202: {  	[tilespmem:v31+s25+$0x0] =	vst.idx.msk vm11, v22  }
0x203: {  	v31 =	vld [tilespmem:s7+$0x20];
	_ =	sdelay $0x4  }
0x204: {  	v52 =	vsub.s32 v31, v3  }
0x205: {  	vm12 =	vge.s32 v31, v3;
	v31 =	vshll.u32 v52, $0x7  }
0x206: {  	v31 =	vor.u32 v25, v31;
	_ =	sdelay $0x4  }
0x207: {  	[tilespmem:v31+s25+$0x0] =	vst.idx.msk vm12, v22  }
0x208: {  	v31 =	vld [tilespmem:s7+$0xA0];
	_ =	sdelay $0x4  }
0x209: {  	v53 =	vadd.s32 v4, v31  }
0x20a: {  	vm13 =	vlt.s32 v31, v5;
	v31 =	vshll.u32 v53, $0x7  }
0x20b: {  	v31 =	vor.u32 v25, v31;
	_ =	sdelay $0x4  }
0x20c: {  	[tilespmem:v31+s25+$0x0] =	vst.idx.msk vm13, v22  }
0x20d: {  	v31 =	vld [tilespmem:s7+$0x30];
	_ =	sdelay $0x4  }
0x20e: {  	v54 =	vsub.s32 v31, v3  }
0x20f: {  	vm14 =	vge.s32 v31, v3;
	v31 =	vshll.u32 v54, $0x7  }
0x210: {  	v31 =	vor.u32 v26, v31;
	_ =	sdelay $0x4  }
0x211: {  	[tilespmem:v31+s25+$0x0] =	vst.idx.msk vm14, v22  }
0x212: {  	v31 =	vld [tilespmem:s7+$0xB0];
	_ =	sdelay $0x4  }
0x213: {  	v55 =	vadd.s32 v4, v31  }
0x214: {  	vm15 =	vlt.s32 v31, v5;
	v31 =	vshll.u32 v55, $0x7  }
0x215: {  	v31 =	vor.u32 v26, v31;
	_ =	sdelay $0x4  }
0x216: {  	[tilespmem:v31+s25+$0x0] =	vst.idx.msk vm15, v22  }
0x217: {  	v31 =	vld [tilespmem:s7+$0x40];
	_ =	sdelay $0x4  }
0x218: {  	v56 =	vsub.s32 v31, v3  }
0x219: {  	vm4 =	vge.s32 v31, v3;
	v31 =	vshll.u32 v56, $0x7  }
0x21a: {  	v31 =	vor.u32 v27, v31;
	_ =	sdelay $0x4  }
0x21b: {  	[tilespmem:v31+s25+$0x0] =	vst.idx.msk vm4, v22  }
0x21c: {  	v31 =	vld [tilespmem:s7+$0xC0];
	_ =	sdelay $0x4  }
0x21d: {  	v57 =	vadd.s32 v4, v31  }
0x21e: {  	vm5 =	vlt.s32 v31, v5;
	v31 =	vshll.u32 v57, $0x7  }
0x21f: {  	v31 =	vor.u32 v27, v31;
	_ =	sdelay $0x4  }
0x220: {  	[tilespmem:v31+s25+$0x0] =	vst.idx.msk vm5, v22  }
0x221: {  	v31 =	vld [tilespmem:s7+$0x50];
	_ =	sdelay $0x4  }
0x222: {  	v58 =	vsub.s32 v31, v3  }
0x223: {  	vm6 =	vge.s32 v31, v3;
	v31 =	vshll.u32 v58, $0x7  }
0x224: {  	v31 =	vor.u32 v28, v31;
	_ =	sdelay $0x4  }
0x225: {  	[tilespmem:v31+s25+$0x0] =	vst.idx.msk vm6, v22  }
0x226: {  	v31 =	vld [tilespmem:s7+$0xD0];
	_ =	sdelay $0x4  }
0x227: {  	v59 =	vadd.s32 v4, v31  }
0x228: {  	vm7 =	vlt.s32 v31, v5;
	v31 =	vshll.u32 v59, $0x7  }
0x229: {  	v31 =	vor.u32 v28, v31;
	_ =	sdelay $0x4  }
0x22a: {  	[tilespmem:v31+s25+$0x0] =	vst.idx.msk vm7, v22  }
0x22b: {  	v31 =	vld [tilespmem:s7+$0x60];
	_ =	sdelay $0x4  }
0x22c: {  	v60 =	vsub.s32 v31, v3  }
0x22d: {  	vm8 =	vge.s32 v31, v3;
	v31 =	vshll.u32 v60, $0x7  }
0x22e: {  	v31 =	vor.u32 v29, v31;
	_ =	sdelay $0x4  }
0x22f: {  	[tilespmem:v31+s25+$0x0] =	vst.idx.msk vm8, v22  }
0x230: {  	v31 =	vld [tilespmem:s7+$0xE0];
	_ =	sdelay $0x4  }
0x231: {  	v61 =	vadd.s32 v4, v31  }
0x232: {  	vm9 =	vlt.s32 v31, v5;
	v31 =	vshll.u32 v61, $0x7  }
0x233: {  	v31 =	vor.u32 v29, v31;
	_ =	sdelay $0x4  }
0x234: {  	[tilespmem:v31+s25+$0x0] =	vst.idx.msk vm9, v22  }
0x235: {  	v31 =	vld [tilespmem:s7+$0x70];
	_ =	sdelay $0x4  }
0x236: {  	v62 =	vsub.s32 v31, v3  }
0x237: {  	vm10 =	vge.s32 v31, v3;
	v31 =	vshll.u32 v62, $0x7  }
0x238: {  	v31 =	vor.u32 v30, v31;
	_ =	sdelay $0x4  }
0x239: {  	[tilespmem:v31+s25+$0x0] =	vst.idx.msk vm10, v22  }
0x23a: {  	v31 =	vld [tilespmem:s7+$0xF0];
	_ =	sdelay $0x4  }
0x23b: {  	v63 =	vadd.s32 v4, v31  }
0x23c: {  	vm11 =	vlt.s32 v31, v5;
	v31 =	vshll.u32 v63, $0x7  }
0x23d: {  	v31 =	vor.u32 v30, v31;
	_ =	sdelay $0x4  }
0x23e: {  	[tilespmem:v31+s25+$0x0] =	vst.idx.msk vm11, v22  }
0x23f: {  	v31 =	vld [tilespmem:s11+$0x0];
	_ =	sdelay $0x4  }
0x240: {  	v36 =	vsub.s32 v31, v9  }
0x241: {  	vm12 =	vge.s32 v31, v9;
	v31 =	vshll.u32 v36, $0x7  }
0x242: {  	v31 =	vor.u32 v21, v31;
	_ =	sdelay $0x4  }
0x243: {  	[tilespmem:v31+s25+$0x0] =	vst.idx.msk vm12, v23  }
0x244: {  	v31 =	vld [tilespmem:s11+$0x80];
	_ =	sdelay $0x4  }
0x245: {  	v37 =	vadd.s32 v10, v31  }
0x246: {  	vm13 =	vlt.s32 v31, v11;
	v31 =	vshll.u32 v37, $0x7  }
0x247: {  	v31 =	vor.u32 v21, v31;
	_ =	sdelay $0x4  }
0x248: {  	[tilespmem:v31+s25+$0x0] =	vst.idx.msk vm13, v23  }
0x249: {  	v31 =	vld [tilespmem:s11+$0x10];
	_ =	sdelay $0x4  }
0x24a: {  	v38 =	vsub.s32 v31, v9  }
0x24b: {  	vm14 =	vge.s32 v31, v9;
	v31 =	vshll.u32 v38, $0x7  }
0x24c: {  	v31 =	vor.u32 v24, v31;
	_ =	sdelay $0x4  }
0x24d: {  	[tilespmem:v31+s25+$0x0] =	vst.idx.msk vm14, v23  }
0x24e: {  	v31 =	vld [tilespmem:s11+$0x90];
	_ =	sdelay $0x4  }
0x24f: {  	v39 =	vadd.s32 v10, v31  }
0x250: {  	vm15 =	vlt.s32 v31, v11;
	v31 =	vshll.u32 v39, $0x7  }
0x251: {  	v31 =	vor.u32 v24, v31;
	_ =	sdelay $0x4  }
0x252: {  	[tilespmem:v31+s25+$0x0] =	vst.idx.msk vm15, v23  }
0x253: {  	v31 =	vld [tilespmem:s11+$0x20];
	_ =	sdelay $0x4  }
0x254: {  	v40 =	vsub.s32 v31, v9  }
0x255: {  	vm4 =	vge.s32 v31, v9;
	v31 =	vshll.u32 v40, $0x7  }
0x256: {  	v31 =	vor.u32 v25, v31;
	_ =	sdelay $0x4  }
0x257: {  	[tilespmem:v31+s25+$0x0] =	vst.idx.msk vm4, v23  }
0x258: {  	v31 =	vld [tilespmem:s11+$0xA0];
	_ =	sdelay $0x4  }
0x259: {  	v41 =	vadd.s32 v10, v31  }
0x25a: {  	vm5 =	vlt.s32 v31, v11;
	v31 =	vshll.u32 v41, $0x7  }
0x25b: {  	v31 =	vor.u32 v25, v31;
	_ =	sdelay $0x4  }
0x25c: {  	[tilespmem:v31+s25+$0x0] =	vst.idx.msk vm5, v23  }
0x25d: {  	v31 =	vld [tilespmem:s11+$0x30];
	_ =	sdelay $0x4  }
0x25e: {  	v42 =	vsub.s32 v31, v9  }
0x25f: {  	vm6 =	vge.s32 v31, v9;
	v31 =	vshll.u32 v42, $0x7  }
0x260: {  	v31 =	vor.u32 v26, v31;
	_ =	sdelay $0x4  }
0x261: {  	[tilespmem:v31+s25+$0x0] =	vst.idx.msk vm6, v23  }
0x262: {  	v31 =	vld [tilespmem:s11+$0xB0];
	_ =	sdelay $0x4  }
0x263: {  	v43 =	vadd.s32 v10, v31  }
0x264: {  	vm7 =	vlt.s32 v31, v11;
	v31 =	vshll.u32 v43, $0x7  }
0x265: {  	v31 =	vor.u32 v26, v31;
	_ =	sdelay $0x4  }
0x266: {  	[tilespmem:v31+s25+$0x0] =	vst.idx.msk vm7, v23  }
0x267: {  	v31 =	vld [tilespmem:s11+$0x40];
	_ =	sdelay $0x4  }
0x268: {  	v44 =	vsub.s32 v31, v9  }
0x269: {  	vm8 =	vge.s32 v31, v9;
	v31 =	vshll.u32 v44, $0x7  }
0x26a: {  	v31 =	vor.u32 v27, v31;
	_ =	sdelay $0x4  }
0x26b: {  	[tilespmem:v31+s25+$0x0] =	vst.idx.msk vm8, v23  }
0x26c: {  	v31 =	vld [tilespmem:s11+$0xC0];
	_ =	sdelay $0x4  }
0x26d: {  	v45 =	vadd.s32 v10, v31  }
0x26e: {  	vm9 =	vlt.s32 v31, v11;
	v31 =	vshll.u32 v45, $0x7  }
0x26f: {  	v31 =	vor.u32 v27, v31;
	_ =	sdelay $0x4  }
0x270: {  	[tilespmem:v31+s25+$0x0] =	vst.idx.msk vm9, v23  }
0x271: {  	v31 =	vld [tilespmem:s11+$0x50];
	_ =	sdelay $0x4  }
0x272: {  	v46 =	vsub.s32 v31, v9  }
0x273: {  	vm10 =	vge.s32 v31, v9;
	v31 =	vshll.u32 v46, $0x7  }
0x274: {  	v31 =	vor.u32 v28, v31;
	_ =	sdelay $0x4  }
0x275: {  	[tilespmem:v31+s25+$0x0] =	vst.idx.msk vm10, v23  }
0x276: {  	v31 =	vld [tilespmem:s11+$0xD0];
	_ =	sdelay $0x4  }
0x277: {  	v47 =	vadd.s32 v10, v31  }
0x278: {  	vm11 =	vlt.s32 v31, v11;
	v31 =	vshll.u32 v47, $0x7  }
0x279: {  	v31 =	vor.u32 v28, v31;
	_ =	sdelay $0x4  }
0x27a: {  	[tilespmem:v31+s25+$0x0] =	vst.idx.msk vm11, v23  }
0x27b: {  	v31 =	vld [tilespmem:s11+$0x60];
	_ =	sdelay $0x4  }
0x27c: {  	v48 =	vsub.s32 v31, v9  }
0x27d: {  	vm12 =	vge.s32 v31, v9;
	v31 =	vshll.u32 v48, $0x7  }
0x27e: {  	v31 =	vor.u32 v29, v31;
	_ =	sdelay $0x4  }
0x27f: {  	[tilespmem:v31+s25+$0x0] =	vst.idx.msk vm12, v23  }
0x280: {  	v31 =	vld [tilespmem:s11+$0xE0];
	_ =	sdelay $0x4  }
0x281: {  	v49 =	vadd.s32 v10, v31  }
0x282: {  	vm13 =	vlt.s32 v31, v11;
	v31 =	vshll.u32 v49, $0x7  }
0x283: {  	v31 =	vor.u32 v29, v31;
	_ =	sdelay $0x4  }
0x284: {  	[tilespmem:v31+s25+$0x0] =	vst.idx.msk vm13, v23  }
0x285: {  	v31 =	vld [tilespmem:s11+$0x70];
	_ =	sdelay $0x4  }
0x286: {  	v50 =	vsub.s32 v31, v9  }
0x287: {  	vm14 =	vge.s32 v31, v9;
	v31 =	vshll.u32 v50, $0x7  }
0x288: {  	v31 =	vor.u32 v30, v31;
	_ =	sdelay $0x4  }
0x289: {  	[tilespmem:v31+s25+$0x0] =	vst.idx.msk vm14, v23  }
0x28a: {  	v31 =	vld [tilespmem:s11+$0xF0];
	_ =	sdelay $0x4  }
0x28b: {  	v51 =	vadd.s32 v10, v31  }
0x28c: {  	vm15 =	vlt.s32 v31, v11;
	v31 =	vshll.u32 v51, $0x7  }
0x28d: {  	v31 =	vor.u32 v30, v31;
	_ =	sdelay $0x4  }
0x28e: {  	[tilespmem:v31+s25+$0x0] =	vst.idx.msk vm15, v23  }
0x28f: {  	[hbm4b:s12+s20] =	stream.strided.scatter [tilespmem:s25], [sflag:$0x2], $0x3400, s21, s20, $0x38;
	[tilespmem:$0x7800] =	vst v63  }
0x290: {  	_ =	swait.ge [sflag:s26], $0x3400  }
0x291: {  	[sflag:s26] =	ssyncset.done $0x0  }
0x292: {  	[sflag:s26] =	ssyncadd.s32 $0xFFFFCC00  }
0x293: {  	v31 =	vld [tilespmem:s9+$0x0];
	_ =	sdelay $0x4  }
0x294: {  	v52 =	vsub.s32 v31, v6  }
0x295: {  	vm4 =	vge.s32 v31, v6;
	v31 =	vshll.u32 v52, $0x7  }
0x296: {  	v31 =	vor.u32 v21, v31;
	_ =	sdelay $0x4  }
0x297: {  	[tilespmem:v31+s24+$0x0] =	vst.idx.msk vm4, v22  }
0x298: {  	v31 =	vld [tilespmem:s9+$0x80];
	_ =	sdelay $0x4  }
0x299: {  	v53 =	vadd.s32 v7, v31  }
0x29a: {  	vm5 =	vlt.s32 v31, v8;
	v31 =	vshll.u32 v53, $0x7  }
0x29b: {  	v31 =	vor.u32 v21, v31;
	_ =	sdelay $0x4  }
0x29c: {  	[tilespmem:v31+s24+$0x0] =	vst.idx.msk vm5, v22  }
0x29d: {  	v31 =	vld [tilespmem:s9+$0x10];
	_ =	sdelay $0x4  }
0x29e: {  	v54 =	vsub.s32 v31, v6  }
0x29f: {  	vm6 =	vge.s32 v31, v6;
	v31 =	vshll.u32 v54, $0x7  }
0x2a0: {  	v31 =	vor.u32 v24, v31;
	_ =	sdelay $0x4  }
0x2a1: {  	[tilespmem:v31+s24+$0x0] =	vst.idx.msk vm6, v22  }
0x2a2: {  	v31 =	vld [tilespmem:s9+$0x90];
	_ =	sdelay $0x4  }
0x2a3: {  	v55 =	vadd.s32 v7, v31  }
0x2a4: {  	vm7 =	vlt.s32 v31, v8;
	v31 =	vshll.u32 v55, $0x7  }
0x2a5: {  	v31 =	vor.u32 v24, v31;
	_ =	sdelay $0x4  }
0x2a6: {  	[tilespmem:v31+s24+$0x0] =	vst.idx.msk vm7, v22  }
0x2a7: {  	v31 =	vld [tilespmem:s9+$0x20];
	_ =	sdelay $0x4  }
0x2a8: {  	v56 =	vsub.s32 v31, v6  }
0x2a9: {  	vm8 =	vge.s32 v31, v6;
	v31 =	vshll.u32 v56, $0x7  }
0x2aa: {  	v31 =	vor.u32 v25, v31;
	_ =	sdelay $0x4  }
0x2ab: {  	[tilespmem:v31+s24+$0x0] =	vst.idx.msk vm8, v22  }
0x2ac: {  	v31 =	vld [tilespmem:s9+$0xA0];
	_ =	sdelay $0x4  }
0x2ad: {  	v57 =	vadd.s32 v7, v31  }
0x2ae: {  	vm9 =	vlt.s32 v31, v8;
	v31 =	vshll.u32 v57, $0x7  }
0x2af: {  	v31 =	vor.u32 v25, v31;
	_ =	sdelay $0x4  }
0x2b0: {  	[tilespmem:v31+s24+$0x0] =	vst.idx.msk vm9, v22  }
0x2b1: {  	v31 =	vld [tilespmem:s9+$0x30];
	_ =	sdelay $0x4  }
0x2b2: {  	v58 =	vsub.s32 v31, v6  }
0x2b3: {  	vm10 =	vge.s32 v31, v6;
	v31 =	vshll.u32 v58, $0x7  }
0x2b4: {  	v31 =	vor.u32 v26, v31;
	_ =	sdelay $0x4  }
0x2b5: {  	[tilespmem:v31+s24+$0x0] =	vst.idx.msk vm10, v22  }
0x2b6: {  	v31 =	vld [tilespmem:s9+$0xB0];
	_ =	sdelay $0x4  }
0x2b7: {  	v59 =	vadd.s32 v7, v31  }
0x2b8: {  	vm11 =	vlt.s32 v31, v8;
	v31 =	vshll.u32 v59, $0x7  }
0x2b9: {  	v31 =	vor.u32 v26, v31;
	_ =	sdelay $0x4  }
0x2ba: {  	[tilespmem:v31+s24+$0x0] =	vst.idx.msk vm11, v22  }
0x2bb: {  	v31 =	vld [tilespmem:s9+$0x40];
	_ =	sdelay $0x4  }
0x2bc: {  	v60 =	vsub.s32 v31, v6  }
0x2bd: {  	vm12 =	vge.s32 v31, v6;
	v31 =	vshll.u32 v60, $0x7  }
0x2be: {  	v31 =	vor.u32 v27, v31;
	_ =	sdelay $0x4  }
0x2bf: {  	[tilespmem:v31+s24+$0x0] =	vst.idx.msk vm12, v22  }
0x2c0: {  	v31 =	vld [tilespmem:s9+$0xC0];
	_ =	sdelay $0x4  }
0x2c1: {  	v61 =	vadd.s32 v7, v31  }
0x2c2: {  	vm13 =	vlt.s32 v31, v8;
	v31 =	vshll.u32 v61, $0x7  }
0x2c3: {  	v31 =	vor.u32 v27, v31;
	_ =	sdelay $0x4  }
0x2c4: {  	[tilespmem:v31+s24+$0x0] =	vst.idx.msk vm13, v22  }
0x2c5: {  	v31 =	vld [tilespmem:s9+$0x50];
	_ =	sdelay $0x4  }
0x2c6: {  	v62 =	vsub.s32 v31, v6  }
0x2c7: {  	vm14 =	vge.s32 v31, v6;
	v31 =	vshll.u32 v62, $0x7  }
0x2c8: {  	v31 =	vor.u32 v28, v31;
	_ =	sdelay $0x4  }
0x2c9: {  	[tilespmem:v31+s24+$0x0] =	vst.idx.msk vm14, v22  }
0x2ca: {  	v31 =	vld [tilespmem:s9+$0xD0];
	_ =	sdelay $0x4  }
0x2cb: {  	v63 =	vadd.s32 v7, v31  }
0x2cc: {  	vm15 =	vlt.s32 v31, v8;
	v31 =	vshll.u32 v63, $0x7  }
0x2cd: {  	v31 =	vor.u32 v28, v31;
	_ =	sdelay $0x4  }
0x2ce: {  	[tilespmem:v31+s24+$0x0] =	vst.idx.msk vm15, v22  }
0x2cf: {  	v31 =	vld [tilespmem:s9+$0x60];
	_ =	sdelay $0x4  }
0x2d0: {  	v36 =	vsub.s32 v31, v6  }
0x2d1: {  	vm4 =	vge.s32 v31, v6;
	v31 =	vshll.u32 v36, $0x7  }
0x2d2: {  	v31 =	vor.u32 v29, v31;
	_ =	sdelay $0x4  }
0x2d3: {  	[tilespmem:v31+s24+$0x0] =	vst.idx.msk vm4, v22  }
0x2d4: {  	v31 =	vld [tilespmem:s9+$0xE0];
	_ =	sdelay $0x4  }
0x2d5: {  	v37 =	vadd.s32 v7, v31  }
0x2d6: {  	vm5 =	vlt.s32 v31, v8;
	v31 =	vshll.u32 v37, $0x7  }
0x2d7: {  	v31 =	vor.u32 v29, v31;
	_ =	sdelay $0x4  }
0x2d8: {  	[tilespmem:v31+s24+$0x0] =	vst.idx.msk vm5, v22  }
0x2d9: {  	v31 =	vld [tilespmem:s9+$0x70];
	_ =	sdelay $0x4  }
0x2da: {  	v38 =	vsub.s32 v31, v6  }
0x2db: {  	vm6 =	vge.s32 v31, v6;
	v31 =	vshll.u32 v38, $0x7  }
0x2dc: {  	v31 =	vor.u32 v30, v31;
	_ =	sdelay $0x4  }
0x2dd: {  	[tilespmem:v31+s24+$0x0] =	vst.idx.msk vm6, v22  }
0x2de: {  	v31 =	vld [tilespmem:s9+$0xF0];
	_ =	sdelay $0x4  }
0x2df: {  	v39 =	vadd.s32 v7, v31  }
0x2e0: {  	vm7 =	vlt.s32 v31, v8;
	v31 =	vshll.u32 v39, $0x7  }
0x2e1: {  	v31 =	vor.u32 v30, v31;
	_ =	sdelay $0x4  }
0x2e2: {  	[tilespmem:v31+s24+$0x0] =	vst.idx.msk vm7, v22  }
0x2e3: {  	v31 =	vld [tilespmem:s13+$0x0];
	_ =	sdelay $0x4  }
0x2e4: {  	v40 =	vsub.s32 v31, v12  }
0x2e5: {  	vm8 =	vge.s32 v31, v12;
	v31 =	vshll.u32 v40, $0x7  }
0x2e6: {  	v31 =	vor.u32 v21, v31;
	_ =	sdelay $0x4  }
0x2e7: {  	[tilespmem:v31+s24+$0x0] =	vst.idx.msk vm8, v23  }
0x2e8: {  	v31 =	vld [tilespmem:s13+$0x80];
	_ =	sdelay $0x4  }
0x2e9: {  	v41 =	vadd.s32 v13, v31  }
0x2ea: {  	vm9 =	vlt.s32 v31, v14;
	v31 =	vshll.u32 v41, $0x7  }
0x2eb: {  	v31 =	vor.u32 v21, v31;
	_ =	sdelay $0x4  }
0x2ec: {  	[tilespmem:v31+s24+$0x0] =	vst.idx.msk vm9, v23  }
0x2ed: {  	v31 =	vld [tilespmem:s13+$0x10];
	_ =	sdelay $0x4  }
0x2ee: {  	v42 =	vsub.s32 v31, v12  }
0x2ef: {  	vm10 =	vge.s32 v31, v12;
	v31 =	vshll.u32 v42, $0x7  }
0x2f0: {  	v31 =	vor.u32 v24, v31;
	_ =	sdelay $0x4  }
0x2f1: {  	[tilespmem:v31+s24+$0x0] =	vst.idx.msk vm10, v23  }
0x2f2: {  	v31 =	vld [tilespmem:s13+$0x90];
	_ =	sdelay $0x4  }
0x2f3: {  	v43 =	vadd.s32 v13, v31  }
0x2f4: {  	vm11 =	vlt.s32 v31, v14;
	v31 =	vshll.u32 v43, $0x7  }
0x2f5: {  	v31 =	vor.u32 v24, v31;
	_ =	sdelay $0x4  }
0x2f6: {  	[tilespmem:v31+s24+$0x0] =	vst.idx.msk vm11, v23  }
0x2f7: {  	v31 =	vld [tilespmem:s13+$0x20];
	_ =	sdelay $0x4  }
0x2f8: {  	v44 =	vsub.s32 v31, v12  }
0x2f9: {  	vm12 =	vge.s32 v31, v12;
	v31 =	vshll.u32 v44, $0x7  }
0x2fa: {  	v31 =	vor.u32 v25, v31;
	_ =	sdelay $0x4  }
0x2fb: {  	[tilespmem:v31+s24+$0x0] =	vst.idx.msk vm12, v23  }
0x2fc: {  	v31 =	vld [tilespmem:s13+$0xA0];
	_ =	sdelay $0x4  }
0x2fd: {  	v45 =	vadd.s32 v13, v31  }
0x2fe: {  	vm13 =	vlt.s32 v31, v14;
	v31 =	vshll.u32 v45, $0x7  }
0x2ff: {  	v31 =	vor.u32 v25, v31;
	_ =	sdelay $0x4  }
0x300: {  	[tilespmem:v31+s24+$0x0] =	vst.idx.msk vm13, v23  }
0x301: {  	v31 =	vld [tilespmem:s13+$0x30];
	_ =	sdelay $0x4  }
0x302: {  	v46 =	vsub.s32 v31, v12  }
0x303: {  	vm14 =	vge.s32 v31, v12;
	v31 =	vshll.u32 v46, $0x7  }
0x304: {  	v31 =	vor.u32 v26, v31;
	_ =	sdelay $0x4  }
0x305: {  	[tilespmem:v31+s24+$0x0] =	vst.idx.msk vm14, v23  }
0x306: {  	v31 =	vld [tilespmem:s13+$0xB0];
	_ =	sdelay $0x4  }
0x307: {  	v47 =	vadd.s32 v13, v31  }
0x308: {  	vm15 =	vlt.s32 v31, v14;
	v31 =	vshll.u32 v47, $0x7  }
0x309: {  	v31 =	vor.u32 v26, v31;
	_ =	sdelay $0x4  }
0x30a: {  	[tilespmem:v31+s24+$0x0] =	vst.idx.msk vm15, v23  }
0x30b: {  	v31 =	vld [tilespmem:s13+$0x40];
	_ =	sdelay $0x4  }
0x30c: {  	v48 =	vsub.s32 v31, v12  }
0x30d: {  	vm4 =	vge.s32 v31, v12;
	v31 =	vshll.u32 v48, $0x7  }
0x30e: {  	v31 =	vor.u32 v27, v31;
	_ =	sdelay $0x4  }
0x30f: {  	[tilespmem:v31+s24+$0x0] =	vst.idx.msk vm4, v23  }
0x310: {  	v31 =	vld [tilespmem:s13+$0xC0];
	_ =	sdelay $0x4  }
0x311: {  	v49 =	vadd.s32 v13, v31  }
0x312: {  	vm5 =	vlt.s32 v31, v14;
	v31 =	vshll.u32 v49, $0x7  }
0x313: {  	v31 =	vor.u32 v27, v31;
	_ =	sdelay $0x4  }
0x314: {  	[tilespmem:v31+s24+$0x0] =	vst.idx.msk vm5, v23  }
0x315: {  	v31 =	vld [tilespmem:s13+$0x50];
	_ =	sdelay $0x4  }
0x316: {  	v50 =	vsub.s32 v31, v12  }
0x317: {  	vm6 =	vge.s32 v31, v12;
	v31 =	vshll.u32 v50, $0x7  }
0x318: {  	v31 =	vor.u32 v28, v31;
	_ =	sdelay $0x4  }
0x319: {  	[tilespmem:v31+s24+$0x0] =	vst.idx.msk vm6, v23  }
0x31a: {  	v31 =	vld [tilespmem:s13+$0xD0];
	_ =	sdelay $0x4  }
0x31b: {  	v51 =	vadd.s32 v13, v31  }
0x31c: {  	vm7 =	vlt.s32 v31, v14;
	v31 =	vshll.u32 v51, $0x7  }
0x31d: {  	v31 =	vor.u32 v28, v31;
	_ =	sdelay $0x4  }
0x31e: {  	[tilespmem:v31+s24+$0x0] =	vst.idx.msk vm7, v23  }
0x31f: {  	v31 =	vld [tilespmem:s13+$0x60];
	_ =	sdelay $0x4  }
0x320: {  	v52 =	vsub.s32 v31, v12  }
0x321: {  	vm8 =	vge.s32 v31, v12;
	v31 =	vshll.u32 v52, $0x7  }
0x322: {  	v31 =	vor.u32 v29, v31;
	_ =	sdelay $0x4  }
0x323: {  	[tilespmem:v31+s24+$0x0] =	vst.idx.msk vm8, v23  }
0x324: {  	v31 =	vld [tilespmem:s13+$0xE0];
	_ =	sdelay $0x4  }
0x325: {  	v53 =	vadd.s32 v13, v31  }
0x326: {  	vm9 =	vlt.s32 v31, v14;
	v31 =	vshll.u32 v53, $0x7  }
0x327: {  	v31 =	vor.u32 v29, v31;
	_ =	sdelay $0x4  }
0x328: {  	[tilespmem:v31+s24+$0x0] =	vst.idx.msk vm9, v23  }
0x329: {  	v31 =	vld [tilespmem:s13+$0x70];
	_ =	sdelay $0x4  }
0x32a: {  	v54 =	vsub.s32 v31, v12  }
0x32b: {  	vm10 =	vge.s32 v31, v12;
	v31 =	vshll.u32 v54, $0x7  }
0x32c: {  	v31 =	vor.u32 v30, v31;
	_ =	sdelay $0x4  }
0x32d: {  	[tilespmem:v31+s24+$0x0] =	vst.idx.msk vm10, v23  }
0x32e: {  	v31 =	vld [tilespmem:s13+$0xF0];
	_ =	sdelay $0x4  }
0x32f: {  	v55 =	vadd.s32 v13, v31  }
0x330: {  	vm11 =	vlt.s32 v31, v14;
	v31 =	vshll.u32 v55, $0x7  }
0x331: {  	v31 =	vor.u32 v30, v31;
	_ =	sdelay $0x4  }
0x332: {  	[tilespmem:v31+s24+$0x0] =	vst.idx.msk vm11, v23  }
0x333: {  	[hbm4b:s14+s20] =	stream.strided.scatter [tilespmem:s24], [sflag:$0x1], $0x3400, s21, s20, $0x38;
	[tilespmem:$0x7800] =	vst v63  }
0x334: {  	_ =	swait.ge [sflag:s28], $0x3400  }
0x335: {  	[sflag:s28] =	ssyncset.done $0x0  }
0x336: {  	[sflag:s28] =	ssyncadd.s32 $0xFFFFCC00  }
0x337: {  	v31 =	vld [tilespmem:s11+$0x0];
	_ =	sdelay $0x4  }
0x338: {  	v56 =	vsub.s32 v31, v9  }
0x339: {  	vm12 =	vge.s32 v31, v9;
	v31 =	vshll.u32 v56, $0x7  }
0x33a: {  	v31 =	vor.u32 v21, v31;
	_ =	sdelay $0x4  }
0x33b: {  	[tilespmem:v31+s25+$0x0] =	vst.idx.msk vm12, v22  }
0x33c: {  	v31 =	vld [tilespmem:s11+$0x80];
	_ =	sdelay $0x4  }
0x33d: {  	v57 =	vadd.s32 v10, v31  }
0x33e: {  	vm13 =	vlt.s32 v31, v11;
	v31 =	vshll.u32 v57, $0x7  }
0x33f: {  	v31 =	vor.u32 v21, v31;
	_ =	sdelay $0x4  }
0x340: {  	[tilespmem:v31+s25+$0x0] =	vst.idx.msk vm13, v22  }
0x341: {  	v31 =	vld [tilespmem:s11+$0x10];
	_ =	sdelay $0x4  }
0x342: {  	v58 =	vsub.s32 v31, v9  }
0x343: {  	vm14 =	vge.s32 v31, v9;
	v31 =	vshll.u32 v58, $0x7  }
0x344: {  	v31 =	vor.u32 v24, v31;
	_ =	sdelay $0x4  }
0x345: {  	[tilespmem:v31+s25+$0x0] =	vst.idx.msk vm14, v22  }
0x346: {  	v31 =	vld [tilespmem:s11+$0x90];
	_ =	sdelay $0x4  }
0x347: {  	v59 =	vadd.s32 v10, v31  }
0x348: {  	vm15 =	vlt.s32 v31, v11;
	v31 =	vshll.u32 v59, $0x7  }
0x349: {  	v31 =	vor.u32 v24, v31;
	_ =	sdelay $0x4  }
0x34a: {  	[tilespmem:v31+s25+$0x0] =	vst.idx.msk vm15, v22  }
0x34b: {  	v31 =	vld [tilespmem:s11+$0x20];
	_ =	sdelay $0x4  }
0x34c: {  	v60 =	vsub.s32 v31, v9  }
0x34d: {  	vm4 =	vge.s32 v31, v9;
	v31 =	vshll.u32 v60, $0x7  }
0x34e: {  	v31 =	vor.u32 v25, v31;
	_ =	sdelay $0x4  }
0x34f: {  	[tilespmem:v31+s25+$0x0] =	vst.idx.msk vm4, v22  }
0x350: {  	v31 =	vld [tilespmem:s11+$0xA0];
	_ =	sdelay $0x4  }
0x351: {  	v61 =	vadd.s32 v10, v31  }
0x352: {  	vm5 =	vlt.s32 v31, v11;
	v31 =	vshll.u32 v61, $0x7  }
0x353: {  	v31 =	vor.u32 v25, v31;
	_ =	sdelay $0x4  }
0x354: {  	[tilespmem:v31+s25+$0x0] =	vst.idx.msk vm5, v22  }
0x355: {  	v31 =	vld [tilespmem:s11+$0x30];
	_ =	sdelay $0x4  }
0x356: {  	v62 =	vsub.s32 v31, v9  }
0x357: {  	vm6 =	vge.s32 v31, v9;
	v31 =	vshll.u32 v62, $0x7  }
0x358: {  	v31 =	vor.u32 v26, v31;
	_ =	sdelay $0x4  }
0x359: {  	[tilespmem:v31+s25+$0x0] =	vst.idx.msk vm6, v22  }
0x35a: {  	v31 =	vld [tilespmem:s11+$0xB0];
	_ =	sdelay $0x4  }
0x35b: {  	v63 =	vadd.s32 v10, v31  }
0x35c: {  	vm7 =	vlt.s32 v31, v11;
	v31 =	vshll.u32 v63, $0x7  }
0x35d: {  	v31 =	vor.u32 v26, v31;
	_ =	sdelay $0x4  }
0x35e: {  	[tilespmem:v31+s25+$0x0] =	vst.idx.msk vm7, v22  }
0x35f: {  	v31 =	vld [tilespmem:s11+$0x40];
	_ =	sdelay $0x4  }
0x360: {  	v36 =	vsub.s32 v31, v9  }
0x361: {  	vm8 =	vge.s32 v31, v9;
	v31 =	vshll.u32 v36, $0x7  }
0x362: {  	v31 =	vor.u32 v27, v31;
	_ =	sdelay $0x4  }
0x363: {  	[tilespmem:v31+s25+$0x0] =	vst.idx.msk vm8, v22  }
0x364: {  	v31 =	vld [tilespmem:s11+$0xC0];
	_ =	sdelay $0x4  }
0x365: {  	v37 =	vadd.s32 v10, v31  }
0x366: {  	vm9 =	vlt.s32 v31, v11;
	v31 =	vshll.u32 v37, $0x7  }
0x367: {  	v31 =	vor.u32 v27, v31;
	_ =	sdelay $0x4  }
0x368: {  	[tilespmem:v31+s25+$0x0] =	vst.idx.msk vm9, v22  }
0x369: {  	v31 =	vld [tilespmem:s11+$0x50];
	_ =	sdelay $0x4  }
0x36a: {  	v38 =	vsub.s32 v31, v9  }
0x36b: {  	vm10 =	vge.s32 v31, v9;
	v31 =	vshll.u32 v38, $0x7  }
0x36c: {  	v31 =	vor.u32 v28, v31;
	_ =	sdelay $0x4  }
0x36d: {  	[tilespmem:v31+s25+$0x0] =	vst.idx.msk vm10, v22  }
0x36e: {  	v31 =	vld [tilespmem:s11+$0xD0];
	_ =	sdelay $0x4  }
0x36f: {  	v39 =	vadd.s32 v10, v31  }
0x370: {  	vm11 =	vlt.s32 v31, v11;
	v31 =	vshll.u32 v39, $0x7  }
0x371: {  	v31 =	vor.u32 v28, v31;
	_ =	sdelay $0x4  }
0x372: {  	[tilespmem:v31+s25+$0x0] =	vst.idx.msk vm11, v22  }
0x373: {  	v31 =	vld [tilespmem:s11+$0x60];
	_ =	sdelay $0x4  }
0x374: {  	v40 =	vsub.s32 v31, v9  }
0x375: {  	vm12 =	vge.s32 v31, v9;
	v31 =	vshll.u32 v40, $0x7  }
0x376: {  	v31 =	vor.u32 v29, v31;
	_ =	sdelay $0x4  }
0x377: {  	[tilespmem:v31+s25+$0x0] =	vst.idx.msk vm12, v22  }
0x378: {  	v31 =	vld [tilespmem:s11+$0xE0];
	_ =	sdelay $0x4  }
0x379: {  	v41 =	vadd.s32 v10, v31  }
0x37a: {  	vm13 =	vlt.s32 v31, v11;
	v31 =	vshll.u32 v41, $0x7  }
0x37b: {  	v31 =	vor.u32 v29, v31;
	_ =	sdelay $0x4  }
0x37c: {  	[tilespmem:v31+s25+$0x0] =	vst.idx.msk vm13, v22  }
0x37d: {  	v31 =	vld [tilespmem:s11+$0x70];
	_ =	sdelay $0x4  }
0x37e: {  	v42 =	vsub.s32 v31, v9  }
0x37f: {  	vm14 =	vge.s32 v31, v9;
	v31 =	vshll.u32 v42, $0x7  }
0x380: {  	v31 =	vor.u32 v30, v31;
	_ =	sdelay $0x4  }
0x381: {  	[tilespmem:v31+s25+$0x0] =	vst.idx.msk vm14, v22  }
0x382: {  	v31 =	vld [tilespmem:s11+$0xF0];
	_ =	sdelay $0x4  }
0x383: {  	v43 =	vadd.s32 v10, v31  }
0x384: {  	vm15 =	vlt.s32 v31, v11;
	v31 =	vshll.u32 v43, $0x7  }
0x385: {  	v31 =	vor.u32 v30, v31;
	_ =	sdelay $0x4  }
0x386: {  	[tilespmem:v31+s25+$0x0] =	vst.idx.msk vm15, v22  }
0x387: {  	v31 =	vld [tilespmem:s15+$0x0];
	_ =	sdelay $0x4  }
0x388: {  	v44 =	vsub.s32 v31, v15  }
0x389: {  	vm4 =	vge.s32 v31, v15;
	v31 =	vshll.u32 v44, $0x7  }
0x38a: {  	v31 =	vor.u32 v21, v31;
	_ =	sdelay $0x4  }
0x38b: {  	[tilespmem:v31+s25+$0x0] =	vst.idx.msk vm4, v23  }
0x38c: {  	v31 =	vld [tilespmem:s15+$0x80];
	_ =	sdelay $0x4  }
0x38d: {  	v45 =	vadd.s32 v16, v31  }
0x38e: {  	vm5 =	vlt.s32 v31, v17;
	v31 =	vshll.u32 v45, $0x7  }
0x38f: {  	v31 =	vor.u32 v21, v31;
	_ =	sdelay $0x4  }
0x390: {  	[tilespmem:v31+s25+$0x0] =	vst.idx.msk vm5, v23  }
0x391: {  	v31 =	vld [tilespmem:s15+$0x10];
	_ =	sdelay $0x4  }
0x392: {  	v46 =	vsub.s32 v31, v15  }
0x393: {  	vm6 =	vge.s32 v31, v15;
	v31 =	vshll.u32 v46, $0x7  }
0x394: {  	v31 =	vor.u32 v24, v31;
	_ =	sdelay $0x4  }
0x395: {  	[tilespmem:v31+s25+$0x0] =	vst.idx.msk vm6, v23  }
0x396: {  	v31 =	vld [tilespmem:s15+$0x90];
	_ =	sdelay $0x4  }
0x397: {  	v47 =	vadd.s32 v16, v31  }
0x398: {  	vm7 =	vlt.s32 v31, v17;
	v31 =	vshll.u32 v47, $0x7  }
0x399: {  	v31 =	vor.u32 v24, v31;
	_ =	sdelay $0x4  }
0x39a: {  	[tilespmem:v31+s25+$0x0] =	vst.idx.msk vm7, v23  }
0x39b: {  	v31 =	vld [tilespmem:s15+$0x20];
	_ =	sdelay $0x4  }
0x39c: {  	v48 =	vsub.s32 v31, v15  }
0x39d: {  	vm8 =	vge.s32 v31, v15;
	v31 =	vshll.u32 v48, $0x7  }
0x39e: {  	v31 =	vor.u32 v25, v31;
	_ =	sdelay $0x4  }
0x39f: {  	[tilespmem:v31+s25+$0x0] =	vst.idx.msk vm8, v23  }
0x3a0: {  	v31 =	vld [tilespmem:s15+$0xA0];
	_ =	sdelay $0x4  }
0x3a1: {  	v49 =	vadd.s32 v16, v31  }
0x3a2: {  	vm9 =	vlt.s32 v31, v17;
	v31 =	vshll.u32 v49, $0x7  }
0x3a3: {  	v31 =	vor.u32 v25, v31;
	_ =	sdelay $0x4  }
0x3a4: {  	[tilespmem:v31+s25+$0x0] =	vst.idx.msk vm9, v23  }
0x3a5: {  	v31 =	vld [tilespmem:s15+$0x30];
	_ =	sdelay $0x4  }
0x3a6: {  	v50 =	vsub.s32 v31, v15  }
0x3a7: {  	vm10 =	vge.s32 v31, v15;
	v31 =	vshll.u32 v50, $0x7  }
0x3a8: {  	v31 =	vor.u32 v26, v31;
	_ =	sdelay $0x4  }
0x3a9: {  	[tilespmem:v31+s25+$0x0] =	vst.idx.msk vm10, v23  }
0x3aa: {  	v31 =	vld [tilespmem:s15+$0xB0];
	_ =	sdelay $0x4  }
0x3ab: {  	v51 =	vadd.s32 v16, v31  }
0x3ac: {  	vm11 =	vlt.s32 v31, v17;
	v31 =	vshll.u32 v51, $0x7  }
0x3ad: {  	v31 =	vor.u32 v26, v31;
	_ =	sdelay $0x4  }
0x3ae: {  	[tilespmem:v31+s25+$0x0] =	vst.idx.msk vm11, v23  }
0x3af: {  	v31 =	vld [tilespmem:s15+$0x40];
	_ =	sdelay $0x4  }
0x3b0: {  	v52 =	vsub.s32 v31, v15  }
0x3b1: {  	vm12 =	vge.s32 v31, v15;
	v31 =	vshll.u32 v52, $0x7  }
0x3b2: {  	v31 =	vor.u32 v27, v31;
	_ =	sdelay $0x4  }
0x3b3: {  	[tilespmem:v31+s25+$0x0] =	vst.idx.msk vm12, v23  }
0x3b4: {  	v31 =	vld [tilespmem:s15+$0xC0];
	_ =	sdelay $0x4  }
0x3b5: {  	v53 =	vadd.s32 v16, v31  }
0x3b6: {  	vm13 =	vlt.s32 v31, v17;
	v31 =	vshll.u32 v53, $0x7  }
0x3b7: {  	v31 =	vor.u32 v27, v31;
	_ =	sdelay $0x4  }
0x3b8: {  	[tilespmem:v31+s25+$0x0] =	vst.idx.msk vm13, v23  }
0x3b9: {  	v31 =	vld [tilespmem:s15+$0x50];
	_ =	sdelay $0x4  }
0x3ba: {  	v54 =	vsub.s32 v31, v15  }
0x3bb: {  	vm14 =	vge.s32 v31, v15;
	v31 =	vshll.u32 v54, $0x7  }
0x3bc: {  	v31 =	vor.u32 v28, v31;
	_ =	sdelay $0x4  }
0x3bd: {  	[tilespmem:v31+s25+$0x0] =	vst.idx.msk vm14, v23  }
0x3be: {  	v31 =	vld [tilespmem:s15+$0xD0];
	_ =	sdelay $0x4  }
0x3bf: {  	v55 =	vadd.s32 v16, v31  }
0x3c0: {  	vm15 =	vlt.s32 v31, v17;
	v31 =	vshll.u32 v55, $0x7  }
0x3c1: {  	v31 =	vor.u32 v28, v31;
	_ =	sdelay $0x4  }
0x3c2: {  	[tilespmem:v31+s25+$0x0] =	vst.idx.msk vm15, v23  }
0x3c3: {  	v31 =	vld [tilespmem:s15+$0x60];
	_ =	sdelay $0x4  }
0x3c4: {  	v56 =	vsub.s32 v31, v15  }
0x3c5: {  	vm4 =	vge.s32 v31, v15;
	v31 =	vshll.u32 v56, $0x7  }
0x3c6: {  	v31 =	vor.u32 v29, v31;
	_ =	sdelay $0x4  }
0x3c7: {  	[tilespmem:v31+s25+$0x0] =	vst.idx.msk vm4, v23  }
0x3c8: {  	v31 =	vld [tilespmem:s15+$0xE0];
	_ =	sdelay $0x4  }
0x3c9: {  	v57 =	vadd.s32 v16, v31  }
0x3ca: {  	vm5 =	vlt.s32 v31, v17;
	v31 =	vshll.u32 v57, $0x7  }
0x3cb: {  	v31 =	vor.u32 v29, v31;
	_ =	sdelay $0x4  }
0x3cc: {  	[tilespmem:v31+s25+$0x0] =	vst.idx.msk vm5, v23  }
0x3cd: {  	v31 =	vld [tilespmem:s15+$0x70];
	_ =	sdelay $0x4  }
0x3ce: {  	v58 =	vsub.s32 v31, v15  }
0x3cf: {  	vm6 =	vge.s32 v31, v15;
	v31 =	vshll.u32 v58, $0x7  }
0x3d0: {  	v31 =	vor.u32 v30, v31;
	_ =	sdelay $0x4  }
0x3d1: {  	[tilespmem:v31+s25+$0x0] =	vst.idx.msk vm6, v23  }
0x3d2: {  	v31 =	vld [tilespmem:s15+$0xF0];
	_ =	sdelay $0x4  }
0x3d3: {  	v59 =	vadd.s32 v16, v31  }
0x3d4: {  	vm7 =	vlt.s32 v31, v17;
	v31 =	vshll.u32 v59, $0x7  }
0x3d5: {  	v31 =	vor.u32 v30, v31;
	_ =	sdelay $0x4  }
0x3d6: {  	[tilespmem:v31+s25+$0x0] =	vst.idx.msk vm7, v23  }
0x3d7: {  	[hbm4b:s16+s20] =	stream.strided.scatter [tilespmem:s25], [sflag:$0x2], $0x3400, s21, s20, $0x38;
	[tilespmem:$0x7800] =	vst v63  }
0x3d8: {  	_ =	swait.ge [sflag:s26], $0x3400  }
0x3d9: {  	[sflag:s26] =	ssyncset.done $0x0  }
0x3da: {  	[sflag:s26] =	ssyncadd.s32 $0xFFFFCC00  }
0x3db: {  	v31 =	vld [tilespmem:s13+$0x0];
	_ =	sdelay $0x4  }
0x3dc: {  	v60 =	vsub.s32 v31, v12  }
0x3dd: {  	vm8 =	vge.s32 v31, v12;
	v31 =	vshll.u32 v60, $0x7  }
0x3de: {  	v31 =	vor.u32 v21, v31;
	_ =	sdelay $0x4  }
0x3df: {  	[tilespmem:v31+s24+$0x0] =	vst.idx.msk vm8, v22  }
0x3e0: {  	v31 =	vld [tilespmem:s13+$0x80];
	_ =	sdelay $0x4  }
0x3e1: {  	v61 =	vadd.s32 v13, v31  }
0x3e2: {  	vm9 =	vlt.s32 v31, v14;
	v31 =	vshll.u32 v61, $0x7  }
0x3e3: {  	v31 =	vor.u32 v21, v31;
	_ =	sdelay $0x4  }
0x3e4: {  	[tilespmem:v31+s24+$0x0] =	vst.idx.msk vm9, v22  }
0x3e5: {  	v31 =	vld [tilespmem:s13+$0x10];
	_ =	sdelay $0x4  }
0x3e6: {  	v62 =	vsub.s32 v31, v12  }
0x3e7: {  	vm10 =	vge.s32 v31, v12;
	v31 =	vshll.u32 v62, $0x7  }
0x3e8: {  	v31 =	vor.u32 v24, v31;
	_ =	sdelay $0x4  }
0x3e9: {  	[tilespmem:v31+s24+$0x0] =	vst.idx.msk vm10, v22  }
0x3ea: {  	v31 =	vld [tilespmem:s13+$0x90];
	_ =	sdelay $0x4  }
0x3eb: {  	v63 =	vadd.s32 v13, v31  }
0x3ec: {  	vm11 =	vlt.s32 v31, v14;
	v31 =	vshll.u32 v63, $0x7  }
0x3ed: {  	v31 =	vor.u32 v24, v31;
	_ =	sdelay $0x4  }
0x3ee: {  	[tilespmem:v31+s24+$0x0] =	vst.idx.msk vm11, v22  }
0x3ef: {  	v31 =	vld [tilespmem:s13+$0x20];
	_ =	sdelay $0x4  }
0x3f0: {  	v36 =	vsub.s32 v31, v12  }
0x3f1: {  	vm12 =	vge.s32 v31, v12;
	v31 =	vshll.u32 v36, $0x7  }
0x3f2: {  	v31 =	vor.u32 v25, v31;
	_ =	sdelay $0x4  }
0x3f3: {  	[tilespmem:v31+s24+$0x0] =	vst.idx.msk vm12, v22  }
0x3f4: {  	v31 =	vld [tilespmem:s13+$0xA0];
	_ =	sdelay $0x4  }
0x3f5: {  	v37 =	vadd.s32 v13, v31  }
0x3f6: {  	vm13 =	vlt.s32 v31, v14;
	v31 =	vshll.u32 v37, $0x7  }
0x3f7: {  	v31 =	vor.u32 v25, v31;
	_ =	sdelay $0x4  }
0x3f8: {  	[tilespmem:v31+s24+$0x0] =	vst.idx.msk vm13, v22  }
0x3f9: {  	v31 =	vld [tilespmem:s13+$0x30];
	_ =	sdelay $0x4  }
0x3fa: {  	v38 =	vsub.s32 v31, v12  }
0x3fb: {  	vm14 =	vge.s32 v31, v12;
	v31 =	vshll.u32 v38, $0x7  }
0x3fc: {  	v31 =	vor.u32 v26, v31;
	_ =	sdelay $0x4  }
0x3fd: {  	[tilespmem:v31+s24+$0x0] =	vst.idx.msk vm14, v22  }
0x3fe: {  	v31 =	vld [tilespmem:s13+$0xB0];
	_ =	sdelay $0x4  }
0x3ff: {  	v39 =	vadd.s32 v13, v31  }
0x400: {  	vm15 =	vlt.s32 v31, v14;
	v31 =	vshll.u32 v39, $0x7  }
0x401: {  	v31 =	vor.u32 v26, v31;
	_ =	sdelay $0x4  }
0x402: {  	[tilespmem:v31+s24+$0x0] =	vst.idx.msk vm15, v22  }
0x403: {  	v31 =	vld [tilespmem:s13+$0x40];
	_ =	sdelay $0x4  }
0x404: {  	v40 =	vsub.s32 v31, v12  }
0x405: {  	vm4 =	vge.s32 v31, v12;
	v31 =	vshll.u32 v40, $0x7  }
0x406: {  	v31 =	vor.u32 v27, v31;
	_ =	sdelay $0x4  }
0x407: {  	[tilespmem:v31+s24+$0x0] =	vst.idx.msk vm4, v22  }
0x408: {  	v31 =	vld [tilespmem:s13+$0xC0];
	_ =	sdelay $0x4  }
0x409: {  	v41 =	vadd.s32 v13, v31  }
0x40a: {  	vm5 =	vlt.s32 v31, v14;
	v31 =	vshll.u32 v41, $0x7  }
0x40b: {  	v31 =	vor.u32 v27, v31;
	_ =	sdelay $0x4  }
0x40c: {  	[tilespmem:v31+s24+$0x0] =	vst.idx.msk vm5, v22  }
0x40d: {  	v31 =	vld [tilespmem:s13+$0x50];
	_ =	sdelay $0x4  }
0x40e: {  	v42 =	vsub.s32 v31, v12  }
0x40f: {  	vm6 =	vge.s32 v31, v12;
	v31 =	vshll.u32 v42, $0x7  }
0x410: {  	v31 =	vor.u32 v28, v31;
	_ =	sdelay $0x4  }
0x411: {  	[tilespmem:v31+s24+$0x0] =	vst.idx.msk vm6, v22  }
0x412: {  	v31 =	vld [tilespmem:s13+$0xD0];
	_ =	sdelay $0x4  }
0x413: {  	v43 =	vadd.s32 v13, v31  }
0x414: {  	vm7 =	vlt.s32 v31, v14;
	v31 =	vshll.u32 v43, $0x7  }
0x415: {  	v31 =	vor.u32 v28, v31;
	_ =	sdelay $0x4  }
0x416: {  	[tilespmem:v31+s24+$0x0] =	vst.idx.msk vm7, v22  }
0x417: {  	v31 =	vld [tilespmem:s13+$0x60];
	_ =	sdelay $0x4  }
0x418: {  	v44 =	vsub.s32 v31, v12  }
0x419: {  	vm8 =	vge.s32 v31, v12;
	v31 =	vshll.u32 v44, $0x7  }
0x41a: {  	v31 =	vor.u32 v29, v31;
	_ =	sdelay $0x4  }
0x41b: {  	[tilespmem:v31+s24+$0x0] =	vst.idx.msk vm8, v22  }
0x41c: {  	v31 =	vld [tilespmem:s13+$0xE0];
	_ =	sdelay $0x4  }
0x41d: {  	v45 =	vadd.s32 v13, v31  }
0x41e: {  	vm9 =	vlt.s32 v31, v14;
	v31 =	vshll.u32 v45, $0x7  }
0x41f: {  	v31 =	vor.u32 v29, v31;
	_ =	sdelay $0x4  }
0x420: {  	[tilespmem:v31+s24+$0x0] =	vst.idx.msk vm9, v22  }
0x421: {  	v31 =	vld [tilespmem:s13+$0x70];
	_ =	sdelay $0x4  }
0x422: {  	v46 =	vsub.s32 v31, v12  }
0x423: {  	vm10 =	vge.s32 v31, v12;
	v31 =	vshll.u32 v46, $0x7  }
0x424: {  	v31 =	vor.u32 v30, v31;
	_ =	sdelay $0x4  }
0x425: {  	[tilespmem:v31+s24+$0x0] =	vst.idx.msk vm10, v22  }
0x426: {  	v31 =	vld [tilespmem:s13+$0xF0];
	_ =	sdelay $0x4  }
0x427: {  	v47 =	vadd.s32 v13, v31  }
0x428: {  	vm11 =	vlt.s32 v31, v14;
	v31 =	vshll.u32 v47, $0x7  }
0x429: {  	v31 =	vor.u32 v30, v31;
	_ =	sdelay $0x4  }
0x42a: {  	[tilespmem:v31+s24+$0x0] =	vst.idx.msk vm11, v22  }
0x42b: {  	v31 =	vld [tilespmem:s17+$0x0];
	_ =	sdelay $0x4  }
0x42c: {  	v48 =	vsub.s32 v31, v18  }
0x42d: {  	vm12 =	vge.s32 v31, v18;
	v31 =	vshll.u32 v48, $0x7  }
0x42e: {  	v31 =	vor.u32 v21, v31;
	_ =	sdelay $0x4  }
0x42f: {  	[tilespmem:v31+s24+$0x0] =	vst.idx.msk vm12, v23  }
0x430: {  	v31 =	vld [tilespmem:s17+$0x80];
	_ =	sdelay $0x4  }
0x431: {  	v49 =	vadd.s32 v19, v31  }
0x432: {  	vm13 =	vlt.s32 v31, v20;
	v31 =	vshll.u32 v49, $0x7  }
0x433: {  	v31 =	vor.u32 v21, v31;
	_ =	sdelay $0x4  }
0x434: {  	[tilespmem:v31+s24+$0x0] =	vst.idx.msk vm13, v23  }
0x435: {  	v31 =	vld [tilespmem:s17+$0x10];
	_ =	sdelay $0x4  }
0x436: {  	v50 =	vsub.s32 v31, v18  }
0x437: {  	vm14 =	vge.s32 v31, v18;
	v31 =	vshll.u32 v50, $0x7  }
0x438: {  	v31 =	vor.u32 v24, v31;
	_ =	sdelay $0x4  }
0x439: {  	[tilespmem:v31+s24+$0x0] =	vst.idx.msk vm14, v23  }
0x43a: {  	v31 =	vld [tilespmem:s17+$0x90];
	_ =	sdelay $0x4  }
0x43b: {  	v51 =	vadd.s32 v19, v31  }
0x43c: {  	vm15 =	vlt.s32 v31, v20;
	v31 =	vshll.u32 v51, $0x7  }
0x43d: {  	v31 =	vor.u32 v24, v31;
	_ =	sdelay $0x4  }
0x43e: {  	[tilespmem:v31+s24+$0x0] =	vst.idx.msk vm15, v23  }
0x43f: {  	v31 =	vld [tilespmem:s17+$0x20];
	_ =	sdelay $0x4  }
0x440: {  	v52 =	vsub.s32 v31, v18  }
0x441: {  	vm4 =	vge.s32 v31, v18;
	v31 =	vshll.u32 v52, $0x7  }
0x442: {  	v31 =	vor.u32 v25, v31;
	_ =	sdelay $0x4  }
0x443: {  	[tilespmem:v31+s24+$0x0] =	vst.idx.msk vm4, v23  }
0x444: {  	v31 =	vld [tilespmem:s17+$0xA0];
	_ =	sdelay $0x4  }
0x445: {  	v53 =	vadd.s32 v19, v31  }
0x446: {  	vm5 =	vlt.s32 v31, v20;
	v31 =	vshll.u32 v53, $0x7  }
0x447: {  	v31 =	vor.u32 v25, v31;
	_ =	sdelay $0x4  }
0x448: {  	[tilespmem:v31+s24+$0x0] =	vst.idx.msk vm5, v23  }
0x449: {  	v31 =	vld [tilespmem:s17+$0x30];
	_ =	sdelay $0x4  }
0x44a: {  	v54 =	vsub.s32 v31, v18  }
0x44b: {  	vm6 =	vge.s32 v31, v18;
	v31 =	vshll.u32 v54, $0x7  }
0x44c: {  	v31 =	vor.u32 v26, v31;
	_ =	sdelay $0x4  }
0x44d: {  	[tilespmem:v31+s24+$0x0] =	vst.idx.msk vm6, v23  }
0x44e: {  	v31 =	vld [tilespmem:s17+$0xB0];
	_ =	sdelay $0x4  }
0x44f: {  	v55 =	vadd.s32 v19, v31  }
0x450: {  	vm7 =	vlt.s32 v31, v20;
	v31 =	vshll.u32 v55, $0x7  }
0x451: {  	v31 =	vor.u32 v26, v31;
	_ =	sdelay $0x4  }
0x452: {  	[tilespmem:v31+s24+$0x0] =	vst.idx.msk vm7, v23  }
0x453: {  	v31 =	vld [tilespmem:s17+$0x40];
	_ =	sdelay $0x4  }
0x454: {  	v56 =	vsub.s32 v31, v18  }
0x455: {  	vm8 =	vge.s32 v31, v18;
	v31 =	vshll.u32 v56, $0x7  }
0x456: {  	v31 =	vor.u32 v27, v31;
	_ =	sdelay $0x4  }
0x457: {  	[tilespmem:v31+s24+$0x0] =	vst.idx.msk vm8, v23  }
0x458: {  	v31 =	vld [tilespmem:s17+$0xC0];
	_ =	sdelay $0x4  }
0x459: {  	v57 =	vadd.s32 v19, v31  }
0x45a: {  	vm9 =	vlt.s32 v31, v20;
	v31 =	vshll.u32 v57, $0x7  }
0x45b: {  	v31 =	vor.u32 v27, v31;
	_ =	sdelay $0x4  }
0x45c: {  	[tilespmem:v31+s24+$0x0] =	vst.idx.msk vm9, v23  }
0x45d: {  	v31 =	vld [tilespmem:s17+$0x50];
	_ =	sdelay $0x4  }
0x45e: {  	v58 =	vsub.s32 v31, v18  }
0x45f: {  	vm10 =	vge.s32 v31, v18;
	v31 =	vshll.u32 v58, $0x7  }
0x460: {  	v31 =	vor.u32 v28, v31;
	_ =	sdelay $0x4  }
0x461: {  	[tilespmem:v31+s24+$0x0] =	vst.idx.msk vm10, v23  }
0x462: {  	v31 =	vld [tilespmem:s17+$0xD0];
	_ =	sdelay $0x4  }
0x463: {  	v59 =	vadd.s32 v19, v31  }
0x464: {  	vm11 =	vlt.s32 v31, v20;
	v31 =	vshll.u32 v59, $0x7  }
0x465: {  	v31 =	vor.u32 v28, v31;
	_ =	sdelay $0x4  }
0x466: {  	[tilespmem:v31+s24+$0x0] =	vst.idx.msk vm11, v23  }
0x467: {  	v31 =	vld [tilespmem:s17+$0x60];
	_ =	sdelay $0x4  }
0x468: {  	v60 =	vsub.s32 v31, v18  }
0x469: {  	vm12 =	vge.s32 v31, v18;
	v31 =	vshll.u32 v60, $0x7  }
0x46a: {  	v31 =	vor.u32 v29, v31;
	_ =	sdelay $0x4  }
0x46b: {  	[tilespmem:v31+s24+$0x0] =	vst.idx.msk vm12, v23  }
0x46c: {  	v31 =	vld [tilespmem:s17+$0xE0];
	_ =	sdelay $0x4  }
0x46d: {  	v61 =	vadd.s32 v19, v31  }
0x46e: {  	vm13 =	vlt.s32 v31, v20;
	v31 =	vshll.u32 v61, $0x7  }
0x46f: {  	v31 =	vor.u32 v29, v31;
	_ =	sdelay $0x4  }
0x470: {  	[tilespmem:v31+s24+$0x0] =	vst.idx.msk vm13, v23  }
0x471: {  	v31 =	vld [tilespmem:s17+$0x70];
	_ =	sdelay $0x4  }
0x472: {  	v62 =	vsub.s32 v31, v18  }
0x473: {  	vm14 =	vge.s32 v31, v18;
	v31 =	vshll.u32 v62, $0x7  }
0x474: {  	v31 =	vor.u32 v30, v31;
	_ =	sdelay $0x4  }
0x475: {  	[tilespmem:v31+s24+$0x0] =	vst.idx.msk vm14, v23  }
0x476: {  	v31 =	vld [tilespmem:s17+$0xF0];
	_ =	sdelay $0x4  }
0x477: {  	v63 =	vadd.s32 v19, v31  }
0x478: {  	vm15 =	vlt.s32 v31, v20;
	v31 =	vshll.u32 v63, $0x7  }
0x479: {  	v31 =	vor.u32 v30, v31;
	_ =	sdelay $0x4  }
0x47a: {  	s29 =	sadd.s32 $0x1, s29;
	[tilespmem:v31+s24+$0x0] =	vst.idx.msk vm15, v23  }
0x47b: {  	[hbm4b:s18+s20] =	stream.strided.scatter [tilespmem:s24], [sflag:$0x1], $0x3400, s21, s20, $0x38;
	[tilespmem:$0x7800] =	vst v63  }
0x47c: {  	p0 =	sne.s32 s29, s19;
	_ =	swait.ge [sflag:s28], $0x3400  }
.Ltmp2:
0x47d: {  	[sflag:s28] =	ssyncset.done $0x0;
	(pc) =	sbr.rel @p0 .LBB2_1-.Ltmp2, $4  }
0x47e: {  	[sflag:s28] =	ssyncadd.s32 $0xFFFFCC00  }
0x47f: {  	_ =	swait.ge [sflag:s26], $0x3400  }
0x480: {  	[sflag:s26] =	ssyncset.done $0x0  }
0x481: {  	[sflag:s26] =	ssyncadd.s32 $0xFFFFCC00  }
0x482: {  	_ =	sfence.sel $0x180000  }
0x483: {  	[bflag:$0x0] =	sbarrier.arrive $0xFFFF  }
0x484: {  	p0 =	sne.s32 s1, $0x0;
	_ =	strace $0x90000047  }
0x485: {  	s0 =	sadd.s32 @!p0 $0x100000, s0;
	[bflag:$0x2] =	sbarrier.arrive $0xFFFF  }
0x486: {  	[sflag:s0] =	ssyncadd.tile.s32 @!p0 $0x1;
	_ =	shalt  }
.Lfunc_end2:
_tile_overlayer_lowered:
.L_overlay_start_2:
0x487: {  	(tag) =	ssettag $0x2  }
0x488: {  	s0 =	rddreg [dreg:$0x0];
	s2 =	stileid.u32  }
0x489: {  	s1 =	rddreg [dreg:$0x1];
	p0 =	sne.s32 s2, $0x0  }
0x48a: {  	s3 =	rddreg [dreg:$0x2];
	[bflag:$0x3] =	sbarrier.arrive $0xFFFF;
	s2 =	simm.s32 @!p0 $0x1C04  }
0x48b: {  	[timem:s3], [sflag:s2] =	dma.local @!p0 [hbm:s0], s1  }
0x48c: {  	s0 =	simm.s32 @!p0 $0x4  }
0x48d: {  	_ =	swait.ge @!p0 [sflag:s0], s1  }
0x48e: {  	s1 =	ssub.s32 @!p0 $0x0, s1;
	[sflag:s0] =	ssyncset.done @!p0 $0x0  }
0x48f: {  	[sflag:s0] =	ssyncadd.s32 @!p0 s1  }
0x490: {  	[bflag:$0x3] =	sbarrier.arrive $0xFFFF  }
0x491: {  	_ =	shalt  }

</sc_bundles>
